<compile_context>
chip_gen: v7x
topology: tpu7x:2x2x1
jax: 0.10.2.dev20260603
libtpu: 0.0.44.dev20260713+nightly
codegen_flags: <defaults>
</compile_context>

<pallas_src>
import functools

import jax
import jax.numpy as jnp
from jax import lax
from jax.experimental import pallas as pl
from jax.experimental.pallas import tpu as pltpu
from jax.experimental.pallas import tpu_sc as plsc

N = 10000
D = 128
E = 320000
HID = 128
OUT = 128

NC = 2
NS = 16
NW = NC * NS
C = 80
CPW = E // C // NW
NQUAD = (CPW - 1) // 4

BLK = 2000


def _pq_body(x_ref, wc_ref, bc_ref, p_ref, q_ref):
    acc = jnp.dot(x_ref[...], wc_ref[...], preferred_element_type=jnp.float32)
    acc = acc + bc_ref[...]
    p_ref[...] = acc[:, :HID]
    q_ref[...] = acc[:, HID:]


def _make_pq(x, wc, bc):
    return pl.pallas_call(
        _pq_body,
        grid=(N // BLK,),
        in_specs=[
            pl.BlockSpec((BLK, D), lambda i: (i, 0)),
            pl.BlockSpec((D, 2 * HID), lambda i: (0, 0)),
            pl.BlockSpec((1, 2 * HID), lambda i: (0, 0)),
        ],
        out_specs=[
            pl.BlockSpec((BLK, HID), lambda i: (i, 0)),
            pl.BlockSpec((BLK, HID), lambda i: (i, 0)),
        ],
        out_shape=[
            jax.ShapeDtypeStruct((N, HID), jnp.float32),
            jax.ShapeDtypeStruct((N, HID), jnp.float32),
        ],
    )(x, wc, bc)


_sc_mesh = plsc.VectorSubcoreMesh(core_axis_name="c", subcore_axis_name="s")


@functools.partial(
    pl.kernel,
    out_type=jax.ShapeDtypeStruct((NC * N, HID), jnp.float32),
    mesh=_sc_mesh,
    scratch_types=[
        pltpu.VMEM((C, HID), jnp.float32),
        pltpu.VMEM((C, HID), jnp.float32),
        pltpu.VMEM((C, HID), jnp.float32),
        pltpu.VMEM((C, HID), jnp.float32),
        pltpu.VMEM((2, C), jnp.int32),
        pltpu.VMEM((2, C), jnp.int32),
        pltpu.VMEM((2, C), jnp.int32),
        pltpu.VMEM((2, C), jnp.int32),
        pltpu.VMEM_SHARED((N, HID), jnp.float32),
        pltpu.SemaphoreType.DMA,
        pltpu.SemaphoreType.DMA,
        pltpu.SemaphoreType.DMA,
        pltpu.SemaphoreType.DMA,
        pltpu.SemaphoreType.DMA,
        pltpu.SemaphoreType.DMA,
        pltpu.SemaphoreType.DMA,
        pltpu.SemaphoreType.DMA,
        pltpu.SemaphoreType.DMA,
        pltpu.SemaphoreType.DMA,
    ],
)
def _sc_edges(p_hbm, q_hbm, idx_hbm, out_hbm,
              qa, pa, qb, pb,
              xa1, xa2, xb1, xb2, s_acc,
              sqa, spa, sqb, spb, sca, scb, ia1, ia2, ib1, ib2):
    cid = lax.axis_index("c")
    sid = lax.axis_index("s")
    wid = cid * NS + sid
    cbase = wid * CPW

    zero = jnp.zeros((16,), jnp.float32)

    @plsc.parallel_loop(0, C, 1, unroll=2)
    def _zero_row(r):
        for j in range(HID // 16):
            pa[r, pl.ds(j * 16, 16)] = zero

    for k in range(7):
        pltpu.sync_copy(pa.at[pl.ds(0, C)],
                        s_acc.at[pl.ds(sid * 624 + k * C, C)])
    pltpu.sync_copy(pa.at[pl.ds(0, 64)],
                    s_acc.at[pl.ds(sid * 624 + 7 * C, 64)])

    @pl.when(sid == 0)
    def _zero_tail():
        pltpu.sync_copy(pa.at[pl.ds(0, 16)], s_acc.at[pl.ds(9984, 16)])

    plsc.subcore_barrier()

    def _idx_load(c, xbuf, sem):
        pltpu.async_copy(idx_hbm.at[cbase + c], xbuf, sem)

    def _idx_wait(c, xbuf, sem):
        pltpu.make_async_copy(idx_hbm.at[cbase + c], xbuf, sem).wait()

    def _gather(xbuf, qbuf, pbuf, sq, sp):
        pltpu.async_copy(q_hbm.at[xbuf.at[0]], qbuf, sq)
        pltpu.async_copy(p_hbm.at[xbuf.at[1]], pbuf, sp)

    def _gather_wait(xbuf, qbuf, pbuf, sq, sp):
        pltpu.make_async_copy(q_hbm.at[xbuf.at[0]], qbuf, sq).wait()
        pltpu.make_async_copy(p_hbm.at[xbuf.at[1]], pbuf, sp).wait()

    def _compute(qbuf, pbuf):
        @plsc.parallel_loop(0, C, 1, unroll=4)
        def _row(r):
            for j in range(HID // 16):
                sl = pl.ds(j * 16, 16)
                pbuf[r, sl] = jnp.maximum(pbuf[r, sl] + qbuf[r, sl], 0.0)

    def _scatter(pbuf, dbuf, sem):
        pltpu.async_copy(pbuf, s_acc.at[dbuf], sem, add=True)

    def _scatter_wait(pbuf, dbuf, sem):
        pltpu.make_async_copy(pbuf, s_acc.at[dbuf], sem).wait()

    _idx_load(0, xa1, ia1)
    _idx_load(1, xb1, ib1)
    _idx_wait(0, xa1, ia1)
    _idx_wait(1, xb1, ib1)
    _gather(xa1, qa, pa, sqa, spa)
    _gather(xb1, qb, pb, sqb, spb)
    _idx_load(2, xa2, ia2)
    _idx_load(3, xb2, ib2)

    def _quad(t, carry):
        d0 = 4 * t

        _gather_wait(xa1, qa, pa, sqa, spa)
        _compute(qa, pa)
        _scatter(pa, xa1.at[1], sca)
        _gather_wait(xb1, qb, pb, sqb, spb)
        _compute(qb, pb)
        _scatter(pb, xb1.at[1], scb)
        _scatter_wait(pa, xa1.at[1], sca)
        _idx_wait(d0 + 2, xa2, ia2)
        _gather(xa2, qa, pa, sqa, spa)
        _idx_load(d0 + 4, xa1, ia1)
        _scatter_wait(pb, xb1.at[1], scb)
        _idx_wait(d0 + 3, xb2, ib2)
        _gather(xb2, qb, pb, sqb, spb)

        @pl.when(t < NQUAD - 1)
        def _():
            _idx_load(d0 + 5, xb1, ib1)

        _gather_wait(xa2, qa, pa, sqa, spa)
        _compute(qa, pa)
        _scatter(pa, xa2.at[1], sca)
        _gather_wait(xb2, qb, pb, sqb, spb)
        _compute(qb, pb)
        _scatter(pb, xb2.at[1], scb)
        _scatter_wait(pa, xa2.at[1], sca)
        _idx_wait(d0 + 4, xa1, ia1)
        _gather(xa1, qa, pa, sqa, spa)
        _scatter_wait(pb, xb2.at[1], scb)

        @pl.when(t < NQUAD - 1)
        def _():
            _idx_wait(d0 + 5, xb1, ib1)
            _gather(xb1, qb, pb, sqb, spb)
            _idx_load(d0 + 6, xa2, ia2)
            _idx_load(d0 + 7, xb2, ib2)

        return carry

    lax.fori_loop(0, NQUAD, _quad, 0)

    _gather_wait(xa1, qa, pa, sqa, spa)
    _compute(qa, pa)
    _scatter(pa, xa1.at[1], sca)
    _scatter_wait(pa, xa1.at[1], sca)

    plsc.subcore_barrier()

    pltpu.sync_copy(
        s_acc.at[pl.ds(sid * 624, 624)],
        out_hbm.at[pl.ds(cid * N + sid * 624, 624)])

    @pl.when(sid == 0)
    def _copy_tail():
        pltpu.sync_copy(s_acc.at[pl.ds(9984, 16)],
                        out_hbm.at[pl.ds(cid * N + 9984, 16)])


def _out_body(s_ref, w2_ref, o_ref):
    s = s_ref[0] + s_ref[1]
    o_ref[...] = jnp.dot(s, w2_ref[...], preferred_element_type=jnp.float32)


def _make_out(s2, w2):
    return pl.pallas_call(
        _out_body,
        grid=(N // BLK,),
        in_specs=[
            pl.BlockSpec((2, BLK, HID), lambda i: (0, i, 0)),
            pl.BlockSpec((HID, OUT), lambda i: (0, 0)),
        ],
        out_specs=pl.BlockSpec((BLK, OUT), lambda i: (i, 0)),
        out_shape=jax.ShapeDtypeStruct((N, OUT), jnp.float32),
    )(s2, w2)


def kernel(x, edge_index, W1, b1, W2, b2):
    w1a = W1[:D]
    w1b = W1[D:]
    wc = jnp.concatenate([w1a - w1b, w1b], axis=1)
    bc = jnp.concatenate([b1, jnp.zeros_like(b1)]).reshape(1, 2 * HID)
    p, q = _make_pq(x, wc, bc)

    idx2 = jnp.stack([edge_index[0].reshape(E // C, C),
                      edge_index[1].reshape(E // C, C)], axis=1)
    s_parts = _sc_edges(p, q, idx2)

    s2 = s_parts.reshape(NC, N, HID)
    return _make_out(s2, W2)

# --- scband reference (transcript-rebuilt; emitter-appended) ---
"""Pipeline reference for scband-efn-10943576670835 (READ-ONLY COPY).

The authoritative reference and input builder live on the scoring server;
editing this copy changes nothing except your own understanding.
"""

import jax, jax.numpy as jnp
import numpy as np

N = 10000
D = 128
E = 320000
HID = 128
OUT = 128


def setup_inputs(seed: int = 0) -> dict:
    key = jax.random.key(seed)
    k1, k2, k3, k4, k5, k6 = jax.random.split(key, 6)
    x = jax.random.normal(k1, (N, D), dtype=jnp.float32)
    edge_index = jax.random.randint(k2, (2, E), 0, N).astype(jnp.int32)
    # EdgeConv-style nn: MLP(2*D -> HID -> OUT) with ReLU, as in PTConv(nn=nn, aggr='add')
    W1 = jax.random.normal(k3, (2 * D, HID), dtype=jnp.float32) * (1.0 / np.sqrt(2 * D))
    b1 = jnp.zeros((HID,), dtype=jnp.float32)
    W2 = jax.random.normal(k4, (HID, OUT), dtype=jnp.float32) * (1.0 / np.sqrt(HID))
    b2 = jnp.zeros((OUT,), dtype=jnp.float32)
    return {"x": x, "edge_index": edge_index, "W1": W1, "b1": b1, "W2": W2, "b2": b2}


def reference(x, edge_index, W1, b1, W2, b2):
    # PTConv / EdgeConv-style message passing with aggr='add':
    #   message(x_i, x_j) = nn(cat([x_i, x_j - x_i], dim=-1))
    #   out_i = sum_{j in N(i)} message(x_i, x_j)
    src = edge_index[0]  # source node j
    dst = edge_index[1]  # target node i
    x_j = jnp.take(x, src, axis=0)
    x_i = jnp.take(x, dst, axis=0)
    m_in = jnp.concatenate([x_i, x_j - x_i], axis=-1)
    h = jax.nn.relu(m_in @ W1 + b1)
    msg = h @ W2 + b2
    out = jax.ops.segment_sum(msg, dst, num_segments=N)
    return out

if __name__ == "__main__":
    import jax
    _d = setup_inputs()
    print(jax.jit(kernel)(*tuple(_d.values())))

</pallas_src>

<mosaic_0001>
#map = affine_map<(d0, d1) -> (0, 0)>
#map1 = affine_map<(d0, d1) -> (0, 0, 0)>
module attributes {stable_mosaic.version = 14 : i64} {
  func.func @_sc_edges(%arg0: i32, %arg1: i32, %arg2: memref<10000x128xf32, #tpu.memory_space<hbm>>, %arg3: memref<10000x128xf32, #tpu.memory_space<hbm>>, %arg4: memref<4000x2x80xi32, #tpu.memory_space<hbm>>, %arg5: memref<20000x128xf32, #tpu.memory_space<hbm>>, %arg6: memref<80x128xf32, #tpu.memory_space<vmem>>, %arg7: memref<80x128xf32, #tpu.memory_space<vmem>>, %arg8: memref<80x128xf32, #tpu.memory_space<vmem>>, %arg9: memref<80x128xf32, #tpu.memory_space<vmem>>, %arg10: memref<2x80xi32, #tpu.memory_space<vmem>>, %arg11: memref<2x80xi32, #tpu.memory_space<vmem>>, %arg12: memref<2x80xi32, #tpu.memory_space<vmem>>, %arg13: memref<2x80xi32, #tpu.memory_space<vmem>>, %arg14: memref<10000x128xf32, #tpu.memory_space<vmem_shared>>, %arg15: memref<!tpu.dma_semaphore, #tpu.memory_space<semaphore_mem>>, %arg16: memref<!tpu.dma_semaphore, #tpu.memory_space<semaphore_mem>>, %arg17: memref<!tpu.dma_semaphore, #tpu.memory_space<semaphore_mem>>, %arg18: memref<!tpu.dma_semaphore, #tpu.memory_space<semaphore_mem>>, %arg19: memref<!tpu.dma_semaphore, #tpu.memory_space<semaphore_mem>>, %arg20: memref<!tpu.dma_semaphore, #tpu.memory_space<semaphore_mem>>, %arg21: memref<!tpu.dma_semaphore, #tpu.memory_space<semaphore_mem>>, %arg22: memref<!tpu.dma_semaphore, #tpu.memory_space<semaphore_mem>>, %arg23: memref<!tpu.dma_semaphore, #tpu.memory_space<semaphore_mem>>, %arg24: memref<!tpu.dma_semaphore, #tpu.memory_space<semaphore_mem>>) attributes {dimension_semantics = [#tpu.dimension_semantics<core_parallel>, #tpu.dimension_semantics<subcore_parallel>], iteration_bounds = array<i64: 2, 16>, scalar_prefetch = 0 : i64, scratch_operands = 19 : i64, tpu.core_type = #tpu.core_type<sc_vector_subcore>, window_params = [{transform_indices = #map}, {transform_indices = #map}, {transform_indices = #map1}, {transform_indices = #map}]} {
    %mul3A = arith.constant 16 : i32
    %mul3A_0 = arith.muli %arg0, %mul3A : i32
    %add3A = arith.addi %mul3A_0, %arg1 : i32
    %mul3A_1 = arith.constant 125 : i32
    %mul3A_2 = arith.muli %add3A, %mul3A_1 : i32
    %broadcast_in_dim3A = arith.constant 0.000000e+00 : f32
    %broadcast_in_dim3A_3 = vector.broadcast %broadcast_in_dim3A : f32 to vector<16xf32>
    %parallel_loop3A = arith.constant 0 : i32
    %parallel_loop3A_4 = arith.constant 80 : i32
    %parallel_loop3A_5 = arith.constant 1 : i32
    scf.for %parallel_loop3A_175 = %parallel_loop3A to %parallel_loop3A_4 step %parallel_loop3A_5  : i32 {
      %parallel_loop3A_176 = arith.index_cast %parallel_loop3A_175 : i32 to index
      %parallel_loop3A_177 = arith.constant 0 : index
      %parallel_loop3A_178 = tpu.vector_load %arg7[%parallel_loop3A_176, %parallel_loop3A_177] {strides = array<i32>} : memref<80x128xf32, #tpu.memory_space<vmem>>, vector<1x16xf32>,
      %parallel_loop3A_179 = vector.shape_cast %parallel_loop3A_178 : vector<1x16xf32> to vector<16xf32>
      %parallel_loop3A_180 = vector.shape_cast %broadcast_in_dim3A_3 : vector<16xf32> to vector<1x16xf32>
      tpu.vector_store %arg7[%parallel_loop3A_176, %parallel_loop3A_177], %parallel_loop3A_180 {strides = array<i32>} : memref<80x128xf32, #tpu.memory_space<vmem>>, vector<1x16xf32>,
      %parallel_loop3A_181 = arith.index_cast %parallel_loop3A_175 : i32 to index
      %parallel_loop3A_182 = arith.constant 16 : index
      %parallel_loop3A_183 = tpu.vector_load %arg7[%parallel_loop3A_181, %parallel_loop3A_182] {strides = array<i32>} : memref<80x128xf32, #tpu.memory_space<vmem>>, vector<1x16xf32>,
      %parallel_loop3A_184 = vector.shape_cast %parallel_loop3A_183 : vector<1x16xf32> to vector<16xf32>
      %parallel_loop3A_185 = vector.shape_cast %broadcast_in_dim3A_3 : vector<16xf32> to vector<1x16xf32>
      tpu.vector_store %arg7[%parallel_loop3A_181, %parallel_loop3A_182], %parallel_loop3A_185 {strides = array<i32>} : memref<80x128xf32, #tpu.memory_space<vmem>>, vector<1x16xf32>,
      %parallel_loop3A_186 = arith.index_cast %parallel_loop3A_175 : i32 to index
      %parallel_loop3A_187 = arith.constant 32 : index
      %parallel_loop3A_188 = tpu.vector_load %arg7[%parallel_loop3A_186, %parallel_loop3A_187] {strides = array<i32>} : memref<80x128xf32, #tpu.memory_space<vmem>>, vector<1x16xf32>,
      %parallel_loop3A_189 = vector.shape_cast %parallel_loop3A_188 : vector<1x16xf32> to vector<16xf32>
      %parallel_loop3A_190 = vector.shape_cast %broadcast_in_dim3A_3 : vector<16xf32> to vector<1x16xf32>
      tpu.vector_store %arg7[%parallel_loop3A_186, %parallel_loop3A_187], %parallel_loop3A_190 {strides = array<i32>} : memref<80x128xf32, #tpu.memory_space<vmem>>, vector<1x16xf32>,
      %parallel_loop3A_191 = arith.index_cast %parallel_loop3A_175 : i32 to index
      %parallel_loop3A_192 = arith.constant 48 : index
      %parallel_loop3A_193 = tpu.vector_load %arg7[%parallel_loop3A_191, %parallel_loop3A_192] {strides = array<i32>} : memref<80x128xf32, #tpu.memory_space<vmem>>, vector<1x16xf32>,
      %parallel_loop3A_194 = vector.shape_cast %parallel_loop3A_193 : vector<1x16xf32> to vector<16xf32>
      %parallel_loop3A_195 = vector.shape_cast %broadcast_in_dim3A_3 : vector<16xf32> to vector<1x16xf32>
      tpu.vector_store %arg7[%parallel_loop3A_191, %parallel_loop3A_192], %parallel_loop3A_195 {strides = array<i32>} : memref<80x128xf32, #tpu.memory_space<vmem>>, vector<1x16xf32>,
      %parallel_loop3A_196 = arith.index_cast %parallel_loop3A_175 : i32 to index
      %parallel_loop3A_197 = arith.constant 64 : index
      %parallel_loop3A_198 = tpu.vector_load %arg7[%parallel_loop3A_196, %parallel_loop3A_197] {strides = array<i32>} : memref<80x128xf32, #tpu.memory_space<vmem>>, vector<1x16xf32>,
      %parallel_loop3A_199 = vector.shape_cast %parallel_loop3A_198 : vector<1x16xf32> to vector<16xf32>
      %parallel_loop3A_200 = vector.shape_cast %broadcast_in_dim3A_3 : vector<16xf32> to vector<1x16xf32>
      tpu.vector_store %arg7[%parallel_loop3A_196, %parallel_loop3A_197], %parallel_loop3A_200 {strides = array<i32>} : memref<80x128xf32, #tpu.memory_space<vmem>>, vector<1x16xf32>,
      %parallel_loop3A_201 = arith.index_cast %parallel_loop3A_175 : i32 to index
      %parallel_loop3A_202 = arith.constant 80 : index
      %parallel_loop3A_203 = tpu.vector_load %arg7[%parallel_loop3A_201, %parallel_loop3A_202] {strides = array<i32>} : memref<80x128xf32, #tpu.memory_space<vmem>>, vector<1x16xf32>,
      %parallel_loop3A_204 = vector.shape_cast %parallel_loop3A_203 : vector<1x16xf32> to vector<16xf32>
      %parallel_loop3A_205 = vector.shape_cast %broadcast_in_dim3A_3 : vector<16xf32> to vector<1x16xf32>
      tpu.vector_store %arg7[%parallel_loop3A_201, %parallel_loop3A_202], %parallel_loop3A_205 {strides = array<i32>} : memref<80x128xf32, #tpu.memory_space<vmem>>, vector<1x16xf32>,
      %parallel_loop3A_206 = arith.index_cast %parallel_loop3A_175 : i32 to index
      %parallel_loop3A_207 = arith.constant 96 : index
      %parallel_loop3A_208 = tpu.vector_load %arg7[%parallel_loop3A_206, %parallel_loop3A_207] {strides = array<i32>} : memref<80x128xf32, #tpu.memory_space<vmem>>, vector<1x16xf32>,
      %parallel_loop3A_209 = vector.shape_cast %parallel_loop3A_208 : vector<1x16xf32> to vector<16xf32>
      %parallel_loop3A_210 = vector.shape_cast %broadcast_in_dim3A_3 : vector<16xf32> to vector<1x16xf32>
      tpu.vector_store %arg7[%parallel_loop3A_206, %parallel_loop3A_207], %parallel_loop3A_210 {strides = array<i32>} : memref<80x128xf32, #tpu.memory_space<vmem>>, vector<1x16xf32>,
      %parallel_loop3A_211 = arith.index_cast %parallel_loop3A_175 : i32 to index
      %parallel_loop3A_212 = arith.constant 112 : index
      %parallel_loop3A_213 = tpu.vector_load %arg7[%parallel_loop3A_211, %parallel_loop3A_212] {strides = array<i32>} : memref<80x128xf32, #tpu.memory_space<vmem>>, vector<1x16xf32>,
      %parallel_loop3A_214 = vector.shape_cast %parallel_loop3A_213 : vector<1x16xf32> to vector<16xf32>
      %parallel_loop3A_215 = vector.shape_cast %broadcast_in_dim3A_3 : vector<16xf32> to vector<1x16xf32>
      tpu.vector_store %arg7[%parallel_loop3A_211, %parallel_loop3A_212], %parallel_loop3A_215 {strides = array<i32>} : memref<80x128xf32, #tpu.memory_space<vmem>>, vector<1x16xf32>,
    } {sc.loop_unroll_factor = 2 : i64, sc.parallel_access}
    %mul3A_6 = arith.constant 624 : i32
    %mul3A_7 = arith.muli %arg1, %mul3A_6 : i32
    %add3A_8 = arith.constant 0 : i32
    %add3A_9 = arith.addi %mul3A_7, %add3A_8 : i32
    "tpu.region"() ({
      %run_scoped3A = tpu.sem_alloc : memref<!tpu.dma_semaphore, #tpu.memory_space<semaphore_mem>>
      %dma_start3A_175 = arith.constant 0 : i32
      %dma_start3A_176 = arith.constant 0 : i32
      %dma_start3A_177 = tpu.memref_slice %arg7[%dma_start3A_175, %dma_start3A_176] : memref<80x128xf32, #tpu.memory_space<vmem>> -> memref<80x128xf32, #tpu.memory_space<vmem>>
      %dma_start3A_178 = arith.constant 0 : i32
      %dma_start3A_179 = tpu.memref_slice %arg14[%add3A_9, %dma_start3A_178] : memref<10000x128xf32, #tpu.memory_space<vmem_shared>> -> memref<80x128xf32, #tpu.memory_space<vmem_shared>>
      %dma_start3A_180 = arith.constant 0 : i32
      %dma_start3A_181 = tpu.memref_slice %arg14[%add3A_9, %dma_start3A_180] : memref<10000x128xf32, #tpu.memory_space<vmem_shared>> -> memref<80x128xf32, #tpu.memory_space<vmem_shared>>
      %dma_start3A_182 = arith.constant 0 : i32
      %dma_start3A_183 = arith.constant 0 : i32
      %dma_start3A_184 = tpu.memref_slice %arg7[%dma_start3A_182, %dma_start3A_183] : memref<80x128xf32, #tpu.memory_space<vmem>> -> memref<80x128xf32, #tpu.memory_space<vmem>>
      tpu.enqueue_dma source(%dma_start3A_184 : memref<80x128xf32, #tpu.memory_space<vmem>>) target(%dma_start3A_181 : memref<80x128xf32, #tpu.memory_space<vmem_shared>>) target_semaphore(%run_scoped3A : memref<!tpu.dma_semaphore, #tpu.memory_space<semaphore_mem>>)
      %dma_wait3A_185 = arith.constant 0 : i32
      %dma_wait3A_186 = arith.constant 0 : i32
      %dma_wait3A_187 = tpu.memref_slice %arg7[%dma_wait3A_185, %dma_wait3A_186] : memref<80x128xf32, #tpu.memory_space<vmem>> -> memref<80x128xf32, #tpu.memory_space<vmem>>
      %dma_wait3A_188 = arith.constant 0 : i32
      %dma_wait3A_189 = tpu.memref_slice %arg14[%add3A_9, %dma_wait3A_188] : memref<10000x128xf32, #tpu.memory_space<vmem_shared>> -> memref<80x128xf32, #tpu.memory_space<vmem_shared>>
      %dma_wait3A_190 = arith.constant 0 : i32
      %dma_wait3A_191 = tpu.memref_slice %arg14[%add3A_9, %dma_wait3A_190] : memref<10000x128xf32, #tpu.memory_space<vmem_shared>> -> memref<80x128xf32, #tpu.memory_space<vmem_shared>>
      %dma_wait3A_192 = arith.constant 0 : i32
      %dma_wait3A_193 = arith.constant 0 : i32
      %dma_wait3A_194 = tpu.memref_slice %arg7[%dma_wait3A_192, %dma_wait3A_193] : memref<80x128xf32, #tpu.memory_space<vmem>> -> memref<80x128xf32, #tpu.memory_space<vmem>>
      tpu.wait_dma2 semaphore(%run_scoped3A : memref<!tpu.dma_semaphore, #tpu.memory_space<semaphore_mem>>) src(%dma_wait3A_194 : memref<80x128xf32, #tpu.memory_space<vmem>>) dst(%dma_wait3A_191 : memref<80x128xf32, #tpu.memory_space<vmem_shared>>)
      tpu.yield
    }) : () -> ()
    %mul3A_10 = arith.constant 624 : i32
    %mul3A_11 = arith.muli %arg1, %mul3A_10 : i32
    %add3A_12 = arith.constant 80 : i32
    %add3A_13 = arith.addi %mul3A_11, %add3A_12 : i32
    "tpu.region"() ({
      %run_scoped3A = tpu.sem_alloc : memref<!tpu.dma_semaphore, #tpu.memory_space<semaphore_mem>>
      %dma_start3A_175 = arith.constant 0 : i32
      %dma_start3A_176 = arith.constant 0 : i32
      %dma_start3A_177 = tpu.memref_slice %arg7[%dma_start3A_175, %dma_start3A_176] : memref<80x128xf32, #tpu.memory_space<vmem>> -> memref<80x128xf32, #tpu.memory_space<vmem>>
      %dma_start3A_178 = arith.constant 0 : i32
      %dma_start3A_179 = tpu.memref_slice %arg14[%add3A_13, %dma_start3A_178] : memref<10000x128xf32, #tpu.memory_space<vmem_shared>> -> memref<80x128xf32, #tpu.memory_space<vmem_shared>>
      %dma_start3A_180 = arith.constant 0 : i32
      %dma_start3A_181 = tpu.memref_slice %arg14[%add3A_13, %dma_start3A_180] : memref<10000x128xf32, #tpu.memory_space<vmem_shared>> -> memref<80x128xf32, #tpu.memory_space<vmem_shared>>
      %dma_start3A_182 = arith.constant 0 : i32
      %dma_start3A_183 = arith.constant 0 : i32
      %dma_start3A_184 = tpu.memref_slice %arg7[%dma_start3A_182, %dma_start3A_183] : memref<80x128xf32, #tpu.memory_space<vmem>> -> memref<80x128xf32, #tpu.memory_space<vmem>>
      tpu.enqueue_dma source(%dma_start3A_184 : memref<80x128xf32, #tpu.memory_space<vmem>>) target(%dma_start3A_181 : memref<80x128xf32, #tpu.memory_space<vmem_shared>>) target_semaphore(%run_scoped3A : memref<!tpu.dma_semaphore, #tpu.memory_space<semaphore_mem>>)
      %dma_wait3A_185 = arith.constant 0 : i32
      %dma_wait3A_186 = arith.constant 0 : i32
      %dma_wait3A_187 = tpu.memref_slice %arg7[%dma_wait3A_185, %dma_wait3A_186] : memref<80x128xf32, #tpu.memory_space<vmem>> -> memref<80x128xf32, #tpu.memory_space<vmem>>
      %dma_wait3A_188 = arith.constant 0 : i32
      %dma_wait3A_189 = tpu.memref_slice %arg14[%add3A_13, %dma_wait3A_188] : memref<10000x128xf32, #tpu.memory_space<vmem_shared>> -> memref<80x128xf32, #tpu.memory_space<vmem_shared>>
      %dma_wait3A_190 = arith.constant 0 : i32
      %dma_wait3A_191 = tpu.memref_slice %arg14[%add3A_13, %dma_wait3A_190] : memref<10000x128xf32, #tpu.memory_space<vmem_shared>> -> memref<80x128xf32, #tpu.memory_space<vmem_shared>>
      %dma_wait3A_192 = arith.constant 0 : i32
      %dma_wait3A_193 = arith.constant 0 : i32
      %dma_wait3A_194 = tpu.memref_slice %arg7[%dma_wait3A_192, %dma_wait3A_193] : memref<80x128xf32, #tpu.memory_space<vmem>> -> memref<80x128xf32, #tpu.memory_space<vmem>>
      tpu.wait_dma2 semaphore(%run_scoped3A : memref<!tpu.dma_semaphore, #tpu.memory_space<semaphore_mem>>) src(%dma_wait3A_194 : memref<80x128xf32, #tpu.memory_space<vmem>>) dst(%dma_wait3A_191 : memref<80x128xf32, #tpu.memory_space<vmem_shared>>)
      tpu.yield
    }) : () -> ()
    %mul3A_14 = arith.constant 624 : i32
    %mul3A_15 = arith.muli %arg1, %mul3A_14 : i32
    %add3A_16 = arith.constant 160 : i32
    %add3A_17 = arith.addi %mul3A_15, %add3A_16 : i32
    "tpu.region"() ({
      %run_scoped3A = tpu.sem_alloc : memref<!tpu.dma_semaphore, #tpu.memory_space<semaphore_mem>>
      %dma_start3A_175 = arith.constant 0 : i32
      %dma_start3A_176 = arith.constant 0 : i32
      %dma_start3A_177 = tpu.memref_slice %arg7[%dma_start3A_175, %dma_start3A_176] : memref<80x128xf32, #tpu.memory_space<vmem>> -> memref<80x128xf32, #tpu.memory_space<vmem>>
      %dma_start3A_178 = arith.constant 0 : i32
      %dma_start3A_179 = tpu.memref_slice %arg14[%add3A_17, %dma_start3A_178] : memref<10000x128xf32, #tpu.memory_space<vmem_shared>> -> memref<80x128xf32, #tpu.memory_space<vmem_shared>>
      %dma_start3A_180 = arith.constant 0 : i32
      %dma_start3A_181 = tpu.memref_slice %arg14[%add3A_17, %dma_start3A_180] : memref<10000x128xf32, #tpu.memory_space<vmem_shared>> -> memref<80x128xf32, #tpu.memory_space<vmem_shared>>
      %dma_start3A_182 = arith.constant 0 : i32
      %dma_start3A_183 = arith.constant 0 : i32
      %dma_start3A_184 = tpu.memref_slice %arg7[%dma_start3A_182, %dma_start3A_183] : memref<80x128xf32, #tpu.memory_space<vmem>> -> memref<80x128xf32, #tpu.memory_space<vmem>>
      tpu.enqueue_dma source(%dma_start3A_184 : memref<80x128xf32, #tpu.memory_space<vmem>>) target(%dma_start3A_181 : memref<80x128xf32, #tpu.memory_space<vmem_shared>>) target_semaphore(%run_scoped3A : memref<!tpu.dma_semaphore, #tpu.memory_space<semaphore_mem>>)
      %dma_wait3A_185 = arith.constant 0 : i32
      %dma_wait3A_186 = arith.constant 0 : i32
      %dma_wait3A_187 = tpu.memref_slice %arg7[%dma_wait3A_185, %dma_wait3A_186] : memref<80x128xf32, #tpu.memory_space<vmem>> -> memref<80x128xf32, #tpu.memory_space<vmem>>
      %dma_wait3A_188 = arith.constant 0 : i32
      %dma_wait3A_189 = tpu.memref_slice %arg14[%add3A_17, %dma_wait3A_188] : memref<10000x128xf32, #tpu.memory_space<vmem_shared>> -> memref<80x128xf32, #tpu.memory_space<vmem_shared>>
      %dma_wait3A_190 = arith.constant 0 : i32
      %dma_wait3A_191 = tpu.memref_slice %arg14[%add3A_17, %dma_wait3A_190] : memref<10000x128xf32, #tpu.memory_space<vmem_shared>> -> memref<80x128xf32, #tpu.memory_space<vmem_shared>>
      %dma_wait3A_192 = arith.constant 0 : i32
      %dma_wait3A_193 = arith.constant 0 : i32
      %dma_wait3A_194 = tpu.memref_slice %arg7[%dma_wait3A_192, %dma_wait3A_193] : memref<80x128xf32, #tpu.memory_space<vmem>> -> memref<80x128xf32, #tpu.memory_space<vmem>>
      tpu.wait_dma2 semaphore(%run_scoped3A : memref<!tpu.dma_semaphore, #tpu.memory_space<semaphore_mem>>) src(%dma_wait3A_194 : memref<80x128xf32, #tpu.memory_space<vmem>>) dst(%dma_wait3A_191 : memref<80x128xf32, #tpu.memory_space<vmem_shared>>)
      tpu.yield
    }) : () -> ()
    %mul3A_18 = arith.constant 624 : i32
    %mul3A_19 = arith.muli %arg1, %mul3A_18 : i32
    %add3A_20 = arith.constant 240 : i32
    %add3A_21 = arith.addi %mul3A_19, %add3A_20 : i32
    "tpu.region"() ({
      %run_scoped3A = tpu.sem_alloc : memref<!tpu.dma_semaphore, #tpu.memory_space<semaphore_mem>>
      %dma_start3A_175 = arith.constant 0 : i32
      %dma_start3A_176 = arith.constant 0 : i32
      %dma_start3A_177 = tpu.memref_slice %arg7[%dma_start3A_175, %dma_start3A_176] : memref<80x128xf32, #tpu.memory_space<vmem>> -> memref<80x128xf32, #tpu.memory_space<vmem>>
      %dma_start3A_178 = arith.constant 0 : i32
      %dma_start3A_179 = tpu.memref_slice %arg14[%add3A_21, %dma_start3A_178] : memref<10000x128xf32, #tpu.memory_space<vmem_shared>> -> memref<80x128xf32, #tpu.memory_space<vmem_shared>>
      %dma_start3A_180 = arith.constant 0 : i32
      %dma_start3A_181 = tpu.memref_slice %arg14[%add3A_21, %dma_start3A_180] : memref<10000x128xf32, #tpu.memory_space<vmem_shared>> -> memref<80x128xf32, #tpu.memory_space<vmem_shared>>
      %dma_start3A_182 = arith.constant 0 : i32
      %dma_start3A_183 = arith.constant 0 : i32
      %dma_start3A_184 = tpu.memref_slice %arg7[%dma_start3A_182, %dma_start3A_183] : memref<80x128xf32, #tpu.memory_space<vmem>> -> memref<80x128xf32, #tpu.memory_space<vmem>>
      tpu.enqueue_dma source(%dma_start3A_184 : memref<80x128xf32, #tpu.memory_space<vmem>>) target(%dma_start3A_181 : memref<80x128xf32, #tpu.memory_space<vmem_shared>>) target_semaphore(%run_scoped3A : memref<!tpu.dma_semaphore, #tpu.memory_space<semaphore_mem>>)
      %dma_wait3A_185 = arith.constant 0 : i32
      %dma_wait3A_186 = arith.constant 0 : i32
      %dma_wait3A_187 = tpu.memref_slice %arg7[%dma_wait3A_185, %dma_wait3A_186] : memref<80x128xf32, #tpu.memory_space<vmem>> -> memref<80x128xf32, #tpu.memory_space<vmem>>
      %dma_wait3A_188 = arith.constant 0 : i32
      %dma_wait3A_189 = tpu.memref_slice %arg14[%add3A_21, %dma_wait3A_188] : memref<10000x128xf32, #tpu.memory_space<vmem_shared>> -> memref<80x128xf32, #tpu.memory_space<vmem_shared>>
      %dma_wait3A_190 = arith.constant 0 : i32
      %dma_wait3A_191 = tpu.memref_slice %arg14[%add3A_21, %dma_wait3A_190] : memref<10000x128xf32, #tpu.memory_space<vmem_shared>> -> memref<80x128xf32, #tpu.memory_space<vmem_shared>>
      %dma_wait3A_192 = arith.constant 0 : i32
      %dma_wait3A_193 = arith.constant 0 : i32
      %dma_wait3A_194 = tpu.memref_slice %arg7[%dma_wait3A_192, %dma_wait3A_193] : memref<80x128xf32, #tpu.memory_space<vmem>> -> memref<80x128xf32, #tpu.memory_space<vmem>>
      tpu.wait_dma2 semaphore(%run_scoped3A : memref<!tpu.dma_semaphore, #tpu.memory_space<semaphore_mem>>) src(%dma_wait3A_194 : memref<80x128xf32, #tpu.memory_space<vmem>>) dst(%dma_wait3A_191 : memref<80x128xf32, #tpu.memory_space<vmem_shared>>)
      tpu.yield
    }) : () -> ()
    %mul3A_22 = arith.constant 624 : i32
    %mul3A_23 = arith.muli %arg1, %mul3A_22 : i32
    %add3A_24 = arith.constant 320 : i32
    %add3A_25 = arith.addi %mul3A_23, %add3A_24 : i32
    "tpu.region"() ({
      %run_scoped3A = tpu.sem_alloc : memref<!tpu.dma_semaphore, #tpu.memory_space<semaphore_mem>>
      %dma_start3A_175 = arith.constant 0 : i32
      %dma_start3A_176 = arith.constant 0 : i32
      %dma_start3A_177 = tpu.memref_slice %arg7[%dma_start3A_175, %dma_start3A_176] : memref<80x128xf32, #tpu.memory_space<vmem>> -> memref<80x128xf32, #tpu.memory_space<vmem>>
      %dma_start3A_178 = arith.constant 0 : i32
      %dma_start3A_179 = tpu.memref_slice %arg14[%add3A_25, %dma_start3A_178] : memref<10000x128xf32, #tpu.memory_space<vmem_shared>> -> memref<80x128xf32, #tpu.memory_space<vmem_shared>>
      %dma_start3A_180 = arith.constant 0 : i32
      %dma_start3A_181 = tpu.memref_slice %arg14[%add3A_25, %dma_start3A_180] : memref<10000x128xf32, #tpu.memory_space<vmem_shared>> -> memref<80x128xf32, #tpu.memory_space<vmem_shared>>
      %dma_start3A_182 = arith.constant 0 : i32
      %dma_start3A_183 = arith.constant 0 : i32
      %dma_start3A_184 = tpu.memref_slice %arg7[%dma_start3A_182, %dma_start3A_183] : memref<80x128xf32, #tpu.memory_space<vmem>> -> memref<80x128xf32, #tpu.memory_space<vmem>>
      tpu.enqueue_dma source(%dma_start3A_184 : memref<80x128xf32, #tpu.memory_space<vmem>>) target(%dma_start3A_181 : memref<80x128xf32, #tpu.memory_space<vmem_shared>>) target_semaphore(%run_scoped3A : memref<!tpu.dma_semaphore, #tpu.memory_space<semaphore_mem>>)
      %dma_wait3A_185 = arith.constant 0 : i32
      %dma_wait3A_186 = arith.constant 0 : i32
      %dma_wait3A_187 = tpu.memref_slice %arg7[%dma_wait3A_185, %dma_wait3A_186] : memref<80x128xf32, #tpu.memory_space<vmem>> -> memref<80x128xf32, #tpu.memory_space<vmem>>
      %dma_wait3A_188 = arith.constant 0 : i32
      %dma_wait3A_189 = tpu.memref_slice %arg14[%add3A_25, %dma_wait3A_188] : memref<10000x128xf32, #tpu.memory_space<vmem_shared>> -> memref<80x128xf32, #tpu.memory_space<vmem_shared>>
      %dma_wait3A_190 = arith.constant 0 : i32
      %dma_wait3A_191 = tpu.memref_slice %arg14[%add3A_25, %dma_wait3A_190] : memref<10000x128xf32, #tpu.memory_space<vmem_shared>> -> memref<80x128xf32, #tpu.memory_space<vmem_shared>>
      %dma_wait3A_192 = arith.constant 0 : i32
      %dma_wait3A_193 = arith.constant 0 : i32
      %dma_wait3A_194 = tpu.memref_slice %arg7[%dma_wait3A_192, %dma_wait3A_193] : memref<80x128xf32, #tpu.memory_space<vmem>> -> memref<80x128xf32, #tpu.memory_space<vmem>>
      tpu.wait_dma2 semaphore(%run_scoped3A : memref<!tpu.dma_semaphore, #tpu.memory_space<semaphore_mem>>) src(%dma_wait3A_194 : memref<80x128xf32, #tpu.memory_space<vmem>>) dst(%dma_wait3A_191 : memref<80x128xf32, #tpu.memory_space<vmem_shared>>)
      tpu.yield
    }) : () -> ()
    %mul3A_26 = arith.constant 624 : i32
    %mul3A_27 = arith.muli %arg1, %mul3A_26 : i32
    %add3A_28 = arith.constant 400 : i32
    %add3A_29 = arith.addi %mul3A_27, %add3A_28 : i32
    "tpu.region"() ({
      %run_scoped3A = tpu.sem_alloc : memref<!tpu.dma_semaphore, #tpu.memory_space<semaphore_mem>>
      %dma_start3A_175 = arith.constant 0 : i32
      %dma_start3A_176 = arith.constant 0 : i32
      %dma_start3A_177 = tpu.memref_slice %arg7[%dma_start3A_175, %dma_start3A_176] : memref<80x128xf32, #tpu.memory_space<vmem>> -> memref<80x128xf32, #tpu.memory_space<vmem>>
      %dma_start3A_178 = arith.constant 0 : i32
      %dma_start3A_179 = tpu.memref_slice %arg14[%add3A_29, %dma_start3A_178] : memref<10000x128xf32, #tpu.memory_space<vmem_shared>> -> memref<80x128xf32, #tpu.memory_space<vmem_shared>>
      %dma_start3A_180 = arith.constant 0 : i32
      %dma_start3A_181 = tpu.memref_slice %arg14[%add3A_29, %dma_start3A_180] : memref<10000x128xf32, #tpu.memory_space<vmem_shared>> -> memref<80x128xf32, #tpu.memory_space<vmem_shared>>
      %dma_start3A_182 = arith.constant 0 : i32
      %dma_start3A_183 = arith.constant 0 : i32
      %dma_start3A_184 = tpu.memref_slice %arg7[%dma_start3A_182, %dma_start3A_183] : memref<80x128xf32, #tpu.memory_space<vmem>> -> memref<80x128xf32, #tpu.memory_space<vmem>>
      tpu.enqueue_dma source(%dma_start3A_184 : memref<80x128xf32, #tpu.memory_space<vmem>>) target(%dma_start3A_181 : memref<80x128xf32, #tpu.memory_space<vmem_shared>>) target_semaphore(%run_scoped3A : memref<!tpu.dma_semaphore, #tpu.memory_space<semaphore_mem>>)
      %dma_wait3A_185 = arith.constant 0 : i32
      %dma_wait3A_186 = arith.constant 0 : i32
      %dma_wait3A_187 = tpu.memref_slice %arg7[%dma_wait3A_185, %dma_wait3A_186] : memref<80x128xf32, #tpu.memory_space<vmem>> -> memref<80x128xf32, #tpu.memory_space<vmem>>
      %dma_wait3A_188 = arith.constant 0 : i32
      %dma_wait3A_189 = tpu.memref_slice %arg14[%add3A_29, %dma_wait3A_188] : memref<10000x128xf32, #tpu.memory_space<vmem_shared>> -> memref<80x128xf32, #tpu.memory_space<vmem_shared>>
      %dma_wait3A_190 = arith.constant 0 : i32
      %dma_wait3A_191 = tpu.memref_slice %arg14[%add3A_29, %dma_wait3A_190] : memref<10000x128xf32, #tpu.memory_space<vmem_shared>> -> memref<80x128xf32, #tpu.memory_space<vmem_shared>>
      %dma_wait3A_192 = arith.constant 0 : i32
      %dma_wait3A_193 = arith.constant 0 : i32
      %dma_wait3A_194 = tpu.memref_slice %arg7[%dma_wait3A_192, %dma_wait3A_193] : memref<80x128xf32, #tpu.memory_space<vmem>> -> memref<80x128xf32, #tpu.memory_space<vmem>>
      tpu.wait_dma2 semaphore(%run_scoped3A : memref<!tpu.dma_semaphore, #tpu.memory_space<semaphore_mem>>) src(%dma_wait3A_194 : memref<80x128xf32, #tpu.memory_space<vmem>>) dst(%dma_wait3A_191 : memref<80x128xf32, #tpu.memory_space<vmem_shared>>)
      tpu.yield
    }) : () -> ()
    %mul3A_30 = arith.constant 624 : i32
    %mul3A_31 = arith.muli %arg1, %mul3A_30 : i32
    %add3A_32 = arith.constant 480 : i32
    %add3A_33 = arith.addi %mul3A_31, %add3A_32 : i32
    "tpu.region"() ({
      %run_scoped3A = tpu.sem_alloc : memref<!tpu.dma_semaphore, #tpu.memory_space<semaphore_mem>>
      %dma_start3A_175 = arith.constant 0 : i32
      %dma_start3A_176 = arith.constant 0 : i32
      %dma_start3A_177 = tpu.memref_slice %arg7[%dma_start3A_175, %dma_start3A_176] : memref<80x128xf32, #tpu.memory_space<vmem>> -> memref<80x128xf32, #tpu.memory_space<vmem>>
      %dma_start3A_178 = arith.constant 0 : i32
      %dma_start3A_179 = tpu.memref_slice %arg14[%add3A_33, %dma_start3A_178] : memref<10000x128xf32, #tpu.memory_space<vmem_shared>> -> memref<80x128xf32, #tpu.memory_space<vmem_shared>>
      %dma_start3A_180 = arith.constant 0 : i32
      %dma_start3A_181 = tpu.memref_slice %arg14[%add3A_33, %dma_start3A_180] : memref<10000x128xf32, #tpu.memory_space<vmem_shared>> -> memref<80x128xf32, #tpu.memory_space<vmem_shared>>
      %dma_start3A_182 = arith.constant 0 : i32
      %dma_start3A_183 = arith.constant 0 : i32
      %dma_start3A_184 = tpu.memref_slice %arg7[%dma_start3A_182, %dma_start3A_183] : memref<80x128xf32, #tpu.memory_space<vmem>> -> memref<80x128xf32, #tpu.memory_space<vmem>>
      tpu.enqueue_dma source(%dma_start3A_184 : memref<80x128xf32, #tpu.memory_space<vmem>>) target(%dma_start3A_181 : memref<80x128xf32, #tpu.memory_space<vmem_shared>>) target_semaphore(%run_scoped3A : memref<!tpu.dma_semaphore, #tpu.memory_space<semaphore_mem>>)
      %dma_wait3A_185 = arith.constant 0 : i32
      %dma_wait3A_186 = arith.constant 0 : i32
      %dma_wait3A_187 = tpu.memref_slice %arg7[%dma_wait3A_185, %dma_wait3A_186] : memref<80x128xf32, #tpu.memory_space<vmem>> -> memref<80x128xf32, #tpu.memory_space<vmem>>
      %dma_wait3A_188 = arith.constant 0 : i32
      %dma_wait3A_189 = tpu.memref_slice %arg14[%add3A_33, %dma_wait3A_188] : memref<10000x128xf32, #tpu.memory_space<vmem_shared>> -> memref<80x128xf32, #tpu.memory_space<vmem_shared>>
      %dma_wait3A_190 = arith.constant 0 : i32
      %dma_wait3A_191 = tpu.memref_slice %arg14[%add3A_33, %dma_wait3A_190] : memref<10000x128xf32, #tpu.memory_space<vmem_shared>> -> memref<80x128xf32, #tpu.memory_space<vmem_shared>>
      %dma_wait3A_192 = arith.constant 0 : i32
      %dma_wait3A_193 = arith.constant 0 : i32
      %dma_wait3A_194 = tpu.memref_slice %arg7[%dma_wait3A_192, %dma_wait3A_193] : memref<80x128xf32, #tpu.memory_space<vmem>> -> memref<80x128xf32, #tpu.memory_space<vmem>>
      tpu.wait_dma2 semaphore(%run_scoped3A : memref<!tpu.dma_semaphore, #tpu.memory_space<semaphore_mem>>) src(%dma_wait3A_194 : memref<80x128xf32, #tpu.memory_space<vmem>>) dst(%dma_wait3A_191 : memref<80x128xf32, #tpu.memory_space<vmem_shared>>)
      tpu.yield
    }) : () -> ()
    %mul3A_34 = arith.constant 624 : i32
    %mul3A_35 = arith.muli %arg1, %mul3A_34 : i32
    %add3A_36 = arith.constant 560 : i32
    %add3A_37 = arith.addi %mul3A_35, %add3A_36 : i32
    "tpu.region"() ({
      %run_scoped3A = tpu.sem_alloc : memref<!tpu.dma_semaphore, #tpu.memory_space<semaphore_mem>>
      %dma_start3A_175 = arith.constant 0 : i32
      %dma_start3A_176 = arith.constant 0 : i32
      %dma_start3A_177 = tpu.memref_slice %arg7[%dma_start3A_175, %dma_start3A_176] : memref<80x128xf32, #tpu.memory_space<vmem>> -> memref<64x128xf32, #tpu.memory_space<vmem>>
      %dma_start3A_178 = arith.constant 0 : i32
      %dma_start3A_179 = tpu.memref_slice %arg14[%add3A_37, %dma_start3A_178] : memref<10000x128xf32, #tpu.memory_space<vmem_shared>> -> memref<64x128xf32, #tpu.memory_space<vmem_shared>>
      %dma_start3A_180 = arith.constant 0 : i32
      %dma_start3A_181 = tpu.memref_slice %arg14[%add3A_37, %dma_start3A_180] : memref<10000x128xf32, #tpu.memory_space<vmem_shared>> -> memref<64x128xf32, #tpu.memory_space<vmem_shared>>
      %dma_start3A_182 = arith.constant 0 : i32
      %dma_start3A_183 = arith.constant 0 : i32
      %dma_start3A_184 = tpu.memref_slice %arg7[%dma_start3A_182, %dma_start3A_183] : memref<80x128xf32, #tpu.memory_space<vmem>> -> memref<64x128xf32, #tpu.memory_space<vmem>>
      tpu.enqueue_dma source(%dma_start3A_184 : memref<64x128xf32, #tpu.memory_space<vmem>>) target(%dma_start3A_181 : memref<64x128xf32, #tpu.memory_space<vmem_shared>>) target_semaphore(%run_scoped3A : memref<!tpu.dma_semaphore, #tpu.memory_space<semaphore_mem>>)
      %dma_wait3A_185 = arith.constant 0 : i32
      %dma_wait3A_186 = arith.constant 0 : i32
      %dma_wait3A_187 = tpu.memref_slice %arg7[%dma_wait3A_185, %dma_wait3A_186] : memref<80x128xf32, #tpu.memory_space<vmem>> -> memref<64x128xf32, #tpu.memory_space<vmem>>
      %dma_wait3A_188 = arith.constant 0 : i32
      %dma_wait3A_189 = tpu.memref_slice %arg14[%add3A_37, %dma_wait3A_188] : memref<10000x128xf32, #tpu.memory_space<vmem_shared>> -> memref<64x128xf32, #tpu.memory_space<vmem_shared>>
      %dma_wait3A_190 = arith.constant 0 : i32
      %dma_wait3A_191 = tpu.memref_slice %arg14[%add3A_37, %dma_wait3A_190] : memref<10000x128xf32, #tpu.memory_space<vmem_shared>> -> memref<64x128xf32, #tpu.memory_space<vmem_shared>>
      %dma_wait3A_192 = arith.constant 0 : i32
      %dma_wait3A_193 = arith.constant 0 : i32
      %dma_wait3A_194 = tpu.memref_slice %arg7[%dma_wait3A_192, %dma_wait3A_193] : memref<80x128xf32, #tpu.memory_space<vmem>> -> memref<64x128xf32, #tpu.memory_space<vmem>>
      tpu.wait_dma2 semaphore(%run_scoped3A : memref<!tpu.dma_semaphore, #tpu.memory_space<semaphore_mem>>) src(%dma_wait3A_194 : memref<64x128xf32, #tpu.memory_space<vmem>>) dst(%dma_wait3A_191 : memref<64x128xf32, #tpu.memory_space<vmem_shared>>)
      tpu.yield
    }) : () -> ()
    %eq3A = arith.constant 0 : i32
    %eq3A_38 = arith.cmpi eq, %arg1, %eq3A : i32
    %convert_element_type3A = arith.extui %eq3A_38 : i1 to i32
    %cond3A = arith.constant 0 : i32
    %cond3A_39 = arith.cmpi ne, %convert_element_type3A, %cond3A : i32
    scf.if %cond3A_39 {
      "tpu.region"() ({
        %run_scoped3A = tpu.sem_alloc : memref<!tpu.dma_semaphore, #tpu.memory_space<semaphore_mem>>
        %dma_start3A_175 = arith.constant 0 : i32
        %dma_start3A_176 = arith.constant 0 : i32
        %dma_start3A_177 = tpu.memref_slice %arg7[%dma_start3A_175, %dma_start3A_176] : memref<80x128xf32, #tpu.memory_space<vmem>> -> memref<16x128xf32, #tpu.memory_space<vmem>>
        %dma_start3A_178 = arith.constant 9984 : i32
        %dma_start3A_179 = arith.constant 0 : i32
        %dma_start3A_180 = tpu.memref_slice %arg14[%dma_start3A_178, %dma_start3A_179] : memref<10000x128xf32, #tpu.memory_space<vmem_shared>> -> memref<16x128xf32, #tpu.memory_space<vmem_shared>>
        %dma_start3A_181 = arith.constant 9984 : i32
        %dma_start3A_182 = arith.constant 0 : i32
        %dma_start3A_183 = tpu.memref_slice %arg14[%dma_start3A_181, %dma_start3A_182] : memref<10000x128xf32, #tpu.memory_space<vmem_shared>> -> memref<16x128xf32, #tpu.memory_space<vmem_shared>>
        %dma_start3A_184 = arith.constant 0 : i32
        %dma_start3A_185 = arith.constant 0 : i32
        %dma_start3A_186 = tpu.memref_slice %arg7[%dma_start3A_184, %dma_start3A_185] : memref<80x128xf32, #tpu.memory_space<vmem>> -> memref<16x128xf32, #tpu.memory_space<vmem>>
        tpu.enqueue_dma source(%dma_start3A_186 : memref<16x128xf32, #tpu.memory_space<vmem>>) target(%dma_start3A_183 : memref<16x128xf32, #tpu.memory_space<vmem_shared>>) target_semaphore(%run_scoped3A : memref<!tpu.dma_semaphore, #tpu.memory_space<semaphore_mem>>)
        %dma_wait3A_187 = arith.constant 0 : i32
        %dma_wait3A_188 = arith.constant 0 : i32
        %dma_wait3A_189 = tpu.memref_slice %arg7[%dma_wait3A_187, %dma_wait3A_188] : memref<80x128xf32, #tpu.memory_space<vmem>> -> memref<16x128xf32, #tpu.memory_space<vmem>>
        %dma_wait3A_190 = arith.constant 9984 : i32
        %dma_wait3A_191 = arith.constant 0 : i32
        %dma_wait3A_192 = tpu.memref_slice %arg14[%dma_wait3A_190, %dma_wait3A_191] : memref<10000x128xf32, #tpu.memory_space<vmem_shared>> -> memref<16x128xf32, #tpu.memory_space<vmem_shared>>
        %dma_wait3A_193 = arith.constant 9984 : i32
        %dma_wait3A_194 = arith.constant 0 : i32
        %dma_wait3A_195 = tpu.memref_slice %arg14[%dma_wait3A_193, %dma_wait3A_194] : memref<10000x128xf32, #tpu.memory_space<vmem_shared>> -> memref<16x128xf32, #tpu.memory_space<vmem_shared>>
        %dma_wait3A_196 = arith.constant 0 : i32
        %dma_wait3A_197 = arith.constant 0 : i32
        %dma_wait3A_198 = tpu.memref_slice %arg7[%dma_wait3A_196, %dma_wait3A_197] : memref<80x128xf32, #tpu.memory_space<vmem>> -> memref<16x128xf32, #tpu.memory_space<vmem>>
        tpu.wait_dma2 semaphore(%run_scoped3A : memref<!tpu.dma_semaphore, #tpu.memory_space<semaphore_mem>>) src(%dma_wait3A_198 : memref<16x128xf32, #tpu.memory_space<vmem>>) dst(%dma_wait3A_195 : memref<16x128xf32, #tpu.memory_space<vmem_shared>>)
        tpu.yield
      }) : () -> ()
    } else {
    }
    %barrier3A = arith.constant 0 : index
    tpu.barrier barrier_id(%barrier3A)
    %add3A_40 = arith.constant 0 : i32
    %add3A_41 = arith.addi %mul3A_2, %add3A_40 : i32
    %dma_start3A = arith.constant 0 : i32
    %dma_start3A_42 = arith.constant 0 : i32
    %dma_start3A_43 = tpu.memref_slice %arg4[%add3A_41, %dma_start3A, %dma_start3A_42] : memref<4000x2x80xi32, #tpu.memory_space<hbm>> -> memref<1x2x80xi32, #tpu.memory_space<hbm>>
    %dma_start3A_44 = tpu.memref_squeeze %dma_start3A_43 : memref<1x2x80xi32, #tpu.memory_space<hbm>> -> memref<2x80xi32, #tpu.memory_space<hbm>>
    %dma_start3A_45 = arith.constant 0 : i32
    %dma_start3A_46 = arith.constant 0 : i32
    %dma_start3A_47 = tpu.memref_slice %arg4[%add3A_41, %dma_start3A_45, %dma_start3A_46] : memref<4000x2x80xi32, #tpu.memory_space<hbm>> -> memref<1x2x80xi32, #tpu.memory_space<hbm>>
    %dma_start3A_48 = tpu.memref_squeeze %dma_start3A_47 : memref<1x2x80xi32, #tpu.memory_space<hbm>> -> memref<2x80xi32, #tpu.memory_space<hbm>>
    tpu.enqueue_dma source(%dma_start3A_48 : memref<2x80xi32, #tpu.memory_space<hbm>>) target(%arg10 : memref<2x80xi32, #tpu.memory_space<vmem>>) target_semaphore(%arg21 : memref<!tpu.dma_semaphore, #tpu.memory_space<semaphore_mem>>)
    %add3A_49 = arith.constant 1 : i32
    %add3A_50 = arith.addi %mul3A_2, %add3A_49 : i32
    %dma_start3A_51 = arith.constant 0 : i32
    %dma_start3A_52 = arith.constant 0 : i32
    %dma_start3A_53 = tpu.memref_slice %arg4[%add3A_50, %dma_start3A_51, %dma_start3A_52] : memref<4000x2x80xi32, #tpu.memory_space<hbm>> -> memref<1x2x80xi32, #tpu.memory_space<hbm>>
    %dma_start3A_54 = tpu.memref_squeeze %dma_start3A_53 : memref<1x2x80xi32, #tpu.memory_space<hbm>> -> memref<2x80xi32, #tpu.memory_space<hbm>>
    %dma_start3A_55 = arith.constant 0 : i32
    %dma_start3A_56 = arith.constant 0 : i32
    %dma_start3A_57 = tpu.memref_slice %arg4[%add3A_50, %dma_start3A_55, %dma_start3A_56] : memref<4000x2x80xi32, #tpu.memory_space<hbm>> -> memref<1x2x80xi32, #tpu.memory_space<hbm>>
    %dma_start3A_58 = tpu.memref_squeeze %dma_start3A_57 : memref<1x2x80xi32, #tpu.memory_space<hbm>> -> memref<2x80xi32, #tpu.memory_space<hbm>>
    tpu.enqueue_dma source(%dma_start3A_58 : memref<2x80xi32, #tpu.memory_space<hbm>>) target(%arg12 : memref<2x80xi32, #tpu.memory_space<vmem>>) target_semaphore(%arg23 : memref<!tpu.dma_semaphore, #tpu.memory_space<semaphore_mem>>)
    %add3A_59 = arith.constant 0 : i32
    %add3A_60 = arith.addi %mul3A_2, %add3A_59 : i32
    %dma_wait3A = arith.constant 0 : i32
    %dma_wait3A_61 = arith.constant 0 : i32
    %dma_wait3A_62 = tpu.memref_slice %arg4[%add3A_60, %dma_wait3A, %dma_wait3A_61] : memref<4000x2x80xi32, #tpu.memory_space<hbm>> -> memref<1x2x80xi32, #tpu.memory_space<hbm>>
    %dma_wait3A_63 = tpu.memref_squeeze %dma_wait3A_62 : memref<1x2x80xi32, #tpu.memory_space<hbm>> -> memref<2x80xi32, #tpu.memory_space<hbm>>
    %dma_wait3A_64 = arith.constant 0 : i32
    %dma_wait3A_65 = arith.constant 0 : i32
    %dma_wait3A_66 = tpu.memref_slice %arg4[%add3A_60, %dma_wait3A_64, %dma_wait3A_65] : memref<4000x2x80xi32, #tpu.memory_space<hbm>> -> memref<1x2x80xi32, #tpu.memory_space<hbm>>
    %dma_wait3A_67 = tpu.memref_squeeze %dma_wait3A_66 : memref<1x2x80xi32, #tpu.memory_space<hbm>> -> memref<2x80xi32, #tpu.memory_space<hbm>>
    tpu.wait_dma2 semaphore(%arg21 : memref<!tpu.dma_semaphore, #tpu.memory_space<semaphore_mem>>) src(%dma_wait3A_67 : memref<2x80xi32, #tpu.memory_space<hbm>>) dst(%arg10 : memref<2x80xi32, #tpu.memory_space<vmem>>)
    %add3A_68 = arith.constant 1 : i32
    %add3A_69 = arith.addi %mul3A_2, %add3A_68 : i32
    %dma_wait3A_70 = arith.constant 0 : i32
    %dma_wait3A_71 = arith.constant 0 : i32
    %dma_wait3A_72 = tpu.memref_slice %arg4[%add3A_69, %dma_wait3A_70, %dma_wait3A_71] : memref<4000x2x80xi32, #tpu.memory_space<hbm>> -> memref<1x2x80xi32, #tpu.memory_space<hbm>>
    %dma_wait3A_73 = tpu.memref_squeeze %dma_wait3A_72 : memref<1x2x80xi32, #tpu.memory_space<hbm>> -> memref<2x80xi32, #tpu.memory_space<hbm>>
    %dma_wait3A_74 = arith.constant 0 : i32
    %dma_wait3A_75 = arith.constant 0 : i32
    %dma_wait3A_76 = tpu.memref_slice %arg4[%add3A_69, %dma_wait3A_74, %dma_wait3A_75] : memref<4000x2x80xi32, #tpu.memory_space<hbm>> -> memref<1x2x80xi32, #tpu.memory_space<hbm>>
    %dma_wait3A_77 = tpu.memref_squeeze %dma_wait3A_76 : memref<1x2x80xi32, #tpu.memory_space<hbm>> -> memref<2x80xi32, #tpu.memory_space<hbm>>
    tpu.wait_dma2 semaphore(%arg23 : memref<!tpu.dma_semaphore, #tpu.memory_space<semaphore_mem>>) src(%dma_wait3A_77 : memref<2x80xi32, #tpu.memory_space<hbm>>) dst(%arg12 : memref<2x80xi32, #tpu.memory_space<vmem>>)
    %dma_start3A_78 = arith.constant 0 : i32
    %dma_start3A_79 = arith.constant 0 : i32
    %dma_start3A_80 = tpu.memref_slice %arg10[%dma_start3A_78, %dma_start3A_79] : memref<2x80xi32, #tpu.memory_space<vmem>> -> memref<1x80xi32, #tpu.memory_space<vmem>>
    %dma_start3A_81 = tpu.memref_squeeze %dma_start3A_80 : memref<1x80xi32, #tpu.memory_space<vmem>> -> memref<80xi32, #tpu.memory_space<vmem>>
    %dma_start3A_82 = arith.constant 0 : i32
    %dma_start3A_83 = arith.constant 0 : i32
    %dma_start3A_84 = tpu.memref_slice %arg3[%dma_start3A_82, %dma_start3A_83] : memref<10000x128xf32, #tpu.memory_space<hbm>> -> memref<10000x128xf32, #tpu.memory_space<hbm>>
    tpu.enqueue_indirect_dma source(%dma_start3A_84 : memref<10000x128xf32, #tpu.memory_space<hbm>>) target(%arg6 : memref<80x128xf32, #tpu.memory_space<vmem>>) offsets(%dma_start3A_81 : memref<80xi32, #tpu.memory_space<vmem>>) semaphore(%arg15 : memref<!tpu.dma_semaphore, #tpu.memory_space<semaphore_mem>>)
    %dma_start3A_85 = arith.constant 1 : i32
    %dma_start3A_86 = arith.constant 0 : i32
    %dma_start3A_87 = tpu.memref_slice %arg10[%dma_start3A_85, %dma_start3A_86] : memref<2x80xi32, #tpu.memory_space<vmem>> -> memref<1x80xi32, #tpu.memory_space<vmem>>
    %dma_start3A_88 = tpu.memref_squeeze %dma_start3A_87 : memref<1x80xi32, #tpu.memory_space<vmem>> -> memref<80xi32, #tpu.memory_space<vmem>>
    %dma_start3A_89 = arith.constant 0 : i32
    %dma_start3A_90 = arith.constant 0 : i32
    %dma_start3A_91 = tpu.memref_slice %arg2[%dma_start3A_89, %dma_start3A_90] : memref<10000x128xf32, #tpu.memory_space<hbm>> -> memref<10000x128xf32, #tpu.memory_space<hbm>>
    tpu.enqueue_indirect_dma source(%dma_start3A_91 : memref<10000x128xf32, #tpu.memory_space<hbm>>) target(%arg7 : memref<80x128xf32, #tpu.memory_space<vmem>>) offsets(%dma_start3A_88 : memref<80xi32, #tpu.memory_space<vmem>>) semaphore(%arg16 : memref<!tpu.dma_semaphore, #tpu.memory_space<semaphore_mem>>)
    %dma_start3A_92 = arith.constant 0 : i32
    %dma_start3A_93 = arith.constant 0 : i32
    %dma_start3A_94 = tpu.memref_slice %arg12[%dma_start3A_92, %dma_start3A_93] : memref<2x80xi32, #tpu.memory_space<vmem>> -> memref<1x80xi32, #tpu.memory_space<vmem>>
    %dma_start3A_95 = tpu.memref_squeeze %dma_start3A_94 : memref<1x80xi32, #tpu.memory_space<vmem>> -> memref<80xi32, #tpu.memory_space<vmem>>
    %dma_start3A_96 = arith.constant 0 : i32
    %dma_start3A_97 = arith.constant 0 : i32
    %dma_start3A_98 = tpu.memref_slice %arg3[%dma_start3A_96, %dma_start3A_97] : memref<10000x128xf32, #tpu.memory_space<hbm>> -> memref<10000x128xf32, #tpu.memory_space<hbm>>
    tpu.enqueue_indirect_dma source(%dma_start3A_98 : memref<10000x128xf32, #tpu.memory_space<hbm>>) target(%arg8 : memref<80x128xf32, #tpu.memory_space<vmem>>) offsets(%dma_start3A_95 : memref<80xi32, #tpu.memory_space<vmem>>) semaphore(%arg17 : memref<!tpu.dma_semaphore, #tpu.memory_space<semaphore_mem>>)
    %dma_start3A_99 = arith.constant 1 : i32
    %dma_start3A_100 = arith.constant 0 : i32
    %dma_start3A_101 = tpu.memref_slice %arg12[%dma_start3A_99, %dma_start3A_100] : memref<2x80xi32, #tpu.memory_space<vmem>> -> memref<1x80xi32, #tpu.memory_space<vmem>>
    %dma_start3A_102 = tpu.memref_squeeze %dma_start3A_101 : memref<1x80xi32, #tpu.memory_space<vmem>> -> memref<80xi32, #tpu.memory_space<vmem>>
    %dma_start3A_103 = arith.constant 0 : i32
    %dma_start3A_104 = arith.constant 0 : i32
    %dma_start3A_105 = tpu.memref_slice %arg2[%dma_start3A_103, %dma_start3A_104] : memref<10000x128xf32, #tpu.memory_space<hbm>> -> memref<10000x128xf32, #tpu.memory_space<hbm>>
    tpu.enqueue_indirect_dma source(%dma_start3A_105 : memref<10000x128xf32, #tpu.memory_space<hbm>>) target(%arg9 : memref<80x128xf32, #tpu.memory_space<vmem>>) offsets(%dma_start3A_102 : memref<80xi32, #tpu.memory_space<vmem>>) semaphore(%arg18 : memref<!tpu.dma_semaphore, #tpu.memory_space<semaphore_mem>>)
    %add3A_106 = arith.constant 2 : i32
    %add3A_107 = arith.addi %mul3A_2, %add3A_106 : i32
    %dma_start3A_108 = arith.constant 0 : i32
    %dma_start3A_109 = arith.constant 0 : i32
    %dma_start3A_110 = tpu.memref_slice %arg4[%add3A_107, %dma_start3A_108, %dma_start3A_109] : memref<4000x2x80xi32, #tpu.memory_space<hbm>> -> memref<1x2x80xi32, #tpu.memory_space<hbm>>
    %dma_start3A_111 = tpu.memref_squeeze %dma_start3A_110 : memref<1x2x80xi32, #tpu.memory_space<hbm>> -> memref<2x80xi32, #tpu.memory_space<hbm>>
    %dma_start3A_112 = arith.constant 0 : i32
    %dma_start3A_113 = arith.constant 0 : i32
    %dma_start3A_114 = tpu.memref_slice %arg4[%add3A_107, %dma_start3A_112, %dma_start3A_113] : memref<4000x2x80xi32, #tpu.memory_space<hbm>> -> memref<1x2x80xi32, #tpu.memory_space<hbm>>
    %dma_start3A_115 = tpu.memref_squeeze %dma_start3A_114 : memref<1x2x80xi32, #tpu.memory_space<hbm>> -> memref<2x80xi32, #tpu.memory_space<hbm>>
    tpu.enqueue_dma source(%dma_start3A_115 : memref<2x80xi32, #tpu.memory_space<hbm>>) target(%arg11 : memref<2x80xi32, #tpu.memory_space<vmem>>) target_semaphore(%arg22 : memref<!tpu.dma_semaphore, #tpu.memory_space<semaphore_mem>>)
    %add3A_116 = arith.constant 3 : i32
    %add3A_117 = arith.addi %mul3A_2, %add3A_116 : i32
    %dma_start3A_118 = arith.constant 0 : i32
    %dma_start3A_119 = arith.constant 0 : i32
    %dma_start3A_120 = tpu.memref_slice %arg4[%add3A_117, %dma_start3A_118, %dma_start3A_119] : memref<4000x2x80xi32, #tpu.memory_space<hbm>> -> memref<1x2x80xi32, #tpu.memory_space<hbm>>
    %dma_start3A_121 = tpu.memref_squeeze %dma_start3A_120 : memref<1x2x80xi32, #tpu.memory_space<hbm>> -> memref<2x80xi32, #tpu.memory_space<hbm>>
    %dma_start3A_122 = arith.constant 0 : i32
    %dma_start3A_123 = arith.constant 0 : i32
    %dma_start3A_124 = tpu.memref_slice %arg4[%add3A_117, %dma_start3A_122, %dma_start3A_123] : memref<4000x2x80xi32, #tpu.memory_space<hbm>> -> memref<1x2x80xi32, #tpu.memory_space<hbm>>
    %dma_start3A_125 = tpu.memref_squeeze %dma_start3A_124 : memref<1x2x80xi32, #tpu.memory_space<hbm>> -> memref<2x80xi32, #tpu.memory_space<hbm>>
    tpu.enqueue_dma source(%dma_start3A_125 : memref<2x80xi32, #tpu.memory_space<hbm>>) target(%arg13 : memref<2x80xi32, #tpu.memory_space<vmem>>) target_semaphore(%arg24 : memref<!tpu.dma_semaphore, #tpu.memory_space<semaphore_mem>>)
    %scan3A = arith.constant 0 : i32
    %scan3A_126 = arith.constant 0 : i32
    %scan3A_127 = arith.constant 31 : i32
    %scan3A_128 = arith.addi %scan3A_126, %scan3A_127 : i32
    %scan3A_129 = arith.constant 1 : i32
    scf.for %scan3A_175 = %scan3A_126 to %scan3A_128 step %scan3A_129  : i32 {
      %mul3A_176 = arith.constant 4 : i32
      %mul3A_177 = arith.muli %mul3A_176, %scan3A_175 : i32
      %dma_wait3A_178 = arith.constant 0 : i32
      %dma_wait3A_179 = arith.constant 0 : i32
      %dma_wait3A_180 = tpu.memref_slice %arg10[%dma_wait3A_178, %dma_wait3A_179] : memref<2x80xi32, #tpu.memory_space<vmem>> -> memref<1x80xi32, #tpu.memory_space<vmem>>
      %dma_wait3A_181 = tpu.memref_squeeze %dma_wait3A_180 : memref<1x80xi32, #tpu.memory_space<vmem>> -> memref<80xi32, #tpu.memory_space<vmem>>
      %dma_wait3A_182 = arith.constant 0 : i32
      %dma_wait3A_183 = arith.constant 0 : i32
      %dma_wait3A_184 = tpu.memref_slice %arg3[%dma_wait3A_182, %dma_wait3A_183] : memref<10000x128xf32, #tpu.memory_space<hbm>> -> memref<10000x128xf32, #tpu.memory_space<hbm>>
      tpu.wait_indirect_dma semaphore(%arg15 : memref<!tpu.dma_semaphore, #tpu.memory_space<semaphore_mem>>) src(%dma_wait3A_184 : memref<10000x128xf32, #tpu.memory_space<hbm>>) dst(%arg6 : memref<80x128xf32, #tpu.memory_space<vmem>>)
      %dma_wait3A_185 = arith.constant 1 : i32
      %dma_wait3A_186 = arith.constant 0 : i32
      %dma_wait3A_187 = tpu.memref_slice %arg10[%dma_wait3A_185, %dma_wait3A_186] : memref<2x80xi32, #tpu.memory_space<vmem>> -> memref<1x80xi32, #tpu.memory_space<vmem>>
      %dma_wait3A_188 = tpu.memref_squeeze %dma_wait3A_187 : memref<1x80xi32, #tpu.memory_space<vmem>> -> memref<80xi32, #tpu.memory_space<vmem>>
      %dma_wait3A_189 = arith.constant 0 : i32
      %dma_wait3A_190 = arith.constant 0 : i32
      %dma_wait3A_191 = tpu.memref_slice %arg2[%dma_wait3A_189, %dma_wait3A_190] : memref<10000x128xf32, #tpu.memory_space<hbm>> -> memref<10000x128xf32, #tpu.memory_space<hbm>>
      tpu.wait_indirect_dma semaphore(%arg16 : memref<!tpu.dma_semaphore, #tpu.memory_space<semaphore_mem>>) src(%dma_wait3A_191 : memref<10000x128xf32, #tpu.memory_space<hbm>>) dst(%arg7 : memref<80x128xf32, #tpu.memory_space<vmem>>)
      %parallel_loop3A_192 = arith.constant 0 : i32
      %parallel_loop3A_193 = arith.constant 80 : i32
      %parallel_loop3A_194 = arith.constant 1 : i32
      scf.for %parallel_loop3A_397 = %parallel_loop3A_192 to %parallel_loop3A_193 step %parallel_loop3A_194  : i32 {
        %parallel_loop3A_398 = arith.index_cast %parallel_loop3A_397 : i32 to index
        %parallel_loop3A_399 = arith.constant 0 : index
        %parallel_loop3A_400 = tpu.vector_load %arg7[%parallel_loop3A_398, %parallel_loop3A_399] {strides = array<i32>} : memref<80x128xf32, #tpu.memory_space<vmem>>, vector<1x16xf32>,
        %parallel_loop3A_401 = vector.shape_cast %parallel_loop3A_400 : vector<1x16xf32> to vector<16xf32>
        %parallel_loop3A_402 = arith.index_cast %parallel_loop3A_397 : i32 to index
        %parallel_loop3A_403 = arith.constant 0 : index
        %parallel_loop3A_404 = tpu.vector_load %arg6[%parallel_loop3A_402, %parallel_loop3A_403] {strides = array<i32>} : memref<80x128xf32, #tpu.memory_space<vmem>>, vector<1x16xf32>,
        %parallel_loop3A_405 = vector.shape_cast %parallel_loop3A_404 : vector<1x16xf32> to vector<16xf32>
        %parallel_loop3A_406 = arith.addf %parallel_loop3A_401, %parallel_loop3A_405 : vector<16xf32>
        %parallel_loop3A_407 = arith.constant 0.000000e+00 : f32
        %parallel_loop3A_408 = vector.broadcast %parallel_loop3A_407 : f32 to vector<16xf32>
        %parallel_loop3A_409 = arith.maximumf %parallel_loop3A_406, %parallel_loop3A_408 : vector<16xf32>
        %parallel_loop3A_410 = arith.index_cast %parallel_loop3A_397 : i32 to index
        %parallel_loop3A_411 = arith.constant 0 : index
        %parallel_loop3A_412 = tpu.vector_load %arg7[%parallel_loop3A_410, %parallel_loop3A_411] {strides = array<i32>} : memref<80x128xf32, #tpu.memory_space<vmem>>, vector<1x16xf32>,
        %parallel_loop3A_413 = vector.shape_cast %parallel_loop3A_412 : vector<1x16xf32> to vector<16xf32>
        %parallel_loop3A_414 = vector.shape_cast %parallel_loop3A_409 : vector<16xf32> to vector<1x16xf32>
        tpu.vector_store %arg7[%parallel_loop3A_410, %parallel_loop3A_411], %parallel_loop3A_414 {strides = array<i32>} : memref<80x128xf32, #tpu.memory_space<vmem>>, vector<1x16xf32>,
        %parallel_loop3A_415 = arith.index_cast %parallel_loop3A_397 : i32 to index
        %parallel_loop3A_416 = arith.constant 16 : index
        %parallel_loop3A_417 = tpu.vector_load %arg7[%parallel_loop3A_415, %parallel_loop3A_416] {strides = array<i32>} : memref<80x128xf32, #tpu.memory_space<vmem>>, vector<1x16xf32>,
        %parallel_loop3A_418 = vector.shape_cast %parallel_loop3A_417 : vector<1x16xf32> to vector<16xf32>
        %parallel_loop3A_419 = arith.index_cast %parallel_loop3A_397 : i32 to index
        %parallel_loop3A_420 = arith.constant 16 : index
        %parallel_loop3A_421 = tpu.vector_load %arg6[%parallel_loop3A_419, %parallel_loop3A_420] {strides = array<i32>} : memref<80x128xf32, #tpu.memory_space<vmem>>, vector<1x16xf32>,
        %parallel_loop3A_422 = vector.shape_cast %parallel_loop3A_421 : vector<1x16xf32> to vector<16xf32>
        %parallel_loop3A_423 = arith.addf %parallel_loop3A_418, %parallel_loop3A_422 : vector<16xf32>
        %parallel_loop3A_424 = arith.constant 0.000000e+00 : f32
        %parallel_loop3A_425 = vector.broadcast %parallel_loop3A_424 : f32 to vector<16xf32>
        %parallel_loop3A_426 = arith.maximumf %parallel_loop3A_423, %parallel_loop3A_425 : vector<16xf32>
        %parallel_loop3A_427 = arith.index_cast %parallel_loop3A_397 : i32 to index
        %parallel_loop3A_428 = arith.constant 16 : index
        %parallel_loop3A_429 = tpu.vector_load %arg7[%parallel_loop3A_427, %parallel_loop3A_428] {strides = array<i32>} : memref<80x128xf32, #tpu.memory_space<vmem>>, vector<1x16xf32>,
        %parallel_loop3A_430 = vector.shape_cast %parallel_loop3A_429 : vector<1x16xf32> to vector<16xf32>
        %parallel_loop3A_431 = vector.shape_cast %parallel_loop3A_426 : vector<16xf32> to vector<1x16xf32>
        tpu.vector_store %arg7[%parallel_loop3A_427, %parallel_loop3A_428], %parallel_loop3A_431 {strides = array<i32>} : memref<80x128xf32, #tpu.memory_space<vmem>>, vector<1x16xf32>,
        %parallel_loop3A_432 = arith.index_cast %parallel_loop3A_397 : i32 to index
        %parallel_loop3A_433 = arith.constant 32 : index
        %parallel_loop3A_434 = tpu.vector_load %arg7[%parallel_loop3A_432, %parallel_loop3A_433] {strides = array<i32>} : memref<80x128xf32, #tpu.memory_space<vmem>>, vector<1x16xf32>,
        %parallel_loop3A_435 = vector.shape_cast %parallel_loop3A_434 : vector<1x16xf32> to vector<16xf32>
        %parallel_loop3A_436 = arith.index_cast %parallel_loop3A_397 : i32 to index
        %parallel_loop3A_437 = arith.constant 32 : index
        %parallel_loop3A_438 = tpu.vector_load %arg6[%parallel_loop3A_436, %parallel_loop3A_437] {strides = array<i32>} : memref<80x128xf32, #tpu.memory_space<vmem>>, vector<1x16xf32>,
        %parallel_loop3A_439 = vector.shape_cast %parallel_loop3A_438 : vector<1x16xf32> to vector<16xf32>
        %parallel_loop3A_440 = arith.addf %parallel_loop3A_435, %parallel_loop3A_439 : vector<16xf32>
        %parallel_loop3A_441 = arith.constant 0.000000e+00 : f32
        %parallel_loop3A_442 = vector.broadcast %parallel_loop3A_441 : f32 to vector<16xf32>
        %parallel_loop3A_443 = arith.maximumf %parallel_loop3A_440, %parallel_loop3A_442 : vector<16xf32>
        %parallel_loop3A_444 = arith.index_cast %parallel_loop3A_397 : i32 to index
        %parallel_loop3A_445 = arith.constant 32 : index
        %parallel_loop3A_446 = tpu.vector_load %arg7[%parallel_loop3A_444, %parallel_loop3A_445] {strides = array<i32>} : memref<80x128xf32, #tpu.memory_space<vmem>>, vector<1x16xf32>,
        %parallel_loop3A_447 = vector.shape_cast %parallel_loop3A_446 : vector<1x16xf32> to vector<16xf32>
        %parallel_loop3A_448 = vector.shape_cast %parallel_loop3A_443 : vector<16xf32> to vector<1x16xf32>
        tpu.vector_store %arg7[%parallel_loop3A_444, %parallel_loop3A_445], %parallel_loop3A_448 {strides = array<i32>} : memref<80x128xf32, #tpu.memory_space<vmem>>, vector<1x16xf32>,
        %parallel_loop3A_449 = arith.index_cast %parallel_loop3A_397 : i32 to index
        %parallel_loop3A_450 = arith.constant 48 : index
        %parallel_loop3A_451 = tpu.vector_load %arg7[%parallel_loop3A_449, %parallel_loop3A_450] {strides = array<i32>} : memref<80x128xf32, #tpu.memory_space<vmem>>, vector<1x16xf32>,
        %parallel_loop3A_452 = vector.shape_cast %parallel_loop3A_451 : vector<1x16xf32> to vector<16xf32>
        %parallel_loop3A_453 = arith.index_cast %parallel_loop3A_397 : i32 to index
        %parallel_loop3A_454 = arith.constant 48 : index
        %parallel_loop3A_455 = tpu.vector_load %arg6[%parallel_loop3A_453, %parallel_loop3A_454] {strides = array<i32>} : memref<80x128xf32, #tpu.memory_space<vmem>>, vector<1x16xf32>,
        %parallel_loop3A_456 = vector.shape_cast %parallel_loop3A_455 : vector<1x16xf32> to vector<16xf32>
        %parallel_loop3A_457 = arith.addf %parallel_loop3A_452, %parallel_loop3A_456 : vector<16xf32>
        %parallel_loop3A_458 = arith.constant 0.000000e+00 : f32
        %parallel_loop3A_459 = vector.broadcast %parallel_loop3A_458 : f32 to vector<16xf32>
        %parallel_loop3A_460 = arith.maximumf %parallel_loop3A_457, %parallel_loop3A_459 : vector<16xf32>
        %parallel_loop3A_461 = arith.index_cast %parallel_loop3A_397 : i32 to index
        %parallel_loop3A_462 = arith.constant 48 : index
        %parallel_loop3A_463 = tpu.vector_load %arg7[%parallel_loop3A_461, %parallel_loop3A_462] {strides = array<i32>} : memref<80x128xf32, #tpu.memory_space<vmem>>, vector<1x16xf32>,
        %parallel_loop3A_464 = vector.shape_cast %parallel_loop3A_463 : vector<1x16xf32> to vector<16xf32>
        %parallel_loop3A_465 = vector.shape_cast %parallel_loop3A_460 : vector<16xf32> to vector<1x16xf32>
        tpu.vector_store %arg7[%parallel_loop3A_461, %parallel_loop3A_462], %parallel_loop3A_465 {strides = array<i32>} : memref<80x128xf32, #tpu.memory_space<vmem>>, vector<1x16xf32>,
        %parallel_loop3A_466 = arith.index_cast %parallel_loop3A_397 : i32 to index
        %parallel_loop3A_467 = arith.constant 64 : index
        %parallel_loop3A_468 = tpu.vector_load %arg7[%parallel_loop3A_466, %parallel_loop3A_467] {strides = array<i32>} : memref<80x128xf32, #tpu.memory_space<vmem>>, vector<1x16xf32>,
        %parallel_loop3A_469 = vector.shape_cast %parallel_loop3A_468 : vector<1x16xf32> to vector<16xf32>
        %parallel_loop3A_470 = arith.index_cast %parallel_loop3A_397 : i32 to index
        %parallel_loop3A_471 = arith.constant 64 : index
        %parallel_loop3A_472 = tpu.vector_load %arg6[%parallel_loop3A_470, %parallel_loop3A_471] {strides = array<i32>} : memref<80x128xf32, #tpu.memory_space<vmem>>, vector<1x16xf32>,
        %parallel_loop3A_473 = vector.shape_cast %parallel_loop3A_472 : vector<1x16xf32> to vector<16xf32>
        %parallel_loop3A_474 = arith.addf %parallel_loop3A_469, %parallel_loop3A_473 : vector<16xf32>
        %parallel_loop3A_475 = arith.constant 0.000000e+00 : f32
        %parallel_loop3A_476 = vector.broadcast %parallel_loop3A_475 : f32 to vector<16xf32>
        %parallel_loop3A_477 = arith.maximumf %parallel_loop3A_474, %parallel_loop3A_476 : vector<16xf32>
        %parallel_loop3A_478 = arith.index_cast %parallel_loop3A_397 : i32 to index
        %parallel_loop3A_479 = arith.constant 64 : index
        %parallel_loop3A_480 = tpu.vector_load %arg7[%parallel_loop3A_478, %parallel_loop3A_479] {strides = array<i32>} : memref<80x128xf32, #tpu.memory_space<vmem>>, vector<1x16xf32>,
        %parallel_loop3A_481 = vector.shape_cast %parallel_loop3A_480 : vector<1x16xf32> to vector<16xf32>
        %parallel_loop3A_482 = vector.shape_cast %parallel_loop3A_477 : vector<16xf32> to vector<1x16xf32>
        tpu.vector_store %arg7[%parallel_loop3A_478, %parallel_loop3A_479], %parallel_loop3A_482 {strides = array<i32>} : memref<80x128xf32, #tpu.memory_space<vmem>>, vector<1x16xf32>,
        %parallel_loop3A_483 = arith.index_cast %parallel_loop3A_397 : i32 to index
        %parallel_loop3A_484 = arith.constant 80 : index
        %parallel_loop3A_485 = tpu.vector_load %arg7[%parallel_loop3A_483, %parallel_loop3A_484] {strides = array<i32>} : memref<80x128xf32, #tpu.memory_space<vmem>>, vector<1x16xf32>,
        %parallel_loop3A_486 = vector.shape_cast %parallel_loop3A_485 : vector<1x16xf32> to vector<16xf32>
        %parallel_loop3A_487 = arith.index_cast %parallel_loop3A_397 : i32 to index
        %parallel_loop3A_488 = arith.constant 80 : index
        %parallel_loop3A_489 = tpu.vector_load %arg6[%parallel_loop3A_487, %parallel_loop3A_488] {strides = array<i32>} : memref<80x128xf32, #tpu.memory_space<vmem>>, vector<1x16xf32>,
        %parallel_loop3A_490 = vector.shape_cast %parallel_loop3A_489 : vector<1x16xf32> to vector<16xf32>
        %parallel_loop3A_491 = arith.addf %parallel_loop3A_486, %parallel_loop3A_490 : vector<16xf32>
        %parallel_loop3A_492 = arith.constant 0.000000e+00 : f32
        %parallel_loop3A_493 = vector.broadcast %parallel_loop3A_492 : f32 to vector<16xf32>
        %parallel_loop3A_494 = arith.maximumf %parallel_loop3A_491, %parallel_loop3A_493 : vector<16xf32>
        %parallel_loop3A_495 = arith.index_cast %parallel_loop3A_397 : i32 to index
        %parallel_loop3A_496 = arith.constant 80 : index
        %parallel_loop3A_497 = tpu.vector_load %arg7[%parallel_loop3A_495, %parallel_loop3A_496] {strides = array<i32>} : memref<80x128xf32, #tpu.memory_space<vmem>>, vector<1x16xf32>,
        %parallel_loop3A_498 = vector.shape_cast %parallel_loop3A_497 : vector<1x16xf32> to vector<16xf32>
        %parallel_loop3A_499 = vector.shape_cast %parallel_loop3A_494 : vector<16xf32> to vector<1x16xf32>
        tpu.vector_store %arg7[%parallel_loop3A_495, %parallel_loop3A_496], %parallel_loop3A_499 {strides = array<i32>} : memref<80x128xf32, #tpu.memory_space<vmem>>, vector<1x16xf32>,
        %parallel_loop3A_500 = arith.index_cast %parallel_loop3A_397 : i32 to index
        %parallel_loop3A_501 = arith.constant 96 : index
        %parallel_loop3A_502 = tpu.vector_load %arg7[%parallel_loop3A_500, %parallel_loop3A_501] {strides = array<i32>} : memref<80x128xf32, #tpu.memory_space<vmem>>, vector<1x16xf32>,
        %parallel_loop3A_503 = vector.shape_cast %parallel_loop3A_502 : vector<1x16xf32> to vector<16xf32>
        %parallel_loop3A_504 = arith.index_cast %parallel_loop3A_397 : i32 to index
        %parallel_loop3A_505 = arith.constant 96 : index
        %parallel_loop3A_506 = tpu.vector_load %arg6[%parallel_loop3A_504, %parallel_loop3A_505] {strides = array<i32>} : memref<80x128xf32, #tpu.memory_space<vmem>>, vector<1x16xf32>,
        %parallel_loop3A_507 = vector.shape_cast %parallel_loop3A_506 : vector<1x16xf32> to vector<16xf32>
        %parallel_loop3A_508 = arith.addf %parallel_loop3A_503, %parallel_loop3A_507 : vector<16xf32>
        %parallel_loop3A_509 = arith.constant 0.000000e+00 : f32
        %parallel_loop3A_510 = vector.broadcast %parallel_loop3A_509 : f32 to vector<16xf32>
        %parallel_loop3A_511 = arith.maximumf %parallel_loop3A_508, %parallel_loop3A_510 : vector<16xf32>
        %parallel_loop3A_512 = arith.index_cast %parallel_loop3A_397 : i32 to index
        %parallel_loop3A_513 = arith.constant 96 : index
        %parallel_loop3A_514 = tpu.vector_load %arg7[%parallel_loop3A_512, %parallel_loop3A_513] {strides = array<i32>} : memref<80x128xf32, #tpu.memory_space<vmem>>, vector<1x16xf32>,
        %parallel_loop3A_515 = vector.shape_cast %parallel_loop3A_514 : vector<1x16xf32> to vector<16xf32>
        %parallel_loop3A_516 = vector.shape_cast %parallel_loop3A_511 : vector<16xf32> to vector<1x16xf32>
        tpu.vector_store %arg7[%parallel_loop3A_512, %parallel_loop3A_513], %parallel_loop3A_516 {strides = array<i32>} : memref<80x128xf32, #tpu.memory_space<vmem>>, vector<1x16xf32>,
        %parallel_loop3A_517 = arith.index_cast %parallel_loop3A_397 : i32 to index
        %parallel_loop3A_518 = arith.constant 112 : index
        %parallel_loop3A_519 = tpu.vector_load %arg7[%parallel_loop3A_517, %parallel_loop3A_518] {strides = array<i32>} : memref<80x128xf32, #tpu.memory_space<vmem>>, vector<1x16xf32>,
        %parallel_loop3A_520 = vector.shape_cast %parallel_loop3A_519 : vector<1x16xf32> to vector<16xf32>
        %parallel_loop3A_521 = arith.index_cast %parallel_loop3A_397 : i32 to index
        %parallel_loop3A_522 = arith.constant 112 : index
        %parallel_loop3A_523 = tpu.vector_load %arg6[%parallel_loop3A_521, %parallel_loop3A_522] {strides = array<i32>} : memref<80x128xf32, #tpu.memory_space<vmem>>, vector<1x16xf32>,
        %parallel_loop3A_524 = vector.shape_cast %parallel_loop3A_523 : vector<1x16xf32> to vector<16xf32>
        %parallel_loop3A_525 = arith.addf %parallel_loop3A_520, %parallel_loop3A_524 : vector<16xf32>
        %parallel_loop3A_526 = arith.constant 0.000000e+00 : f32
        %parallel_loop3A_527 = vector.broadcast %parallel_loop3A_526 : f32 to vector<16xf32>
        %parallel_loop3A_528 = arith.maximumf %parallel_loop3A_525, %parallel_loop3A_527 : vector<16xf32>
        %parallel_loop3A_529 = arith.index_cast %parallel_loop3A_397 : i32 to index
        %parallel_loop3A_530 = arith.constant 112 : index
        %parallel_loop3A_531 = tpu.vector_load %arg7[%parallel_loop3A_529, %parallel_loop3A_530] {strides = array<i32>} : memref<80x128xf32, #tpu.memory_space<vmem>>, vector<1x16xf32>,
        %parallel_loop3A_532 = vector.shape_cast %parallel_loop3A_531 : vector<1x16xf32> to vector<16xf32>
        %parallel_loop3A_533 = vector.shape_cast %parallel_loop3A_528 : vector<16xf32> to vector<1x16xf32>
        tpu.vector_store %arg7[%parallel_loop3A_529, %parallel_loop3A_530], %parallel_loop3A_533 {strides = array<i32>} : memref<80x128xf32, #tpu.memory_space<vmem>>, vector<1x16xf32>,
      } {sc.loop_unroll_factor = 4 : i64, sc.parallel_access}
      %dma_start3A_195 = arith.constant 1 : i32
      %dma_start3A_196 = arith.constant 0 : i32
      %dma_start3A_197 = tpu.memref_slice %arg10[%dma_start3A_195, %dma_start3A_196] : memref<2x80xi32, #tpu.memory_space<vmem>> -> memref<1x80xi32, #tpu.memory_space<vmem>>
      %dma_start3A_198 = tpu.memref_squeeze %dma_start3A_197 : memref<1x80xi32, #tpu.memory_space<vmem>> -> memref<80xi32, #tpu.memory_space<vmem>>
      %dma_start3A_199 = arith.constant 0 : i32
      %dma_start3A_200 = arith.constant 0 : i32
      %dma_start3A_201 = tpu.memref_slice %arg14[%dma_start3A_199, %dma_start3A_200] : memref<10000x128xf32, #tpu.memory_space<vmem_shared>> -> memref<10000x128xf32, #tpu.memory_space<vmem_shared>>
      tpu.enqueue_indirect_dma source(%arg7 : memref<80x128xf32, #tpu.memory_space<vmem>>) target(%dma_start3A_201 : memref<10000x128xf32, #tpu.memory_space<vmem_shared>>) offsets(%dma_start3A_198 : memref<80xi32, #tpu.memory_space<vmem>>) semaphore(%arg19 : memref<!tpu.dma_semaphore, #tpu.memory_space<semaphore_mem>>) {add = true}
      %dma_wait3A_202 = arith.constant 0 : i32
      %dma_wait3A_203 = arith.constant 0 : i32
      %dma_wait3A_204 = tpu.memref_slice %arg12[%dma_wait3A_202, %dma_wait3A_203] : memref<2x80xi32, #tpu.memory_space<vmem>> -> memref<1x80xi32, #tpu.memory_space<vmem>>
      %dma_wait3A_205 = tpu.memref_squeeze %dma_wait3A_204 : memref<1x80xi32, #tpu.memory_space<vmem>> -> memref<80xi32, #tpu.memory_space<vmem>>
      %dma_wait3A_206 = arith.constant 0 : i32
      %dma_wait3A_207 = arith.constant 0 : i32
      %dma_wait3A_208 = tpu.memref_slice %arg3[%dma_wait3A_206, %dma_wait3A_207] : memref<10000x128xf32, #tpu.memory_space<hbm>> -> memref<10000x128xf32, #tpu.memory_space<hbm>>
      tpu.wait_indirect_dma semaphore(%arg17 : memref<!tpu.dma_semaphore, #tpu.memory_space<semaphore_mem>>) src(%dma_wait3A_208 : memref<10000x128xf32, #tpu.memory_space<hbm>>) dst(%arg8 : memref<80x128xf32, #tpu.memory_space<vmem>>)
      %dma_wait3A_209 = arith.constant 1 : i32
      %dma_wait3A_210 = arith.constant 0 : i32
      %dma_wait3A_211 = tpu.memref_slice %arg12[%dma_wait3A_209, %dma_wait3A_210] : memref<2x80xi32, #tpu.memory_space<vmem>> -> memref<1x80xi32, #tpu.memory_space<vmem>>
      %dma_wait3A_212 = tpu.memref_squeeze %dma_wait3A_211 : memref<1x80xi32, #tpu.memory_space<vmem>> -> memref<80xi32, #tpu.memory_space<vmem>>
      %dma_wait3A_213 = arith.constant 0 : i32
      %dma_wait3A_214 = arith.constant 0 : i32
      %dma_wait3A_215 = tpu.memref_slice %arg2[%dma_wait3A_213, %dma_wait3A_214] : memref<10000x128xf32, #tpu.memory_space<hbm>> -> memref<10000x128xf32, #tpu.memory_space<hbm>>
      tpu.wait_indirect_dma semaphore(%arg18 : memref<!tpu.dma_semaphore, #tpu.memory_space<semaphore_mem>>) src(%dma_wait3A_215 : memref<10000x128xf32, #tpu.memory_space<hbm>>) dst(%arg9 : memref<80x128xf32, #tpu.memory_space<vmem>>)
      %parallel_loop3A_216 = arith.constant 0 : i32
      %parallel_loop3A_217 = arith.constant 80 : i32
      %parallel_loop3A_218 = arith.constant 1 : i32
      scf.for %parallel_loop3A_397 = %parallel_loop3A_216 to %parallel_loop3A_217 step %parallel_loop3A_218  : i32 {
        %parallel_loop3A_398 = arith.index_cast %parallel_loop3A_397 : i32 to index
        %parallel_loop3A_399 = arith.constant 0 : index
        %parallel_loop3A_400 = tpu.vector_load %arg9[%parallel_loop3A_398, %parallel_loop3A_399] {strides = array<i32>} : memref<80x128xf32, #tpu.memory_space<vmem>>, vector<1x16xf32>,
        %parallel_loop3A_401 = vector.shape_cast %parallel_loop3A_400 : vector<1x16xf32> to vector<16xf32>
        %parallel_loop3A_402 = arith.index_cast %parallel_loop3A_397 : i32 to index
        %parallel_loop3A_403 = arith.constant 0 : index
        %parallel_loop3A_404 = tpu.vector_load %arg8[%parallel_loop3A_402, %parallel_loop3A_403] {strides = array<i32>} : memref<80x128xf32, #tpu.memory_space<vmem>>, vector<1x16xf32>,
        %parallel_loop3A_405 = vector.shape_cast %parallel_loop3A_404 : vector<1x16xf32> to vector<16xf32>
        %parallel_loop3A_406 = arith.addf %parallel_loop3A_401, %parallel_loop3A_405 : vector<16xf32>
        %parallel_loop3A_407 = arith.constant 0.000000e+00 : f32
        %parallel_loop3A_408 = vector.broadcast %parallel_loop3A_407 : f32 to vector<16xf32>
        %parallel_loop3A_409 = arith.maximumf %parallel_loop3A_406, %parallel_loop3A_408 : vector<16xf32>
        %parallel_loop3A_410 = arith.index_cast %parallel_loop3A_397 : i32 to index
        %parallel_loop3A_411 = arith.constant 0 : index
        %parallel_loop3A_412 = tpu.vector_load %arg9[%parallel_loop3A_410, %parallel_loop3A_411] {strides = array<i32>} : memref<80x128xf32, #tpu.memory_space<vmem>>, vector<1x16xf32>,
        %parallel_loop3A_413 = vector.shape_cast %parallel_loop3A_412 : vector<1x16xf32> to vector<16xf32>
        %parallel_loop3A_414 = vector.shape_cast %parallel_loop3A_409 : vector<16xf32> to vector<1x16xf32>
        tpu.vector_store %arg9[%parallel_loop3A_410, %parallel_loop3A_411], %parallel_loop3A_414 {strides = array<i32>} : memref<80x128xf32, #tpu.memory_space<vmem>>, vector<1x16xf32>,
        %parallel_loop3A_415 = arith.index_cast %parallel_loop3A_397 : i32 to index
        %parallel_loop3A_416 = arith.constant 16 : index
        %parallel_loop3A_417 = tpu.vector_load %arg9[%parallel_loop3A_415, %parallel_loop3A_416] {strides = array<i32>} : memref<80x128xf32, #tpu.memory_space<vmem>>, vector<1x16xf32>,
        %parallel_loop3A_418 = vector.shape_cast %parallel_loop3A_417 : vector<1x16xf32> to vector<16xf32>
        %parallel_loop3A_419 = arith.index_cast %parallel_loop3A_397 : i32 to index
        %parallel_loop3A_420 = arith.constant 16 : index
        %parallel_loop3A_421 = tpu.vector_load %arg8[%parallel_loop3A_419, %parallel_loop3A_420] {strides = array<i32>} : memref<80x128xf32, #tpu.memory_space<vmem>>, vector<1x16xf32>,
        %parallel_loop3A_422 = vector.shape_cast %parallel_loop3A_421 : vector<1x16xf32> to vector<16xf32>
        %parallel_loop3A_423 = arith.addf %parallel_loop3A_418, %parallel_loop3A_422 : vector<16xf32>
        %parallel_loop3A_424 = arith.constant 0.000000e+00 : f32
        %parallel_loop3A_425 = vector.broadcast %parallel_loop3A_424 : f32 to vector<16xf32>
        %parallel_loop3A_426 = arith.maximumf %parallel_loop3A_423, %parallel_loop3A_425 : vector<16xf32>
        %parallel_loop3A_427 = arith.index_cast %parallel_loop3A_397 : i32 to index
        %parallel_loop3A_428 = arith.constant 16 : index
        %parallel_loop3A_429 = tpu.vector_load %arg9[%parallel_loop3A_427, %parallel_loop3A_428] {strides = array<i32>} : memref<80x128xf32, #tpu.memory_space<vmem>>, vector<1x16xf32>,
        %parallel_loop3A_430 = vector.shape_cast %parallel_loop3A_429 : vector<1x16xf32> to vector<16xf32>
        %parallel_loop3A_431 = vector.shape_cast %parallel_loop3A_426 : vector<16xf32> to vector<1x16xf32>
        tpu.vector_store %arg9[%parallel_loop3A_427, %parallel_loop3A_428], %parallel_loop3A_431 {strides = array<i32>} : memref<80x128xf32, #tpu.memory_space<vmem>>, vector<1x16xf32>,
        %parallel_loop3A_432 = arith.index_cast %parallel_loop3A_397 : i32 to index
        %parallel_loop3A_433 = arith.constant 32 : index
        %parallel_loop3A_434 = tpu.vector_load %arg9[%parallel_loop3A_432, %parallel_loop3A_433] {strides = array<i32>} : memref<80x128xf32, #tpu.memory_space<vmem>>, vector<1x16xf32>,
        %parallel_loop3A_435 = vector.shape_cast %parallel_loop3A_434 : vector<1x16xf32> to vector<16xf32>
        %parallel_loop3A_436 = arith.index_cast %parallel_loop3A_397 : i32 to index
        %parallel_loop3A_437 = arith.constant 32 : index
        %parallel_loop3A_438 = tpu.vector_load %arg8[%parallel_loop3A_436, %parallel_loop3A_437] {strides = array<i32>} : memref<80x128xf32, #tpu.memory_space<vmem>>, vector<1x16xf32>,
        %parallel_loop3A_439 = vector.shape_cast %parallel_loop3A_438 : vector<1x16xf32> to vector<16xf32>
        %parallel_loop3A_440 = arith.addf %parallel_loop3A_435, %parallel_loop3A_439 : vector<16xf32>
        %parallel_loop3A_441 = arith.constant 0.000000e+00 : f32
        %parallel_loop3A_442 = vector.broadcast %parallel_loop3A_441 : f32 to vector<16xf32>
        %parallel_loop3A_443 = arith.maximumf %parallel_loop3A_440, %parallel_loop3A_442 : vector<16xf32>
        %parallel_loop3A_444 = arith.index_cast %parallel_loop3A_397 : i32 to index
        %parallel_loop3A_445 = arith.constant 32 : index
        %parallel_loop3A_446 = tpu.vector_load %arg9[%parallel_loop3A_444, %parallel_loop3A_445] {strides = array<i32>} : memref<80x128xf32, #tpu.memory_space<vmem>>, vector<1x16xf32>,
        %parallel_loop3A_447 = vector.shape_cast %parallel_loop3A_446 : vector<1x16xf32> to vector<16xf32>
        %parallel_loop3A_448 = vector.shape_cast %parallel_loop3A_443 : vector<16xf32> to vector<1x16xf32>
        tpu.vector_store %arg9[%parallel_loop3A_444, %parallel_loop3A_445], %parallel_loop3A_448 {strides = array<i32>} : memref<80x128xf32, #tpu.memory_space<vmem>>, vector<1x16xf32>,
        %parallel_loop3A_449 = arith.index_cast %parallel_loop3A_397 : i32 to index
        %parallel_loop3A_450 = arith.constant 48 : index
        %parallel_loop3A_451 = tpu.vector_load %arg9[%parallel_loop3A_449, %parallel_loop3A_450] {strides = array<i32>} : memref<80x128xf32, #tpu.memory_space<vmem>>, vector<1x16xf32>,
        %parallel_loop3A_452 = vector.shape_cast %parallel_loop3A_451 : vector<1x16xf32> to vector<16xf32>
        %parallel_loop3A_453 = arith.index_cast %parallel_loop3A_397 : i32 to index
        %parallel_loop3A_454 = arith.constant 48 : index
        %parallel_loop3A_455 = tpu.vector_load %arg8[%parallel_loop3A_453, %parallel_loop3A_454] {strides = array<i32>} : memref<80x128xf32, #tpu.memory_space<vmem>>, vector<1x16xf32>,
        %parallel_loop3A_456 = vector.shape_cast %parallel_loop3A_455 : vector<1x16xf32> to vector<16xf32>
        %parallel_loop3A_457 = arith.addf %parallel_loop3A_452, %parallel_loop3A_456 : vector<16xf32>
        %parallel_loop3A_458 = arith.constant 0.000000e+00 : f32
        %parallel_loop3A_459 = vector.broadcast %parallel_loop3A_458 : f32 to vector<16xf32>
        %parallel_loop3A_460 = arith.maximumf %parallel_loop3A_457, %parallel_loop3A_459 : vector<16xf32>
        %parallel_loop3A_461 = arith.index_cast %parallel_loop3A_397 : i32 to index
        %parallel_loop3A_462 = arith.constant 48 : index
        %parallel_loop3A_463 = tpu.vector_load %arg9[%parallel_loop3A_461, %parallel_loop3A_462] {strides = array<i32>} : memref<80x128xf32, #tpu.memory_space<vmem>>, vector<1x16xf32>,
        %parallel_loop3A_464 = vector.shape_cast %parallel_loop3A_463 : vector<1x16xf32> to vector<16xf32>
        %parallel_loop3A_465 = vector.shape_cast %parallel_loop3A_460 : vector<16xf32> to vector<1x16xf32>
        tpu.vector_store %arg9[%parallel_loop3A_461, %parallel_loop3A_462], %parallel_loop3A_465 {strides = array<i32>} : memref<80x128xf32, #tpu.memory_space<vmem>>, vector<1x16xf32>,
        %parallel_loop3A_466 = arith.index_cast %parallel_loop3A_397 : i32 to index
        %parallel_loop3A_467 = arith.constant 64 : index
        %parallel_loop3A_468 = tpu.vector_load %arg9[%parallel_loop3A_466, %parallel_loop3A_467] {strides = array<i32>} : memref<80x128xf32, #tpu.memory_space<vmem>>, vector<1x16xf32>,
        %parallel_loop3A_469 = vector.shape_cast %parallel_loop3A_468 : vector<1x16xf32> to vector<16xf32>
        %parallel_loop3A_470 = arith.index_cast %parallel_loop3A_397 : i32 to index
        %parallel_loop3A_471 = arith.constant 64 : index
        %parallel_loop3A_472 = tpu.vector_load %arg8[%parallel_loop3A_470, %parallel_loop3A_471] {strides = array<i32>} : memref<80x128xf32, #tpu.memory_space<vmem>>, vector<1x16xf32>,
        %parallel_loop3A_473 = vector.shape_cast %parallel_loop3A_472 : vector<1x16xf32> to vector<16xf32>
        %parallel_loop3A_474 = arith.addf %parallel_loop3A_469, %parallel_loop3A_473 : vector<16xf32>
        %parallel_loop3A_475 = arith.constant 0.000000e+00 : f32
        %parallel_loop3A_476 = vector.broadcast %parallel_loop3A_475 : f32 to vector<16xf32>
        %parallel_loop3A_477 = arith.maximumf %parallel_loop3A_474, %parallel_loop3A_476 : vector<16xf32>
        %parallel_loop3A_478 = arith.index_cast %parallel_loop3A_397 : i32 to index
        %parallel_loop3A_479 = arith.constant 64 : index
        %parallel_loop3A_480 = tpu.vector_load %arg9[%parallel_loop3A_478, %parallel_loop3A_479] {strides = array<i32>} : memref<80x128xf32, #tpu.memory_space<vmem>>, vector<1x16xf32>,
        %parallel_loop3A_481 = vector.shape_cast %parallel_loop3A_480 : vector<1x16xf32> to vector<16xf32>
        %parallel_loop3A_482 = vector.shape_cast %parallel_loop3A_477 : vector<16xf32> to vector<1x16xf32>
        tpu.vector_store %arg9[%parallel_loop3A_478, %parallel_loop3A_479], %parallel_loop3A_482 {strides = array<i32>} : memref<80x128xf32, #tpu.memory_space<vmem>>, vector<1x16xf32>,
        %parallel_loop3A_483 = arith.index_cast %parallel_loop3A_397 : i32 to index
        %parallel_loop3A_484 = arith.constant 80 : index
        %parallel_loop3A_485 = tpu.vector_load %arg9[%parallel_loop3A_483, %parallel_loop3A_484] {strides = array<i32>} : memref<80x128xf32, #tpu.memory_space<vmem>>, vector<1x16xf32>,
        %parallel_loop3A_486 = vector.shape_cast %parallel_loop3A_485 : vector<1x16xf32> to vector<16xf32>
        %parallel_loop3A_487 = arith.index_cast %parallel_loop3A_397 : i32 to index
        %parallel_loop3A_488 = arith.constant 80 : index
        %parallel_loop3A_489 = tpu.vector_load %arg8[%parallel_loop3A_487, %parallel_loop3A_488] {strides = array<i32>} : memref<80x128xf32, #tpu.memory_space<vmem>>, vector<1x16xf32>,
        %parallel_loop3A_490 = vector.shape_cast %parallel_loop3A_489 : vector<1x16xf32> to vector<16xf32>
        %parallel_loop3A_491 = arith.addf %parallel_loop3A_486, %parallel_loop3A_490 : vector<16xf32>
        %parallel_loop3A_492 = arith.constant 0.000000e+00 : f32
        %parallel_loop3A_493 = vector.broadcast %parallel_loop3A_492 : f32 to vector<16xf32>
        %parallel_loop3A_494 = arith.maximumf %parallel_loop3A_491, %parallel_loop3A_493 : vector<16xf32>
        %parallel_loop3A_495 = arith.index_cast %parallel_loop3A_397 : i32 to index
        %parallel_loop3A_496 = arith.constant 80 : index
        %parallel_loop3A_497 = tpu.vector_load %arg9[%parallel_loop3A_495, %parallel_loop3A_496] {strides = array<i32>} : memref<80x128xf32, #tpu.memory_space<vmem>>, vector<1x16xf32>,
        %parallel_loop3A_498 = vector.shape_cast %parallel_loop3A_497 : vector<1x16xf32> to vector<16xf32>
        %parallel_loop3A_499 = vector.shape_cast %parallel_loop3A_494 : vector<16xf32> to vector<1x16xf32>
        tpu.vector_store %arg9[%parallel_loop3A_495, %parallel_loop3A_496], %parallel_loop3A_499 {strides = array<i32>} : memref<80x128xf32, #tpu.memory_space<vmem>>, vector<1x16xf32>,
        %parallel_loop3A_500 = arith.index_cast %parallel_loop3A_397 : i32 to index
        %parallel_loop3A_501 = arith.constant 96 : index
        %parallel_loop3A_502 = tpu.vector_load %arg9[%parallel_loop3A_500, %parallel_loop3A_501] {strides = array<i32>} : memref<80x128xf32, #tpu.memory_space<vmem>>, vector<1x16xf32>,
        %parallel_loop3A_503 = vector.shape_cast %parallel_loop3A_502 : vector<1x16xf32> to vector<16xf32>
        %parallel_loop3A_504 = arith.index_cast %parallel_loop3A_397 : i32 to index
        %parallel_loop3A_505 = arith.constant 96 : index
        %parallel_loop3A_506 = tpu.vector_load %arg8[%parallel_loop3A_504, %parallel_loop3A_505] {strides = array<i32>} : memref<80x128xf32, #tpu.memory_space<vmem>>, vector<1x16xf32>,
        %parallel_loop3A_507 = vector.shape_cast %parallel_loop3A_506 : vector<1x16xf32> to vector<16xf32>
        %parallel_loop3A_508 = arith.addf %parallel_loop3A_503, %parallel_loop3A_507 : vector<16xf32>
        %parallel_loop3A_509 = arith.constant 0.000000e+00 : f32
        %parallel_loop3A_510 = vector.broadcast %parallel_loop3A_509 : f32 to vector<16xf32>
        %parallel_loop3A_511 = arith.maximumf %parallel_loop3A_508, %parallel_loop3A_510 : vector<16xf32>
        %parallel_loop3A_512 = arith.index_cast %parallel_loop3A_397 : i32 to index
        %parallel_loop3A_513 = arith.constant 96 : index
        %parallel_loop3A_514 = tpu.vector_load %arg9[%parallel_loop3A_512, %parallel_loop3A_513] {strides = array<i32>} : memref<80x128xf32, #tpu.memory_space<vmem>>, vector<1x16xf32>,
        %parallel_loop3A_515 = vector.shape_cast %parallel_loop3A_514 : vector<1x16xf32> to vector<16xf32>
        %parallel_loop3A_516 = vector.shape_cast %parallel_loop3A_511 : vector<16xf32> to vector<1x16xf32>
        tpu.vector_store %arg9[%parallel_loop3A_512, %parallel_loop3A_513], %parallel_loop3A_516 {strides = array<i32>} : memref<80x128xf32, #tpu.memory_space<vmem>>, vector<1x16xf32>,
        %parallel_loop3A_517 = arith.index_cast %parallel_loop3A_397 : i32 to index
        %parallel_loop3A_518 = arith.constant 112 : index
        %parallel_loop3A_519 = tpu.vector_load %arg9[%parallel_loop3A_517, %parallel_loop3A_518] {strides = array<i32>} : memref<80x128xf32, #tpu.memory_space<vmem>>, vector<1x16xf32>,
        %parallel_loop3A_520 = vector.shape_cast %parallel_loop3A_519 : vector<1x16xf32> to vector<16xf32>
        %parallel_loop3A_521 = arith.index_cast %parallel_loop3A_397 : i32 to index
        %parallel_loop3A_522 = arith.constant 112 : index
        %parallel_loop3A_523 = tpu.vector_load %arg8[%parallel_loop3A_521, %parallel_loop3A_522] {strides = array<i32>} : memref<80x128xf32, #tpu.memory_space<vmem>>, vector<1x16xf32>,
        %parallel_loop3A_524 = vector.shape_cast %parallel_loop3A_523 : vector<1x16xf32> to vector<16xf32>
        %parallel_loop3A_525 = arith.addf %parallel_loop3A_520, %parallel_loop3A_524 : vector<16xf32>
        %parallel_loop3A_526 = arith.constant 0.000000e+00 : f32
        %parallel_loop3A_527 = vector.broadcast %parallel_loop3A_526 : f32 to vector<16xf32>
        %parallel_loop3A_528 = arith.maximumf %parallel_loop3A_525, %parallel_loop3A_527 : vector<16xf32>
        %parallel_loop3A_529 = arith.index_cast %parallel_loop3A_397 : i32 to index
        %parallel_loop3A_530 = arith.constant 112 : index
        %parallel_loop3A_531 = tpu.vector_load %arg9[%parallel_loop3A_529, %parallel_loop3A_530] {strides = array<i32>} : memref<80x128xf32, #tpu.memory_space<vmem>>, vector<1x16xf32>,
        %parallel_loop3A_532 = vector.shape_cast %parallel_loop3A_531 : vector<1x16xf32> to vector<16xf32>
        %parallel_loop3A_533 = vector.shape_cast %parallel_loop3A_528 : vector<16xf32> to vector<1x16xf32>
        tpu.vector_store %arg9[%parallel_loop3A_529, %parallel_loop3A_530], %parallel_loop3A_533 {strides = array<i32>} : memref<80x128xf32, #tpu.memory_space<vmem>>, vector<1x16xf32>,
      } {sc.loop_unroll_factor = 4 : i64, sc.parallel_access}
      %dma_start3A_219 = arith.constant 1 : i32
      %dma_start3A_220 = arith.constant 0 : i32
      %dma_start3A_221 = tpu.memref_slice %arg12[%dma_start3A_219, %dma_start3A_220] : memref<2x80xi32, #tpu.memory_space<vmem>> -> memref<1x80xi32, #tpu.memory_space<vmem>>
      %dma_start3A_222 = tpu.memref_squeeze %dma_start3A_221 : memref<1x80xi32, #tpu.memory_space<vmem>> -> memref<80xi32, #tpu.memory_space<vmem>>
      %dma_start3A_223 = arith.constant 0 : i32
      %dma_start3A_224 = arith.constant 0 : i32
      %dma_start3A_225 = tpu.memref_slice %arg14[%dma_start3A_223, %dma_start3A_224] : memref<10000x128xf32, #tpu.memory_space<vmem_shared>> -> memref<10000x128xf32, #tpu.memory_space<vmem_shared>>
      tpu.enqueue_indirect_dma source(%arg9 : memref<80x128xf32, #tpu.memory_space<vmem>>) target(%dma_start3A_225 : memref<10000x128xf32, #tpu.memory_space<vmem_shared>>) offsets(%dma_start3A_222 : memref<80xi32, #tpu.memory_space<vmem>>) semaphore(%arg20 : memref<!tpu.dma_semaphore, #tpu.memory_space<semaphore_mem>>) {add = true}
      %dma_wait3A_226 = arith.constant 1 : i32
      %dma_wait3A_227 = arith.constant 0 : i32
      %dma_wait3A_228 = tpu.memref_slice %arg10[%dma_wait3A_226, %dma_wait3A_227] : memref<2x80xi32, #tpu.memory_space<vmem>> -> memref<1x80xi32, #tpu.memory_space<vmem>>
      %dma_wait3A_229 = tpu.memref_squeeze %dma_wait3A_228 : memref<1x80xi32, #tpu.memory_space<vmem>> -> memref<80xi32, #tpu.memory_space<vmem>>
      %dma_wait3A_230 = arith.constant 0 : i32
      %dma_wait3A_231 = arith.constant 0 : i32
      %dma_wait3A_232 = tpu.memref_slice %arg14[%dma_wait3A_230, %dma_wait3A_231] : memref<10000x128xf32, #tpu.memory_space<vmem_shared>> -> memref<10000x128xf32, #tpu.memory_space<vmem_shared>>
      tpu.wait_indirect_dma semaphore(%arg19 : memref<!tpu.dma_semaphore, #tpu.memory_space<semaphore_mem>>) src(%arg7 : memref<80x128xf32, #tpu.memory_space<vmem>>) dst(%dma_wait3A_232 : memref<10000x128xf32, #tpu.memory_space<vmem_shared>>)
      %add3A_233 = arith.constant 2 : i32
      %add3A_234 = arith.addi %mul3A_177, %add3A_233 : i32
      %add3A_235 = arith.addi %mul3A_2, %add3A_234 : i32
      %dma_wait3A_236 = arith.constant 0 : i32
      %dma_wait3A_237 = arith.constant 0 : i32
      %dma_wait3A_238 = tpu.memref_slice %arg4[%add3A_235, %dma_wait3A_236, %dma_wait3A_237] : memref<4000x2x80xi32, #tpu.memory_space<hbm>> -> memref<1x2x80xi32, #tpu.memory_space<hbm>>
      %dma_wait3A_239 = tpu.memref_squeeze %dma_wait3A_238 : memref<1x2x80xi32, #tpu.memory_space<hbm>> -> memref<2x80xi32, #tpu.memory_space<hbm>>
      %dma_wait3A_240 = arith.constant 0 : i32
      %dma_wait3A_241 = arith.constant 0 : i32
      %dma_wait3A_242 = tpu.memref_slice %arg4[%add3A_235, %dma_wait3A_240, %dma_wait3A_241] : memref<4000x2x80xi32, #tpu.memory_space<hbm>> -> memref<1x2x80xi32, #tpu.memory_space<hbm>>
      %dma_wait3A_243 = tpu.memref_squeeze %dma_wait3A_242 : memref<1x2x80xi32, #tpu.memory_space<hbm>> -> memref<2x80xi32, #tpu.memory_space<hbm>>
      tpu.wait_dma2 semaphore(%arg22 : memref<!tpu.dma_semaphore, #tpu.memory_space<semaphore_mem>>) src(%dma_wait3A_243 : memref<2x80xi32, #tpu.memory_space<hbm>>) dst(%arg11 : memref<2x80xi32, #tpu.memory_space<vmem>>)
      %dma_start3A_244 = arith.constant 0 : i32
      %dma_start3A_245 = arith.constant 0 : i32
      %dma_start3A_246 = tpu.memref_slice %arg11[%dma_start3A_244, %dma_start3A_245] : memref<2x80xi32, #tpu.memory_space<vmem>> -> memref<1x80xi32, #tpu.memory_space<vmem>>
      %dma_start3A_247 = tpu.memref_squeeze %dma_start3A_246 : memref<1x80xi32, #tpu.memory_space<vmem>> -> memref<80xi32, #tpu.memory_space<vmem>>
      %dma_start3A_248 = arith.constant 0 : i32
      %dma_start3A_249 = arith.constant 0 : i32
      %dma_start3A_250 = tpu.memref_slice %arg3[%dma_start3A_248, %dma_start3A_249] : memref<10000x128xf32, #tpu.memory_space<hbm>> -> memref<10000x128xf32, #tpu.memory_space<hbm>>
      tpu.enqueue_indirect_dma source(%dma_start3A_250 : memref<10000x128xf32, #tpu.memory_space<hbm>>) target(%arg6 : memref<80x128xf32, #tpu.memory_space<vmem>>) offsets(%dma_start3A_247 : memref<80xi32, #tpu.memory_space<vmem>>) semaphore(%arg15 : memref<!tpu.dma_semaphore, #tpu.memory_space<semaphore_mem>>)
      %dma_start3A_251 = arith.constant 1 : i32
      %dma_start3A_252 = arith.constant 0 : i32
      %dma_start3A_253 = tpu.memref_slice %arg11[%dma_start3A_251, %dma_start3A_252] : memref<2x80xi32, #tpu.memory_space<vmem>> -> memref<1x80xi32, #tpu.memory_space<vmem>>
      %dma_start3A_254 = tpu.memref_squeeze %dma_start3A_253 : memref<1x80xi32, #tpu.memory_space<vmem>> -> memref<80xi32, #tpu.memory_space<vmem>>
      %dma_start3A_255 = arith.constant 0 : i32
      %dma_start3A_256 = arith.constant 0 : i32
      %dma_start3A_257 = tpu.memref_slice %arg2[%dma_start3A_255, %dma_start3A_256] : memref<10000x128xf32, #tpu.memory_space<hbm>> -> memref<10000x128xf32, #tpu.memory_space<hbm>>
      tpu.enqueue_indirect_dma source(%dma_start3A_257 : memref<10000x128xf32, #tpu.memory_space<hbm>>) target(%arg7 : memref<80x128xf32, #tpu.memory_space<vmem>>) offsets(%dma_start3A_254 : memref<80xi32, #tpu.memory_space<vmem>>) semaphore(%arg16 : memref<!tpu.dma_semaphore, #tpu.memory_space<semaphore_mem>>)
      %add3A_258 = arith.constant 4 : i32
      %add3A_259 = arith.addi %mul3A_177, %add3A_258 : i32
      %add3A_260 = arith.addi %mul3A_2, %add3A_259 : i32
      %dma_start3A_261 = arith.constant 0 : i32
      %dma_start3A_262 = arith.constant 0 : i32
      %dma_start3A_263 = tpu.memref_slice %arg4[%add3A_260, %dma_start3A_261, %dma_start3A_262] : memref<4000x2x80xi32, #tpu.memory_space<hbm>> -> memref<1x2x80xi32, #tpu.memory_space<hbm>>
      %dma_start3A_264 = tpu.memref_squeeze %dma_start3A_263 : memref<1x2x80xi32, #tpu.memory_space<hbm>> -> memref<2x80xi32, #tpu.memory_space<hbm>>
      %dma_start3A_265 = arith.constant 0 : i32
      %dma_start3A_266 = arith.constant 0 : i32
      %dma_start3A_267 = tpu.memref_slice %arg4[%add3A_260, %dma_start3A_265, %dma_start3A_266] : memref<4000x2x80xi32, #tpu.memory_space<hbm>> -> memref<1x2x80xi32, #tpu.memory_space<hbm>>
      %dma_start3A_268 = tpu.memref_squeeze %dma_start3A_267 : memref<1x2x80xi32, #tpu.memory_space<hbm>> -> memref<2x80xi32, #tpu.memory_space<hbm>>
      tpu.enqueue_dma source(%dma_start3A_268 : memref<2x80xi32, #tpu.memory_space<hbm>>) target(%arg10 : memref<2x80xi32, #tpu.memory_space<vmem>>) target_semaphore(%arg21 : memref<!tpu.dma_semaphore, #tpu.memory_space<semaphore_mem>>)
      %dma_wait3A_269 = arith.constant 1 : i32
      %dma_wait3A_270 = arith.constant 0 : i32
      %dma_wait3A_271 = tpu.memref_slice %arg12[%dma_wait3A_269, %dma_wait3A_270] : memref<2x80xi32, #tpu.memory_space<vmem>> -> memref<1x80xi32, #tpu.memory_space<vmem>>
      %dma_wait3A_272 = tpu.memref_squeeze %dma_wait3A_271 : memref<1x80xi32, #tpu.memory_space<vmem>> -> memref<80xi32, #tpu.memory_space<vmem>>
      %dma_wait3A_273 = arith.constant 0 : i32
      %dma_wait3A_274 = arith.constant 0 : i32
      %dma_wait3A_275 = tpu.memref_slice %arg14[%dma_wait3A_273, %dma_wait3A_274] : memref<10000x128xf32, #tpu.memory_space<vmem_shared>> -> memref<10000x128xf32, #tpu.memory_space<vmem_shared>>
      tpu.wait_indirect_dma semaphore(%arg20 : memref<!tpu.dma_semaphore, #tpu.memory_space<semaphore_mem>>) src(%arg9 : memref<80x128xf32, #tpu.memory_space<vmem>>) dst(%dma_wait3A_275 : memref<10000x128xf32, #tpu.memory_space<vmem_shared>>)
      %add3A_276 = arith.constant 3 : i32
      %add3A_277 = arith.addi %mul3A_177, %add3A_276 : i32
      %add3A_278 = arith.addi %mul3A_2, %add3A_277 : i32
      %dma_wait3A_279 = arith.constant 0 : i32
      %dma_wait3A_280 = arith.constant 0 : i32
      %dma_wait3A_281 = tpu.memref_slice %arg4[%add3A_278, %dma_wait3A_279, %dma_wait3A_280] : memref<4000x2x80xi32, #tpu.memory_space<hbm>> -> memref<1x2x80xi32, #tpu.memory_space<hbm>>
      %dma_wait3A_282 = tpu.memref_squeeze %dma_wait3A_281 : memref<1x2x80xi32, #tpu.memory_space<hbm>> -> memref<2x80xi32, #tpu.memory_space<hbm>>
      %dma_wait3A_283 = arith.constant 0 : i32
      %dma_wait3A_284 = arith.constant 0 : i32
      %dma_wait3A_285 = tpu.memref_slice %arg4[%add3A_278, %dma_wait3A_283, %dma_wait3A_284] : memref<4000x2x80xi32, #tpu.memory_space<hbm>> -> memref<1x2x80xi32, #tpu.memory_space<hbm>>
      %dma_wait3A_286 = tpu.memref_squeeze %dma_wait3A_285 : memref<1x2x80xi32, #tpu.memory_space<hbm>> -> memref<2x80xi32, #tpu.memory_space<hbm>>
      tpu.wait_dma2 semaphore(%arg24 : memref<!tpu.dma_semaphore, #tpu.memory_space<semaphore_mem>>) src(%dma_wait3A_286 : memref<2x80xi32, #tpu.memory_space<hbm>>) dst(%arg13 : memref<2x80xi32, #tpu.memory_space<vmem>>)
      %dma_start3A_287 = arith.constant 0 : i32
      %dma_start3A_288 = arith.constant 0 : i32
      %dma_start3A_289 = tpu.memref_slice %arg13[%dma_start3A_287, %dma_start3A_288] : memref<2x80xi32, #tpu.memory_space<vmem>> -> memref<1x80xi32, #tpu.memory_space<vmem>>
      %dma_start3A_290 = tpu.memref_squeeze %dma_start3A_289 : memref<1x80xi32, #tpu.memory_space<vmem>> -> memref<80xi32, #tpu.memory_space<vmem>>
      %dma_start3A_291 = arith.constant 0 : i32
      %dma_start3A_292 = arith.constant 0 : i32
      %dma_start3A_293 = tpu.memref_slice %arg3[%dma_start3A_291, %dma_start3A_292] : memref<10000x128xf32, #tpu.memory_space<hbm>> -> memref<10000x128xf32, #tpu.memory_space<hbm>>
      tpu.enqueue_indirect_dma source(%dma_start3A_293 : memref<10000x128xf32, #tpu.memory_space<hbm>>) target(%arg8 : memref<80x128xf32, #tpu.memory_space<vmem>>) offsets(%dma_start3A_290 : memref<80xi32, #tpu.memory_space<vmem>>) semaphore(%arg17 : memref<!tpu.dma_semaphore, #tpu.memory_space<semaphore_mem>>)
      %dma_start3A_294 = arith.constant 1 : i32
      %dma_start3A_295 = arith.constant 0 : i32
      %dma_start3A_296 = tpu.memref_slice %arg13[%dma_start3A_294, %dma_start3A_295] : memref<2x80xi32, #tpu.memory_space<vmem>> -> memref<1x80xi32, #tpu.memory_space<vmem>>
      %dma_start3A_297 = tpu.memref_squeeze %dma_start3A_296 : memref<1x80xi32, #tpu.memory_space<vmem>> -> memref<80xi32, #tpu.memory_space<vmem>>
      %dma_start3A_298 = arith.constant 0 : i32
      %dma_start3A_299 = arith.constant 0 : i32
      %dma_start3A_300 = tpu.memref_slice %arg2[%dma_start3A_298, %dma_start3A_299] : memref<10000x128xf32, #tpu.memory_space<hbm>> -> memref<10000x128xf32, #tpu.memory_space<hbm>>
      tpu.enqueue_indirect_dma source(%dma_start3A_300 : memref<10000x128xf32, #tpu.memory_space<hbm>>) target(%arg9 : memref<80x128xf32, #tpu.memory_space<vmem>>) offsets(%dma_start3A_297 : memref<80xi32, #tpu.memory_space<vmem>>) semaphore(%arg18 : memref<!tpu.dma_semaphore, #tpu.memory_space<semaphore_mem>>)
      %lt3A = arith.constant 30 : i32
      %lt3A_301 = arith.cmpi slt, %scan3A_175, %lt3A : i32
      %convert_element_type3A_302 = arith.extui %lt3A_301 : i1 to i32
      %cond3A_303 = arith.constant 0 : i32
      %cond3A_304 = arith.cmpi ne, %convert_element_type3A_302, %cond3A_303 : i32
      scf.if %cond3A_304 {
        %add3A_397 = arith.constant 5 : i32
        %add3A_398 = arith.addi %mul3A_177, %add3A_397 : i32
        %add3A_399 = arith.addi %mul3A_2, %add3A_398 : i32
        %dma_start3A_400 = arith.constant 0 : i32
        %dma_start3A_401 = arith.constant 0 : i32
        %dma_start3A_402 = tpu.memref_slice %arg4[%add3A_399, %dma_start3A_400, %dma_start3A_401] : memref<4000x2x80xi32, #tpu.memory_space<hbm>> -> memref<1x2x80xi32, #tpu.memory_space<hbm>>
        %dma_start3A_403 = tpu.memref_squeeze %dma_start3A_402 : memref<1x2x80xi32, #tpu.memory_space<hbm>> -> memref<2x80xi32, #tpu.memory_space<hbm>>
        %dma_start3A_404 = arith.constant 0 : i32
        %dma_start3A_405 = arith.constant 0 : i32
        %dma_start3A_406 = tpu.memref_slice %arg4[%add3A_399, %dma_start3A_404, %dma_start3A_405] : memref<4000x2x80xi32, #tpu.memory_space<hbm>> -> memref<1x2x80xi32, #tpu.memory_space<hbm>>
        %dma_start3A_407 = tpu.memref_squeeze %dma_start3A_406 : memref<1x2x80xi32, #tpu.memory_space<hbm>> -> memref<2x80xi32, #tpu.memory_space<hbm>>
        tpu.enqueue_dma source(%dma_start3A_407 : memref<2x80xi32, #tpu.memory_space<hbm>>) target(%arg12 : memref<2x80xi32, #tpu.memory_space<vmem>>) target_semaphore(%arg23 : memref<!tpu.dma_semaphore, #tpu.memory_space<semaphore_mem>>)
      } else {
      }
      %dma_wait3A_305 = arith.constant 0 : i32
      %dma_wait3A_306 = arith.constant 0 : i32
      %dma_wait3A_307 = tpu.memref_slice %arg11[%dma_wait3A_305, %dma_wait3A_306] : memref<2x80xi32, #tpu.memory_space<vmem>> -> memref<1x80xi32, #tpu.memory_space<vmem>>
      %dma_wait3A_308 = tpu.memref_squeeze %dma_wait3A_307 : memref<1x80xi32, #tpu.memory_space<vmem>> -> memref<80xi32, #tpu.memory_space<vmem>>
      %dma_wait3A_309 = arith.constant 0 : i32
      %dma_wait3A_310 = arith.constant 0 : i32
      %dma_wait3A_311 = tpu.memref_slice %arg3[%dma_wait3A_309, %dma_wait3A_310] : memref<10000x128xf32, #tpu.memory_space<hbm>> -> memref<10000x128xf32, #tpu.memory_space<hbm>>
      tpu.wait_indirect_dma semaphore(%arg15 : memref<!tpu.dma_semaphore, #tpu.memory_space<semaphore_mem>>) src(%dma_wait3A_311 : memref<10000x128xf32, #tpu.memory_space<hbm>>) dst(%arg6 : memref<80x128xf32, #tpu.memory_space<vmem>>)
      %dma_wait3A_312 = arith.constant 1 : i32
      %dma_wait3A_313 = arith.constant 0 : i32
      %dma_wait3A_314 = tpu.memref_slice %arg11[%dma_wait3A_312, %dma_wait3A_313] : memref<2x80xi32, #tpu.memory_space<vmem>> -> memref<1x80xi32, #tpu.memory_space<vmem>>
      %dma_wait3A_315 = tpu.memref_squeeze %dma_wait3A_314 : memref<1x80xi32, #tpu.memory_space<vmem>> -> memref<80xi32, #tpu.memory_space<vmem>>
      %dma_wait3A_316 = arith.constant 0 : i32
      %dma_wait3A_317 = arith.constant 0 : i32
      %dma_wait3A_318 = tpu.memref_slice %arg2[%dma_wait3A_316, %dma_wait3A_317] : memref<10000x128xf32, #tpu.memory_space<hbm>> -> memref<10000x128xf32, #tpu.memory_space<hbm>>
      tpu.wait_indirect_dma semaphore(%arg16 : memref<!tpu.dma_semaphore, #tpu.memory_space<semaphore_mem>>) src(%dma_wait3A_318 : memref<10000x128xf32, #tpu.memory_space<hbm>>) dst(%arg7 : memref<80x128xf32, #tpu.memory_space<vmem>>)
      %parallel_loop3A_319 = arith.constant 0 : i32
      %parallel_loop3A_320 = arith.constant 80 : i32
      %parallel_loop3A_321 = arith.constant 1 : i32
      scf.for %parallel_loop3A_397 = %parallel_loop3A_319 to %parallel_loop3A_320 step %parallel_loop3A_321  : i32 {
        %parallel_loop3A_398 = arith.index_cast %parallel_loop3A_397 : i32 to index
        %parallel_loop3A_399 = arith.constant 0 : index
        %parallel_loop3A_400 = tpu.vector_load %arg7[%parallel_loop3A_398, %parallel_loop3A_399] {strides = array<i32>} : memref<80x128xf32, #tpu.memory_space<vmem>>, vector<1x16xf32>,
        %parallel_loop3A_401 = vector.shape_cast %parallel_loop3A_400 : vector<1x16xf32> to vector<16xf32>
        %parallel_loop3A_402 = arith.index_cast %parallel_loop3A_397 : i32 to index
        %parallel_loop3A_403 = arith.constant 0 : index
        %parallel_loop3A_404 = tpu.vector_load %arg6[%parallel_loop3A_402, %parallel_loop3A_403] {strides = array<i32>} : memref<80x128xf32, #tpu.memory_space<vmem>>, vector<1x16xf32>,
        %parallel_loop3A_405 = vector.shape_cast %parallel_loop3A_404 : vector<1x16xf32> to vector<16xf32>
        %parallel_loop3A_406 = arith.addf %parallel_loop3A_401, %parallel_loop3A_405 : vector<16xf32>
        %parallel_loop3A_407 = arith.constant 0.000000e+00 : f32
        %parallel_loop3A_408 = vector.broadcast %parallel_loop3A_407 : f32 to vector<16xf32>
        %parallel_loop3A_409 = arith.maximumf %parallel_loop3A_406, %parallel_loop3A_408 : vector<16xf32>
        %parallel_loop3A_410 = arith.index_cast %parallel_loop3A_397 : i32 to index
        %parallel_loop3A_411 = arith.constant 0 : index
        %parallel_loop3A_412 = tpu.vector_load %arg7[%parallel_loop3A_410, %parallel_loop3A_411] {strides = array<i32>} : memref<80x128xf32, #tpu.memory_space<vmem>>, vector<1x16xf32>,
        %parallel_loop3A_413 = vector.shape_cast %parallel_loop3A_412 : vector<1x16xf32> to vector<16xf32>
        %parallel_loop3A_414 = vector.shape_cast %parallel_loop3A_409 : vector<16xf32> to vector<1x16xf32>
        tpu.vector_store %arg7[%parallel_loop3A_410, %parallel_loop3A_411], %parallel_loop3A_414 {strides = array<i32>} : memref<80x128xf32, #tpu.memory_space<vmem>>, vector<1x16xf32>,
        %parallel_loop3A_415 = arith.index_cast %parallel_loop3A_397 : i32 to index
        %parallel_loop3A_416 = arith.constant 16 : index
        %parallel_loop3A_417 = tpu.vector_load %arg7[%parallel_loop3A_415, %parallel_loop3A_416] {strides = array<i32>} : memref<80x128xf32, #tpu.memory_space<vmem>>, vector<1x16xf32>,
        %parallel_loop3A_418 = vector.shape_cast %parallel_loop3A_417 : vector<1x16xf32> to vector<16xf32>
        %parallel_loop3A_419 = arith.index_cast %parallel_loop3A_397 : i32 to index
        %parallel_loop3A_420 = arith.constant 16 : index
        %parallel_loop3A_421 = tpu.vector_load %arg6[%parallel_loop3A_419, %parallel_loop3A_420] {strides = array<i32>} : memref<80x128xf32, #tpu.memory_space<vmem>>, vector<1x16xf32>,
        %parallel_loop3A_422 = vector.shape_cast %parallel_loop3A_421 : vector<1x16xf32> to vector<16xf32>
        %parallel_loop3A_423 = arith.addf %parallel_loop3A_418, %parallel_loop3A_422 : vector<16xf32>
        %parallel_loop3A_424 = arith.constant 0.000000e+00 : f32
        %parallel_loop3A_425 = vector.broadcast %parallel_loop3A_424 : f32 to vector<16xf32>
        %parallel_loop3A_426 = arith.maximumf %parallel_loop3A_423, %parallel_loop3A_425 : vector<16xf32>
        %parallel_loop3A_427 = arith.index_cast %parallel_loop3A_397 : i32 to index
        %parallel_loop3A_428 = arith.constant 16 : index
        %parallel_loop3A_429 = tpu.vector_load %arg7[%parallel_loop3A_427, %parallel_loop3A_428] {strides = array<i32>} : memref<80x128xf32, #tpu.memory_space<vmem>>, vector<1x16xf32>,
        %parallel_loop3A_430 = vector.shape_cast %parallel_loop3A_429 : vector<1x16xf32> to vector<16xf32>
        %parallel_loop3A_431 = vector.shape_cast %parallel_loop3A_426 : vector<16xf32> to vector<1x16xf32>
        tpu.vector_store %arg7[%parallel_loop3A_427, %parallel_loop3A_428], %parallel_loop3A_431 {strides = array<i32>} : memref<80x128xf32, #tpu.memory_space<vmem>>, vector<1x16xf32>,
        %parallel_loop3A_432 = arith.index_cast %parallel_loop3A_397 : i32 to index
        %parallel_loop3A_433 = arith.constant 32 : index
        %parallel_loop3A_434 = tpu.vector_load %arg7[%parallel_loop3A_432, %parallel_loop3A_433] {strides = array<i32>} : memref<80x128xf32, #tpu.memory_space<vmem>>, vector<1x16xf32>,
        %parallel_loop3A_435 = vector.shape_cast %parallel_loop3A_434 : vector<1x16xf32> to vector<16xf32>
        %parallel_loop3A_436 = arith.index_cast %parallel_loop3A_397 : i32 to index
        %parallel_loop3A_437 = arith.constant 32 : index
        %parallel_loop3A_438 = tpu.vector_load %arg6[%parallel_loop3A_436, %parallel_loop3A_437] {strides = array<i32>} : memref<80x128xf32, #tpu.memory_space<vmem>>, vector<1x16xf32>,
        %parallel_loop3A_439 = vector.shape_cast %parallel_loop3A_438 : vector<1x16xf32> to vector<16xf32>
        %parallel_loop3A_440 = arith.addf %parallel_loop3A_435, %parallel_loop3A_439 : vector<16xf32>
        %parallel_loop3A_441 = arith.constant 0.000000e+00 : f32
        %parallel_loop3A_442 = vector.broadcast %parallel_loop3A_441 : f32 to vector<16xf32>
        %parallel_loop3A_443 = arith.maximumf %parallel_loop3A_440, %parallel_loop3A_442 : vector<16xf32>
        %parallel_loop3A_444 = arith.index_cast %parallel_loop3A_397 : i32 to index
        %parallel_loop3A_445 = arith.constant 32 : index
        %parallel_loop3A_446 = tpu.vector_load %arg7[%parallel_loop3A_444, %parallel_loop3A_445] {strides = array<i32>} : memref<80x128xf32, #tpu.memory_space<vmem>>, vector<1x16xf32>,
        %parallel_loop3A_447 = vector.shape_cast %parallel_loop3A_446 : vector<1x16xf32> to vector<16xf32>
        %parallel_loop3A_448 = vector.shape_cast %parallel_loop3A_443 : vector<16xf32> to vector<1x16xf32>
        tpu.vector_store %arg7[%parallel_loop3A_444, %parallel_loop3A_445], %parallel_loop3A_448 {strides = array<i32>} : memref<80x128xf32, #tpu.memory_space<vmem>>, vector<1x16xf32>,
        %parallel_loop3A_449 = arith.index_cast %parallel_loop3A_397 : i32 to index
        %parallel_loop3A_450 = arith.constant 48 : index
        %parallel_loop3A_451 = tpu.vector_load %arg7[%parallel_loop3A_449, %parallel_loop3A_450] {strides = array<i32>} : memref<80x128xf32, #tpu.memory_space<vmem>>, vector<1x16xf32>,
        %parallel_loop3A_452 = vector.shape_cast %parallel_loop3A_451 : vector<1x16xf32> to vector<16xf32>
        %parallel_loop3A_453 = arith.index_cast %parallel_loop3A_397 : i32 to index
        %parallel_loop3A_454 = arith.constant 48 : index
        %parallel_loop3A_455 = tpu.vector_load %arg6[%parallel_loop3A_453, %parallel_loop3A_454] {strides = array<i32>} : memref<80x128xf32, #tpu.memory_space<vmem>>, vector<1x16xf32>,
        %parallel_loop3A_456 = vector.shape_cast %parallel_loop3A_455 : vector<1x16xf32> to vector<16xf32>
        %parallel_loop3A_457 = arith.addf %parallel_loop3A_452, %parallel_loop3A_456 : vector<16xf32>
        %parallel_loop3A_458 = arith.constant 0.000000e+00 : f32
        %parallel_loop3A_459 = vector.broadcast %parallel_loop3A_458 : f32 to vector<16xf32>
        %parallel_loop3A_460 = arith.maximumf %parallel_loop3A_457, %parallel_loop3A_459 : vector<16xf32>
        %parallel_loop3A_461 = arith.index_cast %parallel_loop3A_397 : i32 to index
        %parallel_loop3A_462 = arith.constant 48 : index
        %parallel_loop3A_463 = tpu.vector_load %arg7[%parallel_loop3A_461, %parallel_loop3A_462] {strides = array<i32>} : memref<80x128xf32, #tpu.memory_space<vmem>>, vector<1x16xf32>,
        %parallel_loop3A_464 = vector.shape_cast %parallel_loop3A_463 : vector<1x16xf32> to vector<16xf32>
        %parallel_loop3A_465 = vector.shape_cast %parallel_loop3A_460 : vector<16xf32> to vector<1x16xf32>
        tpu.vector_store %arg7[%parallel_loop3A_461, %parallel_loop3A_462], %parallel_loop3A_465 {strides = array<i32>} : memref<80x128xf32, #tpu.memory_space<vmem>>, vector<1x16xf32>,
        %parallel_loop3A_466 = arith.index_cast %parallel_loop3A_397 : i32 to index
        %parallel_loop3A_467 = arith.constant 64 : index
        %parallel_loop3A_468 = tpu.vector_load %arg7[%parallel_loop3A_466, %parallel_loop3A_467] {strides = array<i32>} : memref<80x128xf32, #tpu.memory_space<vmem>>, vector<1x16xf32>,
        %parallel_loop3A_469 = vector.shape_cast %parallel_loop3A_468 : vector<1x16xf32> to vector<16xf32>
        %parallel_loop3A_470 = arith.index_cast %parallel_loop3A_397 : i32 to index
        %parallel_loop3A_471 = arith.constant 64 : index
        %parallel_loop3A_472 = tpu.vector_load %arg6[%parallel_loop3A_470, %parallel_loop3A_471] {strides = array<i32>} : memref<80x128xf32, #tpu.memory_space<vmem>>, vector<1x16xf32>,
        %parallel_loop3A_473 = vector.shape_cast %parallel_loop3A_472 : vector<1x16xf32> to vector<16xf32>
        %parallel_loop3A_474 = arith.addf %parallel_loop3A_469, %parallel_loop3A_473 : vector<16xf32>
        %parallel_loop3A_475 = arith.constant 0.000000e+00 : f32
        %parallel_loop3A_476 = vector.broadcast %parallel_loop3A_475 : f32 to vector<16xf32>
        %parallel_loop3A_477 = arith.maximumf %parallel_loop3A_474, %parallel_loop3A_476 : vector<16xf32>
        %parallel_loop3A_478 = arith.index_cast %parallel_loop3A_397 : i32 to index
        %parallel_loop3A_479 = arith.constant 64 : index
        %parallel_loop3A_480 = tpu.vector_load %arg7[%parallel_loop3A_478, %parallel_loop3A_479] {strides = array<i32>} : memref<80x128xf32, #tpu.memory_space<vmem>>, vector<1x16xf32>,
        %parallel_loop3A_481 = vector.shape_cast %parallel_loop3A_480 : vector<1x16xf32> to vector<16xf32>
        %parallel_loop3A_482 = vector.shape_cast %parallel_loop3A_477 : vector<16xf32> to vector<1x16xf32>
        tpu.vector_store %arg7[%parallel_loop3A_478, %parallel_loop3A_479], %parallel_loop3A_482 {strides = array<i32>} : memref<80x128xf32, #tpu.memory_space<vmem>>, vector<1x16xf32>,
        %parallel_loop3A_483 = arith.index_cast %parallel_loop3A_397 : i32 to index
        %parallel_loop3A_484 = arith.constant 80 : index
        %parallel_loop3A_485 = tpu.vector_load %arg7[%parallel_loop3A_483, %parallel_loop3A_484] {strides = array<i32>} : memref<80x128xf32, #tpu.memory_space<vmem>>, vector<1x16xf32>,
        %parallel_loop3A_486 = vector.shape_cast %parallel_loop3A_485 : vector<1x16xf32> to vector<16xf32>
        %parallel_loop3A_487 = arith.index_cast %parallel_loop3A_397 : i32 to index
        %parallel_loop3A_488 = arith.constant 80 : index
        %parallel_loop3A_489 = tpu.vector_load %arg6[%parallel_loop3A_487, %parallel_loop3A_488] {strides = array<i32>} : memref<80x128xf32, #tpu.memory_space<vmem>>, vector<1x16xf32>,
        %parallel_loop3A_490 = vector.shape_cast %parallel_loop3A_489 : vector<1x16xf32> to vector<16xf32>
        %parallel_loop3A_491 = arith.addf %parallel_loop3A_486, %parallel_loop3A_490 : vector<16xf32>
        %parallel_loop3A_492 = arith.constant 0.000000e+00 : f32
        %parallel_loop3A_493 = vector.broadcast %parallel_loop3A_492 : f32 to vector<16xf32>
        %parallel_loop3A_494 = arith.maximumf %parallel_loop3A_491, %parallel_loop3A_493 : vector<16xf32>
        %parallel_loop3A_495 = arith.index_cast %parallel_loop3A_397 : i32 to index
        %parallel_loop3A_496 = arith.constant 80 : index
        %parallel_loop3A_497 = tpu.vector_load %arg7[%parallel_loop3A_495, %parallel_loop3A_496] {strides = array<i32>} : memref<80x128xf32, #tpu.memory_space<vmem>>, vector<1x16xf32>,
        %parallel_loop3A_498 = vector.shape_cast %parallel_loop3A_497 : vector<1x16xf32> to vector<16xf32>
        %parallel_loop3A_499 = vector.shape_cast %parallel_loop3A_494 : vector<16xf32> to vector<1x16xf32>
        tpu.vector_store %arg7[%parallel_loop3A_495, %parallel_loop3A_496], %parallel_loop3A_499 {strides = array<i32>} : memref<80x128xf32, #tpu.memory_space<vmem>>, vector<1x16xf32>,
        %parallel_loop3A_500 = arith.index_cast %parallel_loop3A_397 : i32 to index
        %parallel_loop3A_501 = arith.constant 96 : index
        %parallel_loop3A_502 = tpu.vector_load %arg7[%parallel_loop3A_500, %parallel_loop3A_501] {strides = array<i32>} : memref<80x128xf32, #tpu.memory_space<vmem>>, vector<1x16xf32>,
        %parallel_loop3A_503 = vector.shape_cast %parallel_loop3A_502 : vector<1x16xf32> to vector<16xf32>
        %parallel_loop3A_504 = arith.index_cast %parallel_loop3A_397 : i32 to index
        %parallel_loop3A_505 = arith.constant 96 : index
        %parallel_loop3A_506 = tpu.vector_load %arg6[%parallel_loop3A_504, %parallel_loop3A_505] {strides = array<i32>} : memref<80x128xf32, #tpu.memory_space<vmem>>, vector<1x16xf32>,
        %parallel_loop3A_507 = vector.shape_cast %parallel_loop3A_506 : vector<1x16xf32> to vector<16xf32>
        %parallel_loop3A_508 = arith.addf %parallel_loop3A_503, %parallel_loop3A_507 : vector<16xf32>
        %parallel_loop3A_509 = arith.constant 0.000000e+00 : f32
        %parallel_loop3A_510 = vector.broadcast %parallel_loop3A_509 : f32 to vector<16xf32>
        %parallel_loop3A_511 = arith.maximumf %parallel_loop3A_508, %parallel_loop3A_510 : vector<16xf32>
        %parallel_loop3A_512 = arith.index_cast %parallel_loop3A_397 : i32 to index
        %parallel_loop3A_513 = arith.constant 96 : index
        %parallel_loop3A_514 = tpu.vector_load %arg7[%parallel_loop3A_512, %parallel_loop3A_513] {strides = array<i32>} : memref<80x128xf32, #tpu.memory_space<vmem>>, vector<1x16xf32>,
        %parallel_loop3A_515 = vector.shape_cast %parallel_loop3A_514 : vector<1x16xf32> to vector<16xf32>
        %parallel_loop3A_516 = vector.shape_cast %parallel_loop3A_511 : vector<16xf32> to vector<1x16xf32>
        tpu.vector_store %arg7[%parallel_loop3A_512, %parallel_loop3A_513], %parallel_loop3A_516 {strides = array<i32>} : memref<80x128xf32, #tpu.memory_space<vmem>>, vector<1x16xf32>,
        %parallel_loop3A_517 = arith.index_cast %parallel_loop3A_397 : i32 to index
        %parallel_loop3A_518 = arith.constant 112 : index
        %parallel_loop3A_519 = tpu.vector_load %arg7[%parallel_loop3A_517, %parallel_loop3A_518] {strides = array<i32>} : memref<80x128xf32, #tpu.memory_space<vmem>>, vector<1x16xf32>,
        %parallel_loop3A_520 = vector.shape_cast %parallel_loop3A_519 : vector<1x16xf32> to vector<16xf32>
        %parallel_loop3A_521 = arith.index_cast %parallel_loop3A_397 : i32 to index
        %parallel_loop3A_522 = arith.constant 112 : index
        %parallel_loop3A_523 = tpu.vector_load %arg6[%parallel_loop3A_521, %parallel_loop3A_522] {strides = array<i32>} : memref<80x128xf32, #tpu.memory_space<vmem>>, vector<1x16xf32>,
        %parallel_loop3A_524 = vector.shape_cast %parallel_loop3A_523 : vector<1x16xf32> to vector<16xf32>
        %parallel_loop3A_525 = arith.addf %parallel_loop3A_520, %parallel_loop3A_524 : vector<16xf32>
        %parallel_loop3A_526 = arith.constant 0.000000e+00 : f32
        %parallel_loop3A_527 = vector.broadcast %parallel_loop3A_526 : f32 to vector<16xf32>
        %parallel_loop3A_528 = arith.maximumf %parallel_loop3A_525, %parallel_loop3A_527 : vector<16xf32>
        %parallel_loop3A_529 = arith.index_cast %parallel_loop3A_397 : i32 to index
        %parallel_loop3A_530 = arith.constant 112 : index
        %parallel_loop3A_531 = tpu.vector_load %arg7[%parallel_loop3A_529, %parallel_loop3A_530] {strides = array<i32>} : memref<80x128xf32, #tpu.memory_space<vmem>>, vector<1x16xf32>,
        %parallel_loop3A_532 = vector.shape_cast %parallel_loop3A_531 : vector<1x16xf32> to vector<16xf32>
        %parallel_loop3A_533 = vector.shape_cast %parallel_loop3A_528 : vector<16xf32> to vector<1x16xf32>
        tpu.vector_store %arg7[%parallel_loop3A_529, %parallel_loop3A_530], %parallel_loop3A_533 {strides = array<i32>} : memref<80x128xf32, #tpu.memory_space<vmem>>, vector<1x16xf32>,
      } {sc.loop_unroll_factor = 4 : i64, sc.parallel_access}
      %dma_start3A_322 = arith.constant 1 : i32
      %dma_start3A_323 = arith.constant 0 : i32
      %dma_start3A_324 = tpu.memref_slice %arg11[%dma_start3A_322, %dma_start3A_323] : memref<2x80xi32, #tpu.memory_space<vmem>> -> memref<1x80xi32, #tpu.memory_space<vmem>>
      %dma_start3A_325 = tpu.memref_squeeze %dma_start3A_324 : memref<1x80xi32, #tpu.memory_space<vmem>> -> memref<80xi32, #tpu.memory_space<vmem>>
      %dma_start3A_326 = arith.constant 0 : i32
      %dma_start3A_327 = arith.constant 0 : i32
      %dma_start3A_328 = tpu.memref_slice %arg14[%dma_start3A_326, %dma_start3A_327] : memref<10000x128xf32, #tpu.memory_space<vmem_shared>> -> memref<10000x128xf32, #tpu.memory_space<vmem_shared>>
      tpu.enqueue_indirect_dma source(%arg7 : memref<80x128xf32, #tpu.memory_space<vmem>>) target(%dma_start3A_328 : memref<10000x128xf32, #tpu.memory_space<vmem_shared>>) offsets(%dma_start3A_325 : memref<80xi32, #tpu.memory_space<vmem>>) semaphore(%arg19 : memref<!tpu.dma_semaphore, #tpu.memory_space<semaphore_mem>>) {add = true}
      %dma_wait3A_329 = arith.constant 0 : i32
      %dma_wait3A_330 = arith.constant 0 : i32
      %dma_wait3A_331 = tpu.memref_slice %arg13[%dma_wait3A_329, %dma_wait3A_330] : memref<2x80xi32, #tpu.memory_space<vmem>> -> memref<1x80xi32, #tpu.memory_space<vmem>>
      %dma_wait3A_332 = tpu.memref_squeeze %dma_wait3A_331 : memref<1x80xi32, #tpu.memory_space<vmem>> -> memref<80xi32, #tpu.memory_space<vmem>>
      %dma_wait3A_333 = arith.constant 0 : i32
      %dma_wait3A_334 = arith.constant 0 : i32
      %dma_wait3A_335 = tpu.memref_slice %arg3[%dma_wait3A_333, %dma_wait3A_334] : memref<10000x128xf32, #tpu.memory_space<hbm>> -> memref<10000x128xf32, #tpu.memory_space<hbm>>
      tpu.wait_indirect_dma semaphore(%arg17 : memref<!tpu.dma_semaphore, #tpu.memory_space<semaphore_mem>>) src(%dma_wait3A_335 : memref<10000x128xf32, #tpu.memory_space<hbm>>) dst(%arg8 : memref<80x128xf32, #tpu.memory_space<vmem>>)
      %dma_wait3A_336 = arith.constant 1 : i32
      %dma_wait3A_337 = arith.constant 0 : i32
      %dma_wait3A_338 = tpu.memref_slice %arg13[%dma_wait3A_336, %dma_wait3A_337] : memref<2x80xi32, #tpu.memory_space<vmem>> -> memref<1x80xi32, #tpu.memory_space<vmem>>
      %dma_wait3A_339 = tpu.memref_squeeze %dma_wait3A_338 : memref<1x80xi32, #tpu.memory_space<vmem>> -> memref<80xi32, #tpu.memory_space<vmem>>
      %dma_wait3A_340 = arith.constant 0 : i32
      %dma_wait3A_341 = arith.constant 0 : i32
      %dma_wait3A_342 = tpu.memref_slice %arg2[%dma_wait3A_340, %dma_wait3A_341] : memref<10000x128xf32, #tpu.memory_space<hbm>> -> memref<10000x128xf32, #tpu.memory_space<hbm>>
      tpu.wait_indirect_dma semaphore(%arg18 : memref<!tpu.dma_semaphore, #tpu.memory_space<semaphore_mem>>) src(%dma_wait3A_342 : memref<10000x128xf32, #tpu.memory_space<hbm>>) dst(%arg9 : memref<80x128xf32, #tpu.memory_space<vmem>>)
      %parallel_loop3A_343 = arith.constant 0 : i32
      %parallel_loop3A_344 = arith.constant 80 : i32
      %parallel_loop3A_345 = arith.constant 1 : i32
      scf.for %parallel_loop3A_397 = %parallel_loop3A_343 to %parallel_loop3A_344 step %parallel_loop3A_345  : i32 {
        %parallel_loop3A_398 = arith.index_cast %parallel_loop3A_397 : i32 to index
        %parallel_loop3A_399 = arith.constant 0 : index
        %parallel_loop3A_400 = tpu.vector_load %arg9[%parallel_loop3A_398, %parallel_loop3A_399] {strides = array<i32>} : memref<80x128xf32, #tpu.memory_space<vmem>>, vector<1x16xf32>,
        %parallel_loop3A_401 = vector.shape_cast %parallel_loop3A_400 : vector<1x16xf32> to vector<16xf32>
        %parallel_loop3A_402 = arith.index_cast %parallel_loop3A_397 : i32 to index
        %parallel_loop3A_403 = arith.constant 0 : index
        %parallel_loop3A_404 = tpu.vector_load %arg8[%parallel_loop3A_402, %parallel_loop3A_403] {strides = array<i32>} : memref<80x128xf32, #tpu.memory_space<vmem>>, vector<1x16xf32>,
        %parallel_loop3A_405 = vector.shape_cast %parallel_loop3A_404 : vector<1x16xf32> to vector<16xf32>
        %parallel_loop3A_406 = arith.addf %parallel_loop3A_401, %parallel_loop3A_405 : vector<16xf32>
        %parallel_loop3A_407 = arith.constant 0.000000e+00 : f32
        %parallel_loop3A_408 = vector.broadcast %parallel_loop3A_407 : f32 to vector<16xf32>
        %parallel_loop3A_409 = arith.maximumf %parallel_loop3A_406, %parallel_loop3A_408 : vector<16xf32>
        %parallel_loop3A_410 = arith.index_cast %parallel_loop3A_397 : i32 to index
        %parallel_loop3A_411 = arith.constant 0 : index
        %parallel_loop3A_412 = tpu.vector_load %arg9[%parallel_loop3A_410, %parallel_loop3A_411] {strides = array<i32>} : memref<80x128xf32, #tpu.memory_space<vmem>>, vector<1x16xf32>,
        %parallel_loop3A_413 = vector.shape_cast %parallel_loop3A_412 : vector<1x16xf32> to vector<16xf32>
        %parallel_loop3A_414 = vector.shape_cast %parallel_loop3A_409 : vector<16xf32> to vector<1x16xf32>
        tpu.vector_store %arg9[%parallel_loop3A_410, %parallel_loop3A_411], %parallel_loop3A_414 {strides = array<i32>} : memref<80x128xf32, #tpu.memory_space<vmem>>, vector<1x16xf32>,
        %parallel_loop3A_415 = arith.index_cast %parallel_loop3A_397 : i32 to index
        %parallel_loop3A_416 = arith.constant 16 : index
        %parallel_loop3A_417 = tpu.vector_load %arg9[%parallel_loop3A_415, %parallel_loop3A_416] {strides = array<i32>} : memref<80x128xf32, #tpu.memory_space<vmem>>, vector<1x16xf32>,
        %parallel_loop3A_418 = vector.shape_cast %parallel_loop3A_417 : vector<1x16xf32> to vector<16xf32>
        %parallel_loop3A_419 = arith.index_cast %parallel_loop3A_397 : i32 to index
        %parallel_loop3A_420 = arith.constant 16 : index
        %parallel_loop3A_421 = tpu.vector_load %arg8[%parallel_loop3A_419, %parallel_loop3A_420] {strides = array<i32>} : memref<80x128xf32, #tpu.memory_space<vmem>>, vector<1x16xf32>,
        %parallel_loop3A_422 = vector.shape_cast %parallel_loop3A_421 : vector<1x16xf32> to vector<16xf32>
        %parallel_loop3A_423 = arith.addf %parallel_loop3A_418, %parallel_loop3A_422 : vector<16xf32>
        %parallel_loop3A_424 = arith.constant 0.000000e+00 : f32
        %parallel_loop3A_425 = vector.broadcast %parallel_loop3A_424 : f32 to vector<16xf32>
        %parallel_loop3A_426 = arith.maximumf %parallel_loop3A_423, %parallel_loop3A_425 : vector<16xf32>
        %parallel_loop3A_427 = arith.index_cast %parallel_loop3A_397 : i32 to index
        %parallel_loop3A_428 = arith.constant 16 : index
        %parallel_loop3A_429 = tpu.vector_load %arg9[%parallel_loop3A_427, %parallel_loop3A_428] {strides = array<i32>} : memref<80x128xf32, #tpu.memory_space<vmem>>, vector<1x16xf32>,
        %parallel_loop3A_430 = vector.shape_cast %parallel_loop3A_429 : vector<1x16xf32> to vector<16xf32>
        %parallel_loop3A_431 = vector.shape_cast %parallel_loop3A_426 : vector<16xf32> to vector<1x16xf32>
        tpu.vector_store %arg9[%parallel_loop3A_427, %parallel_loop3A_428], %parallel_loop3A_431 {strides = array<i32>} : memref<80x128xf32, #tpu.memory_space<vmem>>, vector<1x16xf32>,
        %parallel_loop3A_432 = arith.index_cast %parallel_loop3A_397 : i32 to index
        %parallel_loop3A_433 = arith.constant 32 : index
        %parallel_loop3A_434 = tpu.vector_load %arg9[%parallel_loop3A_432, %parallel_loop3A_433] {strides = array<i32>} : memref<80x128xf32, #tpu.memory_space<vmem>>, vector<1x16xf32>,
        %parallel_loop3A_435 = vector.shape_cast %parallel_loop3A_434 : vector<1x16xf32> to vector<16xf32>
        %parallel_loop3A_436 = arith.index_cast %parallel_loop3A_397 : i32 to index
        %parallel_loop3A_437 = arith.constant 32 : index
        %parallel_loop3A_438 = tpu.vector_load %arg8[%parallel_loop3A_436, %parallel_loop3A_437] {strides = array<i32>} : memref<80x128xf32, #tpu.memory_space<vmem>>, vector<1x16xf32>,
        %parallel_loop3A_439 = vector.shape_cast %parallel_loop3A_438 : vector<1x16xf32> to vector<16xf32>
        %parallel_loop3A_440 = arith.addf %parallel_loop3A_435, %parallel_loop3A_439 : vector<16xf32>
        %parallel_loop3A_441 = arith.constant 0.000000e+00 : f32
        %parallel_loop3A_442 = vector.broadcast %parallel_loop3A_441 : f32 to vector<16xf32>
        %parallel_loop3A_443 = arith.maximumf %parallel_loop3A_440, %parallel_loop3A_442 : vector<16xf32>
        %parallel_loop3A_444 = arith.index_cast %parallel_loop3A_397 : i32 to index
        %parallel_loop3A_445 = arith.constant 32 : index
        %parallel_loop3A_446 = tpu.vector_load %arg9[%parallel_loop3A_444, %parallel_loop3A_445] {strides = array<i32>} : memref<80x128xf32, #tpu.memory_space<vmem>>, vector<1x16xf32>,
        %parallel_loop3A_447 = vector.shape_cast %parallel_loop3A_446 : vector<1x16xf32> to vector<16xf32>
        %parallel_loop3A_448 = vector.shape_cast %parallel_loop3A_443 : vector<16xf32> to vector<1x16xf32>
        tpu.vector_store %arg9[%parallel_loop3A_444, %parallel_loop3A_445], %parallel_loop3A_448 {strides = array<i32>} : memref<80x128xf32, #tpu.memory_space<vmem>>, vector<1x16xf32>,
        %parallel_loop3A_449 = arith.index_cast %parallel_loop3A_397 : i32 to index
        %parallel_loop3A_450 = arith.constant 48 : index
        %parallel_loop3A_451 = tpu.vector_load %arg9[%parallel_loop3A_449, %parallel_loop3A_450] {strides = array<i32>} : memref<80x128xf32, #tpu.memory_space<vmem>>, vector<1x16xf32>,
        %parallel_loop3A_452 = vector.shape_cast %parallel_loop3A_451 : vector<1x16xf32> to vector<16xf32>
        %parallel_loop3A_453 = arith.index_cast %parallel_loop3A_397 : i32 to index
        %parallel_loop3A_454 = arith.constant 48 : index
        %parallel_loop3A_455 = tpu.vector_load %arg8[%parallel_loop3A_453, %parallel_loop3A_454] {strides = array<i32>} : memref<80x128xf32, #tpu.memory_space<vmem>>, vector<1x16xf32>,
        %parallel_loop3A_456 = vector.shape_cast %parallel_loop3A_455 : vector<1x16xf32> to vector<16xf32>
        %parallel_loop3A_457 = arith.addf %parallel_loop3A_452, %parallel_loop3A_456 : vector<16xf32>
        %parallel_loop3A_458 = arith.constant 0.000000e+00 : f32
        %parallel_loop3A_459 = vector.broadcast %parallel_loop3A_458 : f32 to vector<16xf32>
        %parallel_loop3A_460 = arith.maximumf %parallel_loop3A_457, %parallel_loop3A_459 : vector<16xf32>
        %parallel_loop3A_461 = arith.index_cast %parallel_loop3A_397 : i32 to index
        %parallel_loop3A_462 = arith.constant 48 : index
        %parallel_loop3A_463 = tpu.vector_load %arg9[%parallel_loop3A_461, %parallel_loop3A_462] {strides = array<i32>} : memref<80x128xf32, #tpu.memory_space<vmem>>, vector<1x16xf32>,
        %parallel_loop3A_464 = vector.shape_cast %parallel_loop3A_463 : vector<1x16xf32> to vector<16xf32>
        %parallel_loop3A_465 = vector.shape_cast %parallel_loop3A_460 : vector<16xf32> to vector<1x16xf32>
        tpu.vector_store %arg9[%parallel_loop3A_461, %parallel_loop3A_462], %parallel_loop3A_465 {strides = array<i32>} : memref<80x128xf32, #tpu.memory_space<vmem>>, vector<1x16xf32>,
        %parallel_loop3A_466 = arith.index_cast %parallel_loop3A_397 : i32 to index
        %parallel_loop3A_467 = arith.constant 64 : index
        %parallel_loop3A_468 = tpu.vector_load %arg9[%parallel_loop3A_466, %parallel_loop3A_467] {strides = array<i32>} : memref<80x128xf32, #tpu.memory_space<vmem>>, vector<1x16xf32>,
        %parallel_loop3A_469 = vector.shape_cast %parallel_loop3A_468 : vector<1x16xf32> to vector<16xf32>
        %parallel_loop3A_470 = arith.index_cast %parallel_loop3A_397 : i32 to index
        %parallel_loop3A_471 = arith.constant 64 : index
        %parallel_loop3A_472 = tpu.vector_load %arg8[%parallel_loop3A_470, %parallel_loop3A_471] {strides = array<i32>} : memref<80x128xf32, #tpu.memory_space<vmem>>, vector<1x16xf32>,
        %parallel_loop3A_473 = vector.shape_cast %parallel_loop3A_472 : vector<1x16xf32> to vector<16xf32>
        %parallel_loop3A_474 = arith.addf %parallel_loop3A_469, %parallel_loop3A_473 : vector<16xf32>
        %parallel_loop3A_475 = arith.constant 0.000000e+00 : f32
        %parallel_loop3A_476 = vector.broadcast %parallel_loop3A_475 : f32 to vector<16xf32>
        %parallel_loop3A_477 = arith.maximumf %parallel_loop3A_474, %parallel_loop3A_476 : vector<16xf32>
        %parallel_loop3A_478 = arith.index_cast %parallel_loop3A_397 : i32 to index
        %parallel_loop3A_479 = arith.constant 64 : index
        %parallel_loop3A_480 = tpu.vector_load %arg9[%parallel_loop3A_478, %parallel_loop3A_479] {strides = array<i32>} : memref<80x128xf32, #tpu.memory_space<vmem>>, vector<1x16xf32>,
        %parallel_loop3A_481 = vector.shape_cast %parallel_loop3A_480 : vector<1x16xf32> to vector<16xf32>
        %parallel_loop3A_482 = vector.shape_cast %parallel_loop3A_477 : vector<16xf32> to vector<1x16xf32>
        tpu.vector_store %arg9[%parallel_loop3A_478, %parallel_loop3A_479], %parallel_loop3A_482 {strides = array<i32>} : memref<80x128xf32, #tpu.memory_space<vmem>>, vector<1x16xf32>,
        %parallel_loop3A_483 = arith.index_cast %parallel_loop3A_397 : i32 to index
        %parallel_loop3A_484 = arith.constant 80 : index
        %parallel_loop3A_485 = tpu.vector_load %arg9[%parallel_loop3A_483, %parallel_loop3A_484] {strides = array<i32>} : memref<80x128xf32, #tpu.memory_space<vmem>>, vector<1x16xf32>,
        %parallel_loop3A_486 = vector.shape_cast %parallel_loop3A_485 : vector<1x16xf32> to vector<16xf32>
        %parallel_loop3A_487 = arith.index_cast %parallel_loop3A_397 : i32 to index
        %parallel_loop3A_488 = arith.constant 80 : index
        %parallel_loop3A_489 = tpu.vector_load %arg8[%parallel_loop3A_487, %parallel_loop3A_488] {strides = array<i32>} : memref<80x128xf32, #tpu.memory_space<vmem>>, vector<1x16xf32>,
        %parallel_loop3A_490 = vector.shape_cast %parallel_loop3A_489 : vector<1x16xf32> to vector<16xf32>
        %parallel_loop3A_491 = arith.addf %parallel_loop3A_486, %parallel_loop3A_490 : vector<16xf32>
        %parallel_loop3A_492 = arith.constant 0.000000e+00 : f32
        %parallel_loop3A_493 = vector.broadcast %parallel_loop3A_492 : f32 to vector<16xf32>
        %parallel_loop3A_494 = arith.maximumf %parallel_loop3A_491, %parallel_loop3A_493 : vector<16xf32>
        %parallel_loop3A_495 = arith.index_cast %parallel_loop3A_397 : i32 to index
        %parallel_loop3A_496 = arith.constant 80 : index
        %parallel_loop3A_497 = tpu.vector_load %arg9[%parallel_loop3A_495, %parallel_loop3A_496] {strides = array<i32>} : memref<80x128xf32, #tpu.memory_space<vmem>>, vector<1x16xf32>,
        %parallel_loop3A_498 = vector.shape_cast %parallel_loop3A_497 : vector<1x16xf32> to vector<16xf32>
        %parallel_loop3A_499 = vector.shape_cast %parallel_loop3A_494 : vector<16xf32> to vector<1x16xf32>
        tpu.vector_store %arg9[%parallel_loop3A_495, %parallel_loop3A_496], %parallel_loop3A_499 {strides = array<i32>} : memref<80x128xf32, #tpu.memory_space<vmem>>, vector<1x16xf32>,
        %parallel_loop3A_500 = arith.index_cast %parallel_loop3A_397 : i32 to index
        %parallel_loop3A_501 = arith.constant 96 : index
        %parallel_loop3A_502 = tpu.vector_load %arg9[%parallel_loop3A_500, %parallel_loop3A_501] {strides = array<i32>} : memref<80x128xf32, #tpu.memory_space<vmem>>, vector<1x16xf32>,
        %parallel_loop3A_503 = vector.shape_cast %parallel_loop3A_502 : vector<1x16xf32> to vector<16xf32>
        %parallel_loop3A_504 = arith.index_cast %parallel_loop3A_397 : i32 to index
        %parallel_loop3A_505 = arith.constant 96 : index
        %parallel_loop3A_506 = tpu.vector_load %arg8[%parallel_loop3A_504, %parallel_loop3A_505] {strides = array<i32>} : memref<80x128xf32, #tpu.memory_space<vmem>>, vector<1x16xf32>,
        %parallel_loop3A_507 = vector.shape_cast %parallel_loop3A_506 : vector<1x16xf32> to vector<16xf32>
        %parallel_loop3A_508 = arith.addf %parallel_loop3A_503, %parallel_loop3A_507 : vector<16xf32>
        %parallel_loop3A_509 = arith.constant 0.000000e+00 : f32
        %parallel_loop3A_510 = vector.broadcast %parallel_loop3A_509 : f32 to vector<16xf32>
        %parallel_loop3A_511 = arith.maximumf %parallel_loop3A_508, %parallel_loop3A_510 : vector<16xf32>
        %parallel_loop3A_512 = arith.index_cast %parallel_loop3A_397 : i32 to index
        %parallel_loop3A_513 = arith.constant 96 : index
        %parallel_loop3A_514 = tpu.vector_load %arg9[%parallel_loop3A_512, %parallel_loop3A_513] {strides = array<i32>} : memref<80x128xf32, #tpu.memory_space<vmem>>, vector<1x16xf32>,
        %parallel_loop3A_515 = vector.shape_cast %parallel_loop3A_514 : vector<1x16xf32> to vector<16xf32>
        %parallel_loop3A_516 = vector.shape_cast %parallel_loop3A_511 : vector<16xf32> to vector<1x16xf32>
        tpu.vector_store %arg9[%parallel_loop3A_512, %parallel_loop3A_513], %parallel_loop3A_516 {strides = array<i32>} : memref<80x128xf32, #tpu.memory_space<vmem>>, vector<1x16xf32>,
        %parallel_loop3A_517 = arith.index_cast %parallel_loop3A_397 : i32 to index
        %parallel_loop3A_518 = arith.constant 112 : index
        %parallel_loop3A_519 = tpu.vector_load %arg9[%parallel_loop3A_517, %parallel_loop3A_518] {strides = array<i32>} : memref<80x128xf32, #tpu.memory_space<vmem>>, vector<1x16xf32>,
        %parallel_loop3A_520 = vector.shape_cast %parallel_loop3A_519 : vector<1x16xf32> to vector<16xf32>
        %parallel_loop3A_521 = arith.index_cast %parallel_loop3A_397 : i32 to index
        %parallel_loop3A_522 = arith.constant 112 : index
        %parallel_loop3A_523 = tpu.vector_load %arg8[%parallel_loop3A_521, %parallel_loop3A_522] {strides = array<i32>} : memref<80x128xf32, #tpu.memory_space<vmem>>, vector<1x16xf32>,
        %parallel_loop3A_524 = vector.shape_cast %parallel_loop3A_523 : vector<1x16xf32> to vector<16xf32>
        %parallel_loop3A_525 = arith.addf %parallel_loop3A_520, %parallel_loop3A_524 : vector<16xf32>
        %parallel_loop3A_526 = arith.constant 0.000000e+00 : f32
        %parallel_loop3A_527 = vector.broadcast %parallel_loop3A_526 : f32 to vector<16xf32>
        %parallel_loop3A_528 = arith.maximumf %parallel_loop3A_525, %parallel_loop3A_527 : vector<16xf32>
        %parallel_loop3A_529 = arith.index_cast %parallel_loop3A_397 : i32 to index
        %parallel_loop3A_530 = arith.constant 112 : index
        %parallel_loop3A_531 = tpu.vector_load %arg9[%parallel_loop3A_529, %parallel_loop3A_530] {strides = array<i32>} : memref<80x128xf32, #tpu.memory_space<vmem>>, vector<1x16xf32>,
        %parallel_loop3A_532 = vector.shape_cast %parallel_loop3A_531 : vector<1x16xf32> to vector<16xf32>
        %parallel_loop3A_533 = vector.shape_cast %parallel_loop3A_528 : vector<16xf32> to vector<1x16xf32>
        tpu.vector_store %arg9[%parallel_loop3A_529, %parallel_loop3A_530], %parallel_loop3A_533 {strides = array<i32>} : memref<80x128xf32, #tpu.memory_space<vmem>>, vector<1x16xf32>,
      } {sc.loop_unroll_factor = 4 : i64, sc.parallel_access}
      %dma_start3A_346 = arith.constant 1 : i32
      %dma_start3A_347 = arith.constant 0 : i32
      %dma_start3A_348 = tpu.memref_slice %arg13[%dma_start3A_346, %dma_start3A_347] : memref<2x80xi32, #tpu.memory_space<vmem>> -> memref<1x80xi32, #tpu.memory_space<vmem>>
      %dma_start3A_349 = tpu.memref_squeeze %dma_start3A_348 : memref<1x80xi32, #tpu.memory_space<vmem>> -> memref<80xi32, #tpu.memory_space<vmem>>
      %dma_start3A_350 = arith.constant 0 : i32
      %dma_start3A_351 = arith.constant 0 : i32
      %dma_start3A_352 = tpu.memref_slice %arg14[%dma_start3A_350, %dma_start3A_351] : memref<10000x128xf32, #tpu.memory_space<vmem_shared>> -> memref<10000x128xf32, #tpu.memory_space<vmem_shared>>
      tpu.enqueue_indirect_dma source(%arg9 : memref<80x128xf32, #tpu.memory_space<vmem>>) target(%dma_start3A_352 : memref<10000x128xf32, #tpu.memory_space<vmem_shared>>) offsets(%dma_start3A_349 : memref<80xi32, #tpu.memory_space<vmem>>) semaphore(%arg20 : memref<!tpu.dma_semaphore, #tpu.memory_space<semaphore_mem>>) {add = true}
      %dma_wait3A_353 = arith.constant 1 : i32
      %dma_wait3A_354 = arith.constant 0 : i32
      %dma_wait3A_355 = tpu.memref_slice %arg11[%dma_wait3A_353, %dma_wait3A_354] : memref<2x80xi32, #tpu.memory_space<vmem>> -> memref<1x80xi32, #tpu.memory_space<vmem>>
      %dma_wait3A_356 = tpu.memref_squeeze %dma_wait3A_355 : memref<1x80xi32, #tpu.memory_space<vmem>> -> memref<80xi32, #tpu.memory_space<vmem>>
      %dma_wait3A_357 = arith.constant 0 : i32
      %dma_wait3A_358 = arith.constant 0 : i32
      %dma_wait3A_359 = tpu.memref_slice %arg14[%dma_wait3A_357, %dma_wait3A_358] : memref<10000x128xf32, #tpu.memory_space<vmem_shared>> -> memref<10000x128xf32, #tpu.memory_space<vmem_shared>>
      tpu.wait_indirect_dma semaphore(%arg19 : memref<!tpu.dma_semaphore, #tpu.memory_space<semaphore_mem>>) src(%arg7 : memref<80x128xf32, #tpu.memory_space<vmem>>) dst(%dma_wait3A_359 : memref<10000x128xf32, #tpu.memory_space<vmem_shared>>)
      %add3A_360 = arith.constant 4 : i32
      %add3A_361 = arith.addi %mul3A_177, %add3A_360 : i32
      %add3A_362 = arith.addi %mul3A_2, %add3A_361 : i32
      %dma_wait3A_363 = arith.constant 0 : i32
      %dma_wait3A_364 = arith.constant 0 : i32
      %dma_wait3A_365 = tpu.memref_slice %arg4[%add3A_362, %dma_wait3A_363, %dma_wait3A_364] : memref<4000x2x80xi32, #tpu.memory_space<hbm>> -> memref<1x2x80xi32, #tpu.memory_space<hbm>>
      %dma_wait3A_366 = tpu.memref_squeeze %dma_wait3A_365 : memref<1x2x80xi32, #tpu.memory_space<hbm>> -> memref<2x80xi32, #tpu.memory_space<hbm>>
      %dma_wait3A_367 = arith.constant 0 : i32
      %dma_wait3A_368 = arith.constant 0 : i32
      %dma_wait3A_369 = tpu.memref_slice %arg4[%add3A_362, %dma_wait3A_367, %dma_wait3A_368] : memref<4000x2x80xi32, #tpu.memory_space<hbm>> -> memref<1x2x80xi32, #tpu.memory_space<hbm>>
      %dma_wait3A_370 = tpu.memref_squeeze %dma_wait3A_369 : memref<1x2x80xi32, #tpu.memory_space<hbm>> -> memref<2x80xi32, #tpu.memory_space<hbm>>
      tpu.wait_dma2 semaphore(%arg21 : memref<!tpu.dma_semaphore, #tpu.memory_space<semaphore_mem>>) src(%dma_wait3A_370 : memref<2x80xi32, #tpu.memory_space<hbm>>) dst(%arg10 : memref<2x80xi32, #tpu.memory_space<vmem>>)
      %dma_start3A_371 = arith.constant 0 : i32
      %dma_start3A_372 = arith.constant 0 : i32
      %dma_start3A_373 = tpu.memref_slice %arg10[%dma_start3A_371, %dma_start3A_372] : memref<2x80xi32, #tpu.memory_space<vmem>> -> memref<1x80xi32, #tpu.memory_space<vmem>>
      %dma_start3A_374 = tpu.memref_squeeze %dma_start3A_373 : memref<1x80xi32, #tpu.memory_space<vmem>> -> memref<80xi32, #tpu.memory_space<vmem>>
      %dma_start3A_375 = arith.constant 0 : i32
      %dma_start3A_376 = arith.constant 0 : i32
      %dma_start3A_377 = tpu.memref_slice %arg3[%dma_start3A_375, %dma_start3A_376] : memref<10000x128xf32, #tpu.memory_space<hbm>> -> memref<10000x128xf32, #tpu.memory_space<hbm>>
      tpu.enqueue_indirect_dma source(%dma_start3A_377 : memref<10000x128xf32, #tpu.memory_space<hbm>>) target(%arg6 : memref<80x128xf32, #tpu.memory_space<vmem>>) offsets(%dma_start3A_374 : memref<80xi32, #tpu.memory_space<vmem>>) semaphore(%arg15 : memref<!tpu.dma_semaphore, #tpu.memory_space<semaphore_mem>>)
      %dma_start3A_378 = arith.constant 1 : i32
      %dma_start3A_379 = arith.constant 0 : i32
      %dma_start3A_380 = tpu.memref_slice %arg10[%dma_start3A_378, %dma_start3A_379] : memref<2x80xi32, #tpu.memory_space<vmem>> -> memref<1x80xi32, #tpu.memory_space<vmem>>
      %dma_start3A_381 = tpu.memref_squeeze %dma_start3A_380 : memref<1x80xi32, #tpu.memory_space<vmem>> -> memref<80xi32, #tpu.memory_space<vmem>>
      %dma_start3A_382 = arith.constant 0 : i32
      %dma_start3A_383 = arith.constant 0 : i32
      %dma_start3A_384 = tpu.memref_slice %arg2[%dma_start3A_382, %dma_start3A_383] : memref<10000x128xf32, #tpu.memory_space<hbm>> -> memref<10000x128xf32, #tpu.memory_space<hbm>>
      tpu.enqueue_indirect_dma source(%dma_start3A_384 : memref<10000x128xf32, #tpu.memory_space<hbm>>) target(%arg7 : memref<80x128xf32, #tpu.memory_space<vmem>>) offsets(%dma_start3A_381 : memref<80xi32, #tpu.memory_space<vmem>>) semaphore(%arg16 : memref<!tpu.dma_semaphore, #tpu.memory_space<semaphore_mem>>)
      %dma_wait3A_385 = arith.constant 1 : i32
      %dma_wait3A_386 = arith.constant 0 : i32
      %dma_wait3A_387 = tpu.memref_slice %arg13[%dma_wait3A_385, %dma_wait3A_386] : memref<2x80xi32, #tpu.memory_space<vmem>> -> memref<1x80xi32, #tpu.memory_space<vmem>>
      %dma_wait3A_388 = tpu.memref_squeeze %dma_wait3A_387 : memref<1x80xi32, #tpu.memory_space<vmem>> -> memref<80xi32, #tpu.memory_space<vmem>>
      %dma_wait3A_389 = arith.constant 0 : i32
      %dma_wait3A_390 = arith.constant 0 : i32
      %dma_wait3A_391 = tpu.memref_slice %arg14[%dma_wait3A_389, %dma_wait3A_390] : memref<10000x128xf32, #tpu.memory_space<vmem_shared>> -> memref<10000x128xf32, #tpu.memory_space<vmem_shared>>
      tpu.wait_indirect_dma semaphore(%arg20 : memref<!tpu.dma_semaphore, #tpu.memory_space<semaphore_mem>>) src(%arg9 : memref<80x128xf32, #tpu.memory_space<vmem>>) dst(%dma_wait3A_391 : memref<10000x128xf32, #tpu.memory_space<vmem_shared>>)
      %lt3A_392 = arith.constant 30 : i32
      %lt3A_393 = arith.cmpi slt, %scan3A_175, %lt3A_392 : i32
      %convert_element_type3A_394 = arith.extui %lt3A_393 : i1 to i32
      %cond3A_395 = arith.constant 0 : i32
      %cond3A_396 = arith.cmpi ne, %convert_element_type3A_394, %cond3A_395 : i32
      scf.if %cond3A_396 {
        %add3A_397 = arith.constant 5 : i32
        %add3A_398 = arith.addi %mul3A_177, %add3A_397 : i32
        %add3A_399 = arith.addi %mul3A_2, %add3A_398 : i32
        %dma_wait3A_400 = arith.constant 0 : i32
        %dma_wait3A_401 = arith.constant 0 : i32
        %dma_wait3A_402 = tpu.memref_slice %arg4[%add3A_399, %dma_wait3A_400, %dma_wait3A_401] : memref<4000x2x80xi32, #tpu.memory_space<hbm>> -> memref<1x2x80xi32, #tpu.memory_space<hbm>>
        %dma_wait3A_403 = tpu.memref_squeeze %dma_wait3A_402 : memref<1x2x80xi32, #tpu.memory_space<hbm>> -> memref<2x80xi32, #tpu.memory_space<hbm>>
        %dma_wait3A_404 = arith.constant 0 : i32
        %dma_wait3A_405 = arith.constant 0 : i32
        %dma_wait3A_406 = tpu.memref_slice %arg4[%add3A_399, %dma_wait3A_404, %dma_wait3A_405] : memref<4000x2x80xi32, #tpu.memory_space<hbm>> -> memref<1x2x80xi32, #tpu.memory_space<hbm>>
        %dma_wait3A_407 = tpu.memref_squeeze %dma_wait3A_406 : memref<1x2x80xi32, #tpu.memory_space<hbm>> -> memref<2x80xi32, #tpu.memory_space<hbm>>
        tpu.wait_dma2 semaphore(%arg23 : memref<!tpu.dma_semaphore, #tpu.memory_space<semaphore_mem>>) src(%dma_wait3A_407 : memref<2x80xi32, #tpu.memory_space<hbm>>) dst(%arg12 : memref<2x80xi32, #tpu.memory_space<vmem>>)
        %dma_start3A_408 = arith.constant 0 : i32
        %dma_start3A_409 = arith.constant 0 : i32
        %dma_start3A_410 = tpu.memref_slice %arg12[%dma_start3A_408, %dma_start3A_409] : memref<2x80xi32, #tpu.memory_space<vmem>> -> memref<1x80xi32, #tpu.memory_space<vmem>>
        %dma_start3A_411 = tpu.memref_squeeze %dma_start3A_410 : memref<1x80xi32, #tpu.memory_space<vmem>> -> memref<80xi32, #tpu.memory_space<vmem>>
        %dma_start3A_412 = arith.constant 0 : i32
        %dma_start3A_413 = arith.constant 0 : i32
        %dma_start3A_414 = tpu.memref_slice %arg3[%dma_start3A_412, %dma_start3A_413] : memref<10000x128xf32, #tpu.memory_space<hbm>> -> memref<10000x128xf32, #tpu.memory_space<hbm>>
        tpu.enqueue_indirect_dma source(%dma_start3A_414 : memref<10000x128xf32, #tpu.memory_space<hbm>>) target(%arg8 : memref<80x128xf32, #tpu.memory_space<vmem>>) offsets(%dma_start3A_411 : memref<80xi32, #tpu.memory_space<vmem>>) semaphore(%arg17 : memref<!tpu.dma_semaphore, #tpu.memory_space<semaphore_mem>>)
        %dma_start3A_415 = arith.constant 1 : i32
        %dma_start3A_416 = arith.constant 0 : i32
        %dma_start3A_417 = tpu.memref_slice %arg12[%dma_start3A_415, %dma_start3A_416] : memref<2x80xi32, #tpu.memory_space<vmem>> -> memref<1x80xi32, #tpu.memory_space<vmem>>
        %dma_start3A_418 = tpu.memref_squeeze %dma_start3A_417 : memref<1x80xi32, #tpu.memory_space<vmem>> -> memref<80xi32, #tpu.memory_space<vmem>>
        %dma_start3A_419 = arith.constant 0 : i32
        %dma_start3A_420 = arith.constant 0 : i32
        %dma_start3A_421 = tpu.memref_slice %arg2[%dma_start3A_419, %dma_start3A_420] : memref<10000x128xf32, #tpu.memory_space<hbm>> -> memref<10000x128xf32, #tpu.memory_space<hbm>>
        tpu.enqueue_indirect_dma source(%dma_start3A_421 : memref<10000x128xf32, #tpu.memory_space<hbm>>) target(%arg9 : memref<80x128xf32, #tpu.memory_space<vmem>>) offsets(%dma_start3A_418 : memref<80xi32, #tpu.memory_space<vmem>>) semaphore(%arg18 : memref<!tpu.dma_semaphore, #tpu.memory_space<semaphore_mem>>)
        %add3A_422 = arith.constant 6 : i32
        %add3A_423 = arith.addi %mul3A_177, %add3A_422 : i32
        %add3A_424 = arith.addi %mul3A_2, %add3A_423 : i32
        %dma_start3A_425 = arith.constant 0 : i32
        %dma_start3A_426 = arith.constant 0 : i32
        %dma_start3A_427 = tpu.memref_slice %arg4[%add3A_424, %dma_start3A_425, %dma_start3A_426] : memref<4000x2x80xi32, #tpu.memory_space<hbm>> -> memref<1x2x80xi32, #tpu.memory_space<hbm>>
        %dma_start3A_428 = tpu.memref_squeeze %dma_start3A_427 : memref<1x2x80xi32, #tpu.memory_space<hbm>> -> memref<2x80xi32, #tpu.memory_space<hbm>>
        %dma_start3A_429 = arith.constant 0 : i32
        %dma_start3A_430 = arith.constant 0 : i32
        %dma_start3A_431 = tpu.memref_slice %arg4[%add3A_424, %dma_start3A_429, %dma_start3A_430] : memref<4000x2x80xi32, #tpu.memory_space<hbm>> -> memref<1x2x80xi32, #tpu.memory_space<hbm>>
        %dma_start3A_432 = tpu.memref_squeeze %dma_start3A_431 : memref<1x2x80xi32, #tpu.memory_space<hbm>> -> memref<2x80xi32, #tpu.memory_space<hbm>>
        tpu.enqueue_dma source(%dma_start3A_432 : memref<2x80xi32, #tpu.memory_space<hbm>>) target(%arg11 : memref<2x80xi32, #tpu.memory_space<vmem>>) target_semaphore(%arg22 : memref<!tpu.dma_semaphore, #tpu.memory_space<semaphore_mem>>)
        %add3A_433 = arith.constant 7 : i32
        %add3A_434 = arith.addi %mul3A_177, %add3A_433 : i32
        %add3A_435 = arith.addi %mul3A_2, %add3A_434 : i32
        %dma_start3A_436 = arith.constant 0 : i32
        %dma_start3A_437 = arith.constant 0 : i32
        %dma_start3A_438 = tpu.memref_slice %arg4[%add3A_435, %dma_start3A_436, %dma_start3A_437] : memref<4000x2x80xi32, #tpu.memory_space<hbm>> -> memref<1x2x80xi32, #tpu.memory_space<hbm>>
        %dma_start3A_439 = tpu.memref_squeeze %dma_start3A_438 : memref<1x2x80xi32, #tpu.memory_space<hbm>> -> memref<2x80xi32, #tpu.memory_space<hbm>>
        %dma_start3A_440 = arith.constant 0 : i32
        %dma_start3A_441 = arith.constant 0 : i32
        %dma_start3A_442 = tpu.memref_slice %arg4[%add3A_435, %dma_start3A_440, %dma_start3A_441] : memref<4000x2x80xi32, #tpu.memory_space<hbm>> -> memref<1x2x80xi32, #tpu.memory_space<hbm>>
        %dma_start3A_443 = tpu.memref_squeeze %dma_start3A_442 : memref<1x2x80xi32, #tpu.memory_space<hbm>> -> memref<2x80xi32, #tpu.memory_space<hbm>>
        tpu.enqueue_dma source(%dma_start3A_443 : memref<2x80xi32, #tpu.memory_space<hbm>>) target(%arg13 : memref<2x80xi32, #tpu.memory_space<vmem>>) target_semaphore(%arg24 : memref<!tpu.dma_semaphore, #tpu.memory_space<semaphore_mem>>)
      } else {
      }
    }
    %scan3A_130 = arith.constant 31 : i32
    %dma_wait3A_131 = arith.constant 0 : i32
    %dma_wait3A_132 = arith.constant 0 : i32
    %dma_wait3A_133 = tpu.memref_slice %arg10[%dma_wait3A_131, %dma_wait3A_132] : memref<2x80xi32, #tpu.memory_space<vmem>> -> memref<1x80xi32, #tpu.memory_space<vmem>>
    %dma_wait3A_134 = tpu.memref_squeeze %dma_wait3A_133 : memref<1x80xi32, #tpu.memory_space<vmem>> -> memref<80xi32, #tpu.memory_space<vmem>>
    %dma_wait3A_135 = arith.constant 0 : i32
    %dma_wait3A_136 = arith.constant 0 : i32
    %dma_wait3A_137 = tpu.memref_slice %arg3[%dma_wait3A_135, %dma_wait3A_136] : memref<10000x128xf32, #tpu.memory_space<hbm>> -> memref<10000x128xf32, #tpu.memory_space<hbm>>
    tpu.wait_indirect_dma semaphore(%arg15 : memref<!tpu.dma_semaphore, #tpu.memory_space<semaphore_mem>>) src(%dma_wait3A_137 : memref<10000x128xf32, #tpu.memory_space<hbm>>) dst(%arg6 : memref<80x128xf32, #tpu.memory_space<vmem>>)
    %dma_wait3A_138 = arith.constant 1 : i32
    %dma_wait3A_139 = arith.constant 0 : i32
    %dma_wait3A_140 = tpu.memref_slice %arg10[%dma_wait3A_138, %dma_wait3A_139] : memref<2x80xi32, #tpu.memory_space<vmem>> -> memref<1x80xi32, #tpu.memory_space<vmem>>
    %dma_wait3A_141 = tpu.memref_squeeze %dma_wait3A_140 : memref<1x80xi32, #tpu.memory_space<vmem>> -> memref<80xi32, #tpu.memory_space<vmem>>
    %dma_wait3A_142 = arith.constant 0 : i32
    %dma_wait3A_143 = arith.constant 0 : i32
    %dma_wait3A_144 = tpu.memref_slice %arg2[%dma_wait3A_142, %dma_wait3A_143] : memref<10000x128xf32, #tpu.memory_space<hbm>> -> memref<10000x128xf32, #tpu.memory_space<hbm>>
    tpu.wait_indirect_dma semaphore(%arg16 : memref<!tpu.dma_semaphore, #tpu.memory_space<semaphore_mem>>) src(%dma_wait3A_144 : memref<10000x128xf32, #tpu.memory_space<hbm>>) dst(%arg7 : memref<80x128xf32, #tpu.memory_space<vmem>>)
    %parallel_loop3A_145 = arith.constant 0 : i32
    %parallel_loop3A_146 = arith.constant 80 : i32
    %parallel_loop3A_147 = arith.constant 1 : i32
    scf.for %parallel_loop3A_175 = %parallel_loop3A_145 to %parallel_loop3A_146 step %parallel_loop3A_147  : i32 {
      %parallel_loop3A_176 = arith.index_cast %parallel_loop3A_175 : i32 to index
      %parallel_loop3A_177 = arith.constant 0 : index
      %parallel_loop3A_178 = tpu.vector_load %arg7[%parallel_loop3A_176, %parallel_loop3A_177] {strides = array<i32>} : memref<80x128xf32, #tpu.memory_space<vmem>>, vector<1x16xf32>,
      %parallel_loop3A_179 = vector.shape_cast %parallel_loop3A_178 : vector<1x16xf32> to vector<16xf32>
      %parallel_loop3A_180 = arith.index_cast %parallel_loop3A_175 : i32 to index
      %parallel_loop3A_181 = arith.constant 0 : index
      %parallel_loop3A_182 = tpu.vector_load %arg6[%parallel_loop3A_180, %parallel_loop3A_181] {strides = array<i32>} : memref<80x128xf32, #tpu.memory_space<vmem>>, vector<1x16xf32>,
      %parallel_loop3A_183 = vector.shape_cast %parallel_loop3A_182 : vector<1x16xf32> to vector<16xf32>
      %parallel_loop3A_184 = arith.addf %parallel_loop3A_179, %parallel_loop3A_183 : vector<16xf32>
      %parallel_loop3A_185 = arith.constant 0.000000e+00 : f32
      %parallel_loop3A_186 = vector.broadcast %parallel_loop3A_185 : f32 to vector<16xf32>
      %parallel_loop3A_187 = arith.maximumf %parallel_loop3A_184, %parallel_loop3A_186 : vector<16xf32>
      %parallel_loop3A_188 = arith.index_cast %parallel_loop3A_175 : i32 to index
      %parallel_loop3A_189 = arith.constant 0 : index
      %parallel_loop3A_190 = tpu.vector_load %arg7[%parallel_loop3A_188, %parallel_loop3A_189] {strides = array<i32>} : memref<80x128xf32, #tpu.memory_space<vmem>>, vector<1x16xf32>,
      %parallel_loop3A_191 = vector.shape_cast %parallel_loop3A_190 : vector<1x16xf32> to vector<16xf32>
      %parallel_loop3A_192 = vector.shape_cast %parallel_loop3A_187 : vector<16xf32> to vector<1x16xf32>
      tpu.vector_store %arg7[%parallel_loop3A_188, %parallel_loop3A_189], %parallel_loop3A_192 {strides = array<i32>} : memref<80x128xf32, #tpu.memory_space<vmem>>, vector<1x16xf32>,
      %parallel_loop3A_193 = arith.index_cast %parallel_loop3A_175 : i32 to index
      %parallel_loop3A_194 = arith.constant 16 : index
      %parallel_loop3A_195 = tpu.vector_load %arg7[%parallel_loop3A_193, %parallel_loop3A_194] {strides = array<i32>} : memref<80x128xf32, #tpu.memory_space<vmem>>, vector<1x16xf32>,
      %parallel_loop3A_196 = vector.shape_cast %parallel_loop3A_195 : vector<1x16xf32> to vector<16xf32>
      %parallel_loop3A_197 = arith.index_cast %parallel_loop3A_175 : i32 to index
      %parallel_loop3A_198 = arith.constant 16 : index
      %parallel_loop3A_199 = tpu.vector_load %arg6[%parallel_loop3A_197, %parallel_loop3A_198] {strides = array<i32>} : memref<80x128xf32, #tpu.memory_space<vmem>>, vector<1x16xf32>,
      %parallel_loop3A_200 = vector.shape_cast %parallel_loop3A_199 : vector<1x16xf32> to vector<16xf32>
      %parallel_loop3A_201 = arith.addf %parallel_loop3A_196, %parallel_loop3A_200 : vector<16xf32>
      %parallel_loop3A_202 = arith.constant 0.000000e+00 : f32
      %parallel_loop3A_203 = vector.broadcast %parallel_loop3A_202 : f32 to vector<16xf32>
      %parallel_loop3A_204 = arith.maximumf %parallel_loop3A_201, %parallel_loop3A_203 : vector<16xf32>
      %parallel_loop3A_205 = arith.index_cast %parallel_loop3A_175 : i32 to index
      %parallel_loop3A_206 = arith.constant 16 : index
      %parallel_loop3A_207 = tpu.vector_load %arg7[%parallel_loop3A_205, %parallel_loop3A_206] {strides = array<i32>} : memref<80x128xf32, #tpu.memory_space<vmem>>, vector<1x16xf32>,
      %parallel_loop3A_208 = vector.shape_cast %parallel_loop3A_207 : vector<1x16xf32> to vector<16xf32>
      %parallel_loop3A_209 = vector.shape_cast %parallel_loop3A_204 : vector<16xf32> to vector<1x16xf32>
      tpu.vector_store %arg7[%parallel_loop3A_205, %parallel_loop3A_206], %parallel_loop3A_209 {strides = array<i32>} : memref<80x128xf32, #tpu.memory_space<vmem>>, vector<1x16xf32>,
      %parallel_loop3A_210 = arith.index_cast %parallel_loop3A_175 : i32 to index
      %parallel_loop3A_211 = arith.constant 32 : index
      %parallel_loop3A_212 = tpu.vector_load %arg7[%parallel_loop3A_210, %parallel_loop3A_211] {strides = array<i32>} : memref<80x128xf32, #tpu.memory_space<vmem>>, vector<1x16xf32>,
      %parallel_loop3A_213 = vector.shape_cast %parallel_loop3A_212 : vector<1x16xf32> to vector<16xf32>
      %parallel_loop3A_214 = arith.index_cast %parallel_loop3A_175 : i32 to index
      %parallel_loop3A_215 = arith.constant 32 : index
      %parallel_loop3A_216 = tpu.vector_load %arg6[%parallel_loop3A_214, %parallel_loop3A_215] {strides = array<i32>} : memref<80x128xf32, #tpu.memory_space<vmem>>, vector<1x16xf32>,
      %parallel_loop3A_217 = vector.shape_cast %parallel_loop3A_216 : vector<1x16xf32> to vector<16xf32>
      %parallel_loop3A_218 = arith.addf %parallel_loop3A_213, %parallel_loop3A_217 : vector<16xf32>
      %parallel_loop3A_219 = arith.constant 0.000000e+00 : f32
      %parallel_loop3A_220 = vector.broadcast %parallel_loop3A_219 : f32 to vector<16xf32>
      %parallel_loop3A_221 = arith.maximumf %parallel_loop3A_218, %parallel_loop3A_220 : vector<16xf32>
      %parallel_loop3A_222 = arith.index_cast %parallel_loop3A_175 : i32 to index
      %parallel_loop3A_223 = arith.constant 32 : index
      %parallel_loop3A_224 = tpu.vector_load %arg7[%parallel_loop3A_222, %parallel_loop3A_223] {strides = array<i32>} : memref<80x128xf32, #tpu.memory_space<vmem>>, vector<1x16xf32>,
      %parallel_loop3A_225 = vector.shape_cast %parallel_loop3A_224 : vector<1x16xf32> to vector<16xf32>
      %parallel_loop3A_226 = vector.shape_cast %parallel_loop3A_221 : vector<16xf32> to vector<1x16xf32>
      tpu.vector_store %arg7[%parallel_loop3A_222, %parallel_loop3A_223], %parallel_loop3A_226 {strides = array<i32>} : memref<80x128xf32, #tpu.memory_space<vmem>>, vector<1x16xf32>,
      %parallel_loop3A_227 = arith.index_cast %parallel_loop3A_175 : i32 to index
      %parallel_loop3A_228 = arith.constant 48 : index
      %parallel_loop3A_229 = tpu.vector_load %arg7[%parallel_loop3A_227, %parallel_loop3A_228] {strides = array<i32>} : memref<80x128xf32, #tpu.memory_space<vmem>>, vector<1x16xf32>,
      %parallel_loop3A_230 = vector.shape_cast %parallel_loop3A_229 : vector<1x16xf32> to vector<16xf32>
      %parallel_loop3A_231 = arith.index_cast %parallel_loop3A_175 : i32 to index
      %parallel_loop3A_232 = arith.constant 48 : index
      %parallel_loop3A_233 = tpu.vector_load %arg6[%parallel_loop3A_231, %parallel_loop3A_232] {strides = array<i32>} : memref<80x128xf32, #tpu.memory_space<vmem>>, vector<1x16xf32>,
      %parallel_loop3A_234 = vector.shape_cast %parallel_loop3A_233 : vector<1x16xf32> to vector<16xf32>
      %parallel_loop3A_235 = arith.addf %parallel_loop3A_230, %parallel_loop3A_234 : vector<16xf32>
      %parallel_loop3A_236 = arith.constant 0.000000e+00 : f32
      %parallel_loop3A_237 = vector.broadcast %parallel_loop3A_236 : f32 to vector<16xf32>
      %parallel_loop3A_238 = arith.maximumf %parallel_loop3A_235, %parallel_loop3A_237 : vector<16xf32>
      %parallel_loop3A_239 = arith.index_cast %parallel_loop3A_175 : i32 to index
      %parallel_loop3A_240 = arith.constant 48 : index
      %parallel_loop3A_241 = tpu.vector_load %arg7[%parallel_loop3A_239, %parallel_loop3A_240] {strides = array<i32>} : memref<80x128xf32, #tpu.memory_space<vmem>>, vector<1x16xf32>,
      %parallel_loop3A_242 = vector.shape_cast %parallel_loop3A_241 : vector<1x16xf32> to vector<16xf32>
      %parallel_loop3A_243 = vector.shape_cast %parallel_loop3A_238 : vector<16xf32> to vector<1x16xf32>
      tpu.vector_store %arg7[%parallel_loop3A_239, %parallel_loop3A_240], %parallel_loop3A_243 {strides = array<i32>} : memref<80x128xf32, #tpu.memory_space<vmem>>, vector<1x16xf32>,
      %parallel_loop3A_244 = arith.index_cast %parallel_loop3A_175 : i32 to index
      %parallel_loop3A_245 = arith.constant 64 : index
      %parallel_loop3A_246 = tpu.vector_load %arg7[%parallel_loop3A_244, %parallel_loop3A_245] {strides = array<i32>} : memref<80x128xf32, #tpu.memory_space<vmem>>, vector<1x16xf32>,
      %parallel_loop3A_247 = vector.shape_cast %parallel_loop3A_246 : vector<1x16xf32> to vector<16xf32>
      %parallel_loop3A_248 = arith.index_cast %parallel_loop3A_175 : i32 to index
      %parallel_loop3A_249 = arith.constant 64 : index
      %parallel_loop3A_250 = tpu.vector_load %arg6[%parallel_loop3A_248, %parallel_loop3A_249] {strides = array<i32>} : memref<80x128xf32, #tpu.memory_space<vmem>>, vector<1x16xf32>,
      %parallel_loop3A_251 = vector.shape_cast %parallel_loop3A_250 : vector<1x16xf32> to vector<16xf32>
      %parallel_loop3A_252 = arith.addf %parallel_loop3A_247, %parallel_loop3A_251 : vector<16xf32>
      %parallel_loop3A_253 = arith.constant 0.000000e+00 : f32
      %parallel_loop3A_254 = vector.broadcast %parallel_loop3A_253 : f32 to vector<16xf32>
      %parallel_loop3A_255 = arith.maximumf %parallel_loop3A_252, %parallel_loop3A_254 : vector<16xf32>
      %parallel_loop3A_256 = arith.index_cast %parallel_loop3A_175 : i32 to index
      %parallel_loop3A_257 = arith.constant 64 : index
      %parallel_loop3A_258 = tpu.vector_load %arg7[%parallel_loop3A_256, %parallel_loop3A_257] {strides = array<i32>} : memref<80x128xf32, #tpu.memory_space<vmem>>, vector<1x16xf32>,
      %parallel_loop3A_259 = vector.shape_cast %parallel_loop3A_258 : vector<1x16xf32> to vector<16xf32>
      %parallel_loop3A_260 = vector.shape_cast %parallel_loop3A_255 : vector<16xf32> to vector<1x16xf32>
      tpu.vector_store %arg7[%parallel_loop3A_256, %parallel_loop3A_257], %parallel_loop3A_260 {strides = array<i32>} : memref<80x128xf32, #tpu.memory_space<vmem>>, vector<1x16xf32>,
      %parallel_loop3A_261 = arith.index_cast %parallel_loop3A_175 : i32 to index
      %parallel_loop3A_262 = arith.constant 80 : index
      %parallel_loop3A_263 = tpu.vector_load %arg7[%parallel_loop3A_261, %parallel_loop3A_262] {strides = array<i32>} : memref<80x128xf32, #tpu.memory_space<vmem>>, vector<1x16xf32>,
      %parallel_loop3A_264 = vector.shape_cast %parallel_loop3A_263 : vector<1x16xf32> to vector<16xf32>
      %parallel_loop3A_265 = arith.index_cast %parallel_loop3A_175 : i32 to index
      %parallel_loop3A_266 = arith.constant 80 : index
      %parallel_loop3A_267 = tpu.vector_load %arg6[%parallel_loop3A_265, %parallel_loop3A_266] {strides = array<i32>} : memref<80x128xf32, #tpu.memory_space<vmem>>, vector<1x16xf32>,
      %parallel_loop3A_268 = vector.shape_cast %parallel_loop3A_267 : vector<1x16xf32> to vector<16xf32>
      %parallel_loop3A_269 = arith.addf %parallel_loop3A_264, %parallel_loop3A_268 : vector<16xf32>
      %parallel_loop3A_270 = arith.constant 0.000000e+00 : f32
      %parallel_loop3A_271 = vector.broadcast %parallel_loop3A_270 : f32 to vector<16xf32>
      %parallel_loop3A_272 = arith.maximumf %parallel_loop3A_269, %parallel_loop3A_271 : vector<16xf32>
      %parallel_loop3A_273 = arith.index_cast %parallel_loop3A_175 : i32 to index
      %parallel_loop3A_274 = arith.constant 80 : index
      %parallel_loop3A_275 = tpu.vector_load %arg7[%parallel_loop3A_273, %parallel_loop3A_274] {strides = array<i32>} : memref<80x128xf32, #tpu.memory_space<vmem>>, vector<1x16xf32>,
      %parallel_loop3A_276 = vector.shape_cast %parallel_loop3A_275 : vector<1x16xf32> to vector<16xf32>
      %parallel_loop3A_277 = vector.shape_cast %parallel_loop3A_272 : vector<16xf32> to vector<1x16xf32>
      tpu.vector_store %arg7[%parallel_loop3A_273, %parallel_loop3A_274], %parallel_loop3A_277 {strides = array<i32>} : memref<80x128xf32, #tpu.memory_space<vmem>>, vector<1x16xf32>,
      %parallel_loop3A_278 = arith.index_cast %parallel_loop3A_175 : i32 to index
      %parallel_loop3A_279 = arith.constant 96 : index
      %parallel_loop3A_280 = tpu.vector_load %arg7[%parallel_loop3A_278, %parallel_loop3A_279] {strides = array<i32>} : memref<80x128xf32, #tpu.memory_space<vmem>>, vector<1x16xf32>,
      %parallel_loop3A_281 = vector.shape_cast %parallel_loop3A_280 : vector<1x16xf32> to vector<16xf32>
      %parallel_loop3A_282 = arith.index_cast %parallel_loop3A_175 : i32 to index
      %parallel_loop3A_283 = arith.constant 96 : index
      %parallel_loop3A_284 = tpu.vector_load %arg6[%parallel_loop3A_282, %parallel_loop3A_283] {strides = array<i32>} : memref<80x128xf32, #tpu.memory_space<vmem>>, vector<1x16xf32>,
      %parallel_loop3A_285 = vector.shape_cast %parallel_loop3A_284 : vector<1x16xf32> to vector<16xf32>
      %parallel_loop3A_286 = arith.addf %parallel_loop3A_281, %parallel_loop3A_285 : vector<16xf32>
      %parallel_loop3A_287 = arith.constant 0.000000e+00 : f32
      %parallel_loop3A_288 = vector.broadcast %parallel_loop3A_287 : f32 to vector<16xf32>
      %parallel_loop3A_289 = arith.maximumf %parallel_loop3A_286, %parallel_loop3A_288 : vector<16xf32>
      %parallel_loop3A_290 = arith.index_cast %parallel_loop3A_175 : i32 to index
      %parallel_loop3A_291 = arith.constant 96 : index
      %parallel_loop3A_292 = tpu.vector_load %arg7[%parallel_loop3A_290, %parallel_loop3A_291] {strides = array<i32>} : memref<80x128xf32, #tpu.memory_space<vmem>>, vector<1x16xf32>,
      %parallel_loop3A_293 = vector.shape_cast %parallel_loop3A_292 : vector<1x16xf32> to vector<16xf32>
      %parallel_loop3A_294 = vector.shape_cast %parallel_loop3A_289 : vector<16xf32> to vector<1x16xf32>
      tpu.vector_store %arg7[%parallel_loop3A_290, %parallel_loop3A_291], %parallel_loop3A_294 {strides = array<i32>} : memref<80x128xf32, #tpu.memory_space<vmem>>, vector<1x16xf32>,
      %parallel_loop3A_295 = arith.index_cast %parallel_loop3A_175 : i32 to index
      %parallel_loop3A_296 = arith.constant 112 : index
      %parallel_loop3A_297 = tpu.vector_load %arg7[%parallel_loop3A_295, %parallel_loop3A_296] {strides = array<i32>} : memref<80x128xf32, #tpu.memory_space<vmem>>, vector<1x16xf32>,
      %parallel_loop3A_298 = vector.shape_cast %parallel_loop3A_297 : vector<1x16xf32> to vector<16xf32>
      %parallel_loop3A_299 = arith.index_cast %parallel_loop3A_175 : i32 to index
      %parallel_loop3A_300 = arith.constant 112 : index
      %parallel_loop3A_301 = tpu.vector_load %arg6[%parallel_loop3A_299, %parallel_loop3A_300] {strides = array<i32>} : memref<80x128xf32, #tpu.memory_space<vmem>>, vector<1x16xf32>,
      %parallel_loop3A_302 = vector.shape_cast %parallel_loop3A_301 : vector<1x16xf32> to vector<16xf32>
      %parallel_loop3A_303 = arith.addf %parallel_loop3A_298, %parallel_loop3A_302 : vector<16xf32>
      %parallel_loop3A_304 = arith.constant 0.000000e+00 : f32
      %parallel_loop3A_305 = vector.broadcast %parallel_loop3A_304 : f32 to vector<16xf32>
      %parallel_loop3A_306 = arith.maximumf %parallel_loop3A_303, %parallel_loop3A_305 : vector<16xf32>
      %parallel_loop3A_307 = arith.index_cast %parallel_loop3A_175 : i32 to index
      %parallel_loop3A_308 = arith.constant 112 : index
      %parallel_loop3A_309 = tpu.vector_load %arg7[%parallel_loop3A_307, %parallel_loop3A_308] {strides = array<i32>} : memref<80x128xf32, #tpu.memory_space<vmem>>, vector<1x16xf32>,
      %parallel_loop3A_310 = vector.shape_cast %parallel_loop3A_309 : vector<1x16xf32> to vector<16xf32>
      %parallel_loop3A_311 = vector.shape_cast %parallel_loop3A_306 : vector<16xf32> to vector<1x16xf32>
      tpu.vector_store %arg7[%parallel_loop3A_307, %parallel_loop3A_308], %parallel_loop3A_311 {strides = array<i32>} : memref<80x128xf32, #tpu.memory_space<vmem>>, vector<1x16xf32>,
    } {sc.loop_unroll_factor = 4 : i64, sc.parallel_access}
    %dma_start3A_148 = arith.constant 1 : i32
    %dma_start3A_149 = arith.constant 0 : i32
    %dma_start3A_150 = tpu.memref_slice %arg10[%dma_start3A_148, %dma_start3A_149] : memref<2x80xi32, #tpu.memory_space<vmem>> -> memref<1x80xi32, #tpu.memory_space<vmem>>
    %dma_start3A_151 = tpu.memref_squeeze %dma_start3A_150 : memref<1x80xi32, #tpu.memory_space<vmem>> -> memref<80xi32, #tpu.memory_space<vmem>>
    %dma_start3A_152 = arith.constant 0 : i32
    %dma_start3A_153 = arith.constant 0 : i32
    %dma_start3A_154 = tpu.memref_slice %arg14[%dma_start3A_152, %dma_start3A_153] : memref<10000x128xf32, #tpu.memory_space<vmem_shared>> -> memref<10000x128xf32, #tpu.memory_space<vmem_shared>>
    tpu.enqueue_indirect_dma source(%arg7 : memref<80x128xf32, #tpu.memory_space<vmem>>) target(%dma_start3A_154 : memref<10000x128xf32, #tpu.memory_space<vmem_shared>>) offsets(%dma_start3A_151 : memref<80xi32, #tpu.memory_space<vmem>>) semaphore(%arg19 : memref<!tpu.dma_semaphore, #tpu.memory_space<semaphore_mem>>) {add = true}
    %dma_wait3A_155 = arith.constant 1 : i32
    %dma_wait3A_156 = arith.constant 0 : i32
    %dma_wait3A_157 = tpu.memref_slice %arg10[%dma_wait3A_155, %dma_wait3A_156] : memref<2x80xi32, #tpu.memory_space<vmem>> -> memref<1x80xi32, #tpu.memory_space<vmem>>
    %dma_wait3A_158 = tpu.memref_squeeze %dma_wait3A_157 : memref<1x80xi32, #tpu.memory_space<vmem>> -> memref<80xi32, #tpu.memory_space<vmem>>
    %dma_wait3A_159 = arith.constant 0 : i32
    %dma_wait3A_160 = arith.constant 0 : i32
    %dma_wait3A_161 = tpu.memref_slice %arg14[%dma_wait3A_159, %dma_wait3A_160] : memref<10000x128xf32, #tpu.memory_space<vmem_shared>> -> memref<10000x128xf32, #tpu.memory_space<vmem_shared>>
    tpu.wait_indirect_dma semaphore(%arg19 : memref<!tpu.dma_semaphore, #tpu.memory_space<semaphore_mem>>) src(%arg7 : memref<80x128xf32, #tpu.memory_space<vmem>>) dst(%dma_wait3A_161 : memref<10000x128xf32, #tpu.memory_space<vmem_shared>>)
    %barrier3A_162 = arith.constant 0 : index
    tpu.barrier barrier_id(%barrier3A_162)
    %mul3A_163 = arith.constant 624 : i32
    %mul3A_164 = arith.muli %arg1, %mul3A_163 : i32
    %mul3A_165 = arith.constant 10000 : i32
    %mul3A_166 = arith.muli %arg0, %mul3A_165 : i32
    %mul3A_167 = arith.constant 624 : i32
    %mul3A_168 = arith.muli %arg1, %mul3A_167 : i32
    %add3A_169 = arith.addi %mul3A_166, %mul3A_168 : i32
    "tpu.region"() ({
      %run_scoped3A = tpu.sem_alloc : memref<!tpu.dma_semaphore, #tpu.memory_space<semaphore_mem>>
      %dma_start3A_175 = arith.constant 0 : i32
      %dma_start3A_176 = tpu.memref_slice %arg5[%add3A_169, %dma_start3A_175] : memref<20000x128xf32, #tpu.memory_space<hbm>> -> memref<624x128xf32, #tpu.memory_space<hbm>>
      %dma_start3A_177 = arith.constant 0 : i32
      %dma_start3A_178 = tpu.memref_slice %arg14[%mul3A_164, %dma_start3A_177] : memref<10000x128xf32, #tpu.memory_space<vmem_shared>> -> memref<624x128xf32, #tpu.memory_space<vmem_shared>>
      tpu.enqueue_dma source(%dma_start3A_178 : memref<624x128xf32, #tpu.memory_space<vmem_shared>>) target(%dma_start3A_176 : memref<624x128xf32, #tpu.memory_space<hbm>>) target_semaphore(%run_scoped3A : memref<!tpu.dma_semaphore, #tpu.memory_space<semaphore_mem>>)
      %dma_wait3A_179 = arith.constant 0 : i32
      %dma_wait3A_180 = tpu.memref_slice %arg5[%add3A_169, %dma_wait3A_179] : memref<20000x128xf32, #tpu.memory_space<hbm>> -> memref<624x128xf32, #tpu.memory_space<hbm>>
      %dma_wait3A_181 = arith.constant 0 : i32
      %dma_wait3A_182 = tpu.memref_slice %arg14[%mul3A_164, %dma_wait3A_181] : memref<10000x128xf32, #tpu.memory_space<vmem_shared>> -> memref<624x128xf32, #tpu.memory_space<vmem_shared>>
      tpu.wait_dma2 semaphore(%run_scoped3A : memref<!tpu.dma_semaphore, #tpu.memory_space<semaphore_mem>>) src(%dma_wait3A_182 : memref<624x128xf32, #tpu.memory_space<vmem_shared>>) dst(%dma_wait3A_180 : memref<624x128xf32, #tpu.memory_space<hbm>>)
      tpu.yield
    }) : () -> ()
    %eq3A_170 = arith.constant 0 : i32
    %eq3A_171 = arith.cmpi eq, %arg1, %eq3A_170 : i32
    %convert_element_type3A_172 = arith.extui %eq3A_171 : i1 to i32
    %cond3A_173 = arith.constant 0 : i32
    %cond3A_174 = arith.cmpi ne, %convert_element_type3A_172, %cond3A_173 : i32
    scf.if %cond3A_174 {
      %mul3A_175 = arith.constant 10000 : i32
      %mul3A_176 = arith.muli %arg0, %mul3A_175 : i32
      %add3A_177 = arith.constant 9984 : i32
      %add3A_178 = arith.addi %mul3A_176, %add3A_177 : i32
      "tpu.region"() ({
        %run_scoped3A = tpu.sem_alloc : memref<!tpu.dma_semaphore, #tpu.memory_space<semaphore_mem>>
        %dma_start3A_179 = arith.constant 0 : i32
        %dma_start3A_180 = tpu.memref_slice %arg5[%add3A_178, %dma_start3A_179] : memref<20000x128xf32, #tpu.memory_space<hbm>> -> memref<16x128xf32, #tpu.memory_space<hbm>>
        %dma_start3A_181 = arith.constant 9984 : i32
        %dma_start3A_182 = arith.constant 0 : i32
        %dma_start3A_183 = tpu.memref_slice %arg14[%dma_start3A_181, %dma_start3A_182] : memref<10000x128xf32, #tpu.memory_space<vmem_shared>> -> memref<16x128xf32, #tpu.memory_space<vmem_shared>>
        tpu.enqueue_dma source(%dma_start3A_183 : memref<16x128xf32, #tpu.memory_space<vmem_shared>>) target(%dma_start3A_180 : memref<16x128xf32, #tpu.memory_space<hbm>>) target_semaphore(%run_scoped3A : memref<!tpu.dma_semaphore, #tpu.memory_space<semaphore_mem>>)
        %dma_wait3A_184 = arith.constant 0 : i32
        %dma_wait3A_185 = tpu.memref_slice %arg5[%add3A_178, %dma_wait3A_184] : memref<20000x128xf32, #tpu.memory_space<hbm>> -> memref<16x128xf32, #tpu.memory_space<hbm>>
        %dma_wait3A_186 = arith.constant 9984 : i32
        %dma_wait3A_187 = arith.constant 0 : i32
        %dma_wait3A_188 = tpu.memref_slice %arg14[%dma_wait3A_186, %dma_wait3A_187] : memref<10000x128xf32, #tpu.memory_space<vmem_shared>> -> memref<16x128xf32, #tpu.memory_space<vmem_shared>>
        tpu.wait_dma2 semaphore(%run_scoped3A : memref<!tpu.dma_semaphore, #tpu.memory_space<semaphore_mem>>) src(%dma_wait3A_188 : memref<16x128xf32, #tpu.memory_space<vmem_shared>>) dst(%dma_wait3A_185 : memref<16x128xf32, #tpu.memory_space<hbm>>)
        tpu.yield
      }) : () -> ()
    } else {
    }
    return
  }
}

module attributes {stable_mosaic.version = 14 : i64} {
  func.func @_pq_body(%arg0: i32, %arg1: memref<2000x128xf32, #tpu.memory_space<vmem>>, %arg2: memref<128x256xf32, #tpu.memory_space<vmem>>, %arg3: memref<1x256xf32, #tpu.memory_space<vmem>>, %arg4: memref<2000x128xf32, #tpu.memory_space<vmem>>, %arg5: memref<2000x128xf32, #tpu.memory_space<vmem>>) attributes {dimension_semantics = [#tpu.dimension_semantics<arbitrary>], iteration_bounds = array<i64: 5>, scalar_prefetch = 0 : i64, scratch_operands = 0 : i64, tpu.core_type = #tpu.core_type<tc>, window_params = [{transform_indices = @transform_0, window_bounds = array<i64: 2000, 128>}, {pipeline_mode = #tpu.pipeline_mode<synchronous>, transform_indices = @transform_1, window_bounds = array<i64: 128, 256>}, {pipeline_mode = #tpu.pipeline_mode<synchronous>, transform_indices = @transform_2, window_bounds = array<i64: 1, 256>}, {transform_indices = @transform_3, window_bounds = array<i64: 2000, 128>}, {transform_indices = @transform_4, window_bounds = array<i64: 2000, 128>}]} {
    %get3A = arith.constant 0 : index
    %get3A_0 = arith.constant 0 : index
    %get3A_1 = vector.load %arg1[%get3A, %get3A_0] : memref<2000x128xf32, #tpu.memory_space<vmem>>, vector<2000x128xf32>
    %get3A_2 = arith.constant 0 : index
    %get3A_3 = arith.constant 0 : index
    %get3A_4 = vector.load %arg2[%get3A_2, %get3A_3] : memref<128x256xf32, #tpu.memory_space<vmem>>, vector<128x256xf32>
    %dot_general3A = arith.constant dense<0.000000e+00> : vector<2000x256xf32>
    %dot_general3A_5 = tpu.matmul %get3A_1, %get3A_4, %dot_general3A {dimension_numbers = #tpu.dot_dimension_numbers<[1], [0], [0], [1], [0, 0, 1, 1], [], []>, transpose_lhs_hint = false} : vector<2000x128xf32>, vector<128x256xf32>, vector<2000x256xf32> -> vector<2000x256xf32>
    %get3A_6 = arith.constant 0 : index
    %get3A_7 = arith.constant 0 : index
    %get3A_8 = vector.load %arg3[%get3A_6, %get3A_7] : memref<1x256xf32, #tpu.memory_space<vmem>>, vector<1x256xf32>
    %add3A = vector.broadcast %get3A_8 : vector<1x256xf32> to vector<2000x256xf32>
    %add3A_9 = arith.addf %dot_general3A_5, %add3A : vector<2000x256xf32>
    %slice3A = vector.extract_strided_slice %add3A_9 {offsets = [0, 0], sizes = [2000, 128], strides = [1, 1]} : vector<2000x256xf32> to vector<2000x128xf32>
    %swap3A = arith.constant 0 : index
    %swap3A_10 = arith.constant 0 : index
    %swap3A_11 = vector.load %arg4[%swap3A, %swap3A_10] : memref<2000x128xf32, #tpu.memory_space<vmem>>, vector<2000x128xf32>
    tpu.vector_store %arg4[%swap3A, %swap3A_10], %slice3A {strides = array<i32>} : memref<2000x128xf32, #tpu.memory_space<vmem>>, vector<2000x128xf32>,
    %slice3A_12 = vector.extract_strided_slice %add3A_9 {offsets = [0, 128], sizes = [2000, 128], strides = [1, 1]} : vector<2000x256xf32> to vector<2000x128xf32>
    %swap3A_13 = arith.constant 0 : index
    %swap3A_14 = arith.constant 0 : index
    %swap3A_15 = vector.load %arg5[%swap3A_13, %swap3A_14] : memref<2000x128xf32, #tpu.memory_space<vmem>>, vector<2000x128xf32>
    tpu.vector_store %arg5[%swap3A_13, %swap3A_14], %slice3A_12 {strides = array<i32>} : memref<2000x128xf32, #tpu.memory_space<vmem>>, vector<2000x128xf32>,
    return
  }
  func.func @transform_0(%arg0: i32) -> (i32, i32) {
    %c0_i32 = arith.constant 0 : i32
    %c0_i32_0 = arith.constant 0 : i32
    return %arg0, %c0_i32 : i32, i32
  }
  func.func @transform_1(%arg0: i32) -> (i32, i32) {
    %c0_i32 = arith.constant 0 : i32
    %c0_i32_0 = arith.constant 0 : i32
    %c0_i32_1 = arith.constant 0 : i32
    return %c0_i32, %c0_i32_0 : i32, i32
  }
  func.func @transform_2(%arg0: i32) -> (i32, i32) {
    %c0_i32 = arith.constant 0 : i32
    %c0_i32_0 = arith.constant 0 : i32
    %c0_i32_1 = arith.constant 0 : i32
    return %c0_i32, %c0_i32_0 : i32, i32
  }
  func.func @transform_3(%arg0: i32) -> (i32, i32) {
    %c0_i32 = arith.constant 0 : i32
    %c0_i32_0 = arith.constant 0 : i32
    return %arg0, %c0_i32 : i32, i32
  }
  func.func @transform_4(%arg0: i32) -> (i32, i32) {
    %c0_i32 = arith.constant 0 : i32
    %c0_i32_0 = arith.constant 0 : i32
    return %arg0, %c0_i32 : i32, i32
  }
}

module attributes {stable_mosaic.version = 14 : i64} {
  func.func @_out_body(%arg0: i32, %arg1: memref<2x2000x128xf32, #tpu.memory_space<vmem>>, %arg2: memref<128x128xf32, #tpu.memory_space<vmem>>, %arg3: memref<2000x128xf32, #tpu.memory_space<vmem>>) attributes {dimension_semantics = [#tpu.dimension_semantics<arbitrary>], iteration_bounds = array<i64: 5>, scalar_prefetch = 0 : i64, scratch_operands = 0 : i64, tpu.core_type = #tpu.core_type<tc>, window_params = [{transform_indices = @transform_0, window_bounds = array<i64: 2, 2000, 128>}, {pipeline_mode = #tpu.pipeline_mode<synchronous>, transform_indices = @transform_1, window_bounds = array<i64: 128, 128>}, {transform_indices = @transform_2, window_bounds = array<i64: 2000, 128>}]} {
    %get3A = arith.constant 0 : index
    %get3A_0 = arith.constant 0 : index
    %get3A_1 = arith.constant 0 : index
    %get3A_2 = vector.load %arg1[%get3A, %get3A_0, %get3A_1] : memref<2x2000x128xf32, #tpu.memory_space<vmem>>, vector<1x2000x128xf32>
    %get3A_3 = vector.shape_cast %get3A_2 : vector<1x2000x128xf32> to vector<2000x128xf32>
    %get3A_4 = arith.constant 1 : index
    %get3A_5 = arith.constant 0 : index
    %get3A_6 = arith.constant 0 : index
    %get3A_7 = vector.load %arg1[%get3A_4, %get3A_5, %get3A_6] : memref<2x2000x128xf32, #tpu.memory_space<vmem>>, vector<1x2000x128xf32>
    %get3A_8 = vector.shape_cast %get3A_7 : vector<1x2000x128xf32> to vector<2000x128xf32>
    %add3A = arith.addf %get3A_3, %get3A_8 : vector<2000x128xf32>
    %get3A_9 = arith.constant 0 : index
    %get3A_10 = arith.constant 0 : index
    %get3A_11 = vector.load %arg2[%get3A_9, %get3A_10] : memref<128x128xf32, #tpu.memory_space<vmem>>, vector<128x128xf32>
    %dot_general3A = arith.constant dense<0.000000e+00> : vector<2000x128xf32>
    %dot_general3A_12 = tpu.matmul %add3A, %get3A_11, %dot_general3A {dimension_numbers = #tpu.dot_dimension_numbers<[1], [0], [0], [1], [0, 0, 1, 1], [], []>, transpose_lhs_hint = false} : vector<2000x128xf32>, vector<128x128xf32>, vector<2000x128xf32> -> vector<2000x128xf32>
    %swap3A = arith.constant 0 : index
    %swap3A_13 = arith.constant 0 : index
    %swap3A_14 = vector.load %arg3[%swap3A, %swap3A_13] : memref<2000x128xf32, #tpu.memory_space<vmem>>, vector<2000x128xf32>
    tpu.vector_store %arg3[%swap3A, %swap3A_13], %dot_general3A_12 {strides = array<i32>} : memref<2000x128xf32, #tpu.memory_space<vmem>>, vector<2000x128xf32>,
    return
  }
  func.func @transform_0(%arg0: i32) -> (i32, i32, i32) {
    %c0_i32 = arith.constant 0 : i32
    %c0_i32_0 = arith.constant 0 : i32
    %c0_i32_1 = arith.constant 0 : i32
    return %c0_i32, %arg0, %c0_i32_0 : i32, i32, i32
  }
  func.func @transform_1(%arg0: i32) -> (i32, i32) {
    %c0_i32 = arith.constant 0 : i32
    %c0_i32_0 = arith.constant 0 : i32
    %c0_i32_1 = arith.constant 0 : i32
    return %c0_i32, %c0_i32_0 : i32, i32
  }
  func.func @transform_2(%arg0: i32) -> (i32, i32) {
    %c0_i32 = arith.constant 0 : i32
    %c0_i32_0 = arith.constant 0 : i32
    return %arg0, %c0_i32 : i32, i32
  }
}

</mosaic_0001>

<sc_bundles>
// kernel: kernel.5.cloned.1.call-start
scs
__scs_entry_jumppad:
0x0: {  	(pc) =	sbr.rel $0x88, $3  }
0x1: {  	(tag) =	ssettag $0x0;
	lr =	simm.s32 $0x1  }
0x2: {  	[smem:$0x3F9C] =	sst lr;
	_ =	strace $0xD0000000  }
0x3: {  	_ = 	snop  }
0x4: {  	_ = 	snop  }
0x5: {  	_ = 	snop  }
0x6: {  	_ = 	snop  }
0x7: {  	_ = 	snop  }
__scs_overlays_trampoline_lowered:
0x8: {  	[smem:$0x3FAB] =	sst s0  }
0x9: {  	[smem:$0x3FAC] =	sst s1  }
0xa: {  	[smem:$0x3FAD] =	sst s2  }
0xb: {  	[smem:$0x3FAE] =	sst s3  }
0xc: {  	[smem:$0x3FAF] =	sst s4  }
0xd: {  	[smem:$0x3FB0] =	sst s5  }
0xe: {  	[smem:$0x3FB1] =	sst s6  }
0xf: {  	[smem:$0x3FB2] =	sst s7  }
0x10: {  	[smem:$0x3FB3] =	sst s8  }
0x11: {  	[smem:$0x3FB4] =	sst s9;
	s0 =	simm.s32 @!p0 $0x0  }
0x12: {  	s1 =	sld [smem:$0x3F9A];
	s0 =	simm.s32 @p0 $0x1  }
0x13: {  	[smem:$0x3FB5] =	sst s0;
	s0 =	simm.s32 @!p1 $0x0  }
0x14: {  	s2 =	sld [smem:$0x3F99];
	s0 =	simm.s32 @p1 $0x1  }
0x15: {  	[smem:$0x3FB6] =	sst s0;
	s0 =	simm.s32 @!p2 $0x0  }
0x16: {  	s3 =	sld [smem:$0x3FDB];
	s0 =	simm.s32 @p2 $0x1  }
0x17: {  	s4 =	simm.s32 $0x1BF5;
	[smem:$0x3FB8] =	sst s0  }
0x18: {  	s0 =	sld [smem:$0x3F9B];
	_ =	swait.ge [sflag:s4], $0x0  }
0x19: {  	s7 =	sld [smem:$0x3F9C]  }
0x1a: {  	s8 =	sadd.s32 $0xFFFFE003, lr  }
0x1b: {  	s9 =	sadd.s32 $0xFFFFFEF7, lr;
	s5 =	simm.s32 $0xFFFFFFFF;
	p2 =	slt.u32 s8, $0xFFFFF086  }
0x1c: {  	p1 =	slt.u32 s9, $0xF7A;
	s5 =	simm.s32 @!p2 $0x0  }
0x1d: {  	s5 =	simm.s32 @p1 $0x1;
	p0 =	seq.s32 s7, s2  }
0x1e: {  	s7 =	smul.u32 @!p0 $0xF7A, s2;
	p2 =	seq.s32 @!p0 s5, $0x0  }
0x1f: {  	s9 =	smul.u32 $0xF7A, s1;
	s8 =	simm.s32 @!p0 $0x1BF5;
	p2 =	por !p2, p0  }
0x20: {  	[sflag:s8] =	ssyncset.s32 @!p0 $0xFFFFF086;
	s6 =	sadd.s32 @!p0 s3, s7;
	s7 =	simm.s32 @!p0 $0x108  }
0x21: {  	s3 =	sadd.s32 s3, s9;
	s6 =	sadd.s32 @!p0 $0x88, s6;
	s7 =	simm.s32 @p2 $0x1082  }
0x22: {  	[simem:s7], [sflag:s8] =	dma.local @!p0 [hbm:s6], $0xF7A  }
0x23: {  	s9 =	sor.u32 $0xD0000000, s2;
	s6 =	simm.s32 $0x108;
	_ =	swait.ge @!p0 [sflag:s8], $0x0  }
0x24: {  	s3 =	sadd.s32 $0x88, s3;
	s6 =	simm.s32 @!p1 $0x1082;
	[sflag:s4] =	ssyncset.s32 $0xFFFFF086  }
0x25: {  	[simem:s6], [sflag:s4] =	dma.local [hbm:s3], $0xF7A  }
0x26: {  	[smem:$0x3F9C] =	sst s1;
	(tag) =	ssettag s2;
	_ =	strace s9  }
0x27: {  	s1 =	sld [smem:$0x3FAC]  }
0x28: {  	s2 =	sld [smem:$0x3FAD]  }
0x29: {  	s4 =	sld [smem:$0x3FAF]  }
0x2a: {  	p0 =	seq.s32 s5, $0x0;
	s5 =	sld [smem:$0x3FB0]  }
0x2b: {  	s6 =	sld [smem:$0x3FB1]  }
0x2c: {  	s7 =	sld [smem:$0x3FB2]  }
0x2d: {  	s3 =	simm.s32 $0x108;
	s8 =	sld [smem:$0x3FB3]  }
0x2e: {  	s3 =	simm.s32 @!p0 $0x1082;
	s9 =	sld [smem:$0x3FB4]  }
0x2f: {  	lr =	sadd.s32 s0, s3;
	s0 =	sld [smem:$0x3FAB]  }
0x30: {  	s3 =	sld [smem:$0x3FAE]  }
0x31: {  	[smem:$0x3FB7] =	sst s10  }
0x32: {  	s10 =	sld [smem:$0x3FB5];
	_ =	sdelay $0x3  }
0x33: {  	p0 =	seq.s32 s10, $0x1;
	s10 =	sld [smem:$0x3FB7];
	_ =	sdelay $0x3  }
0x34: {  	[smem:$0x3FB7] =	sst s10  }
0x35: {  	s10 =	sld [smem:$0x3FB6];
	_ =	sdelay $0x3  }
0x36: {  	p1 =	seq.s32 s10, $0x1;
	s10 =	sld [smem:$0x3FB7];
	_ =	sdelay $0x3  }
0x37: {  	[smem:$0x3FB7] =	sst s10  }
0x38: {  	s10 =	sld [smem:$0x3FB8]  }
0x39: {  	_ = 	snop;
	(pc) =	sbr.ind lr, $3  }
0x3a: {  	_ = 	snop  }
0x3b: {  	_ = 	snop  }
0x3c: {  	p2 =	seq.s32 s10, $0x1;
	s10 =	sld [smem:$0x3FB7]  }
0x3d: {  	_ =	shalt  }
0x3e: {  	_ =	shalt  }
0x3f: {  	_ =	shalt  }
0x40: {  	_ =	shalt  }
0x41: {  	_ =	shalt  }
0x42: {  	_ =	shalt  }
0x43: {  	_ =	shalt  }
0x44: {  	_ =	shalt  }
0x45: {  	_ =	shalt  }
0x46: {  	_ =	shalt  }
0x47: {  	_ =	shalt  }
0x48: {  	_ =	shalt  }
0x49: {  	_ =	shalt  }
0x4a: {  	_ =	shalt  }
0x4b: {  	_ =	shalt  }
0x4c: {  	_ =	shalt  }
0x4d: {  	_ =	shalt  }
0x4e: {  	_ =	shalt  }
0x4f: {  	_ =	shalt  }
0x50: {  	_ =	shalt  }
0x51: {  	_ =	shalt  }
0x52: {  	_ =	shalt  }
0x53: {  	_ =	shalt  }
0x54: {  	_ =	shalt  }
0x55: {  	_ =	shalt  }
0x56: {  	_ =	shalt  }
0x57: {  	_ =	shalt  }
0x58: {  	_ =	shalt  }
0x59: {  	_ =	shalt  }
0x5a: {  	_ =	shalt  }
0x5b: {  	_ =	shalt  }
0x5c: {  	_ =	shalt  }
0x5d: {  	_ =	shalt  }
0x5e: {  	_ =	shalt  }
0x5f: {  	_ =	shalt  }
0x60: {  	_ =	shalt  }
0x61: {  	_ =	shalt  }
0x62: {  	_ =	shalt  }
0x63: {  	_ =	shalt  }
0x64: {  	_ =	shalt  }
0x65: {  	_ =	shalt  }
0x66: {  	_ =	shalt  }
0x67: {  	_ =	shalt  }
0x68: {  	_ =	shalt  }
0x69: {  	_ =	shalt  }
0x6a: {  	_ =	shalt  }
0x6b: {  	_ =	shalt  }
0x6c: {  	_ =	shalt  }
0x6d: {  	_ =	shalt  }
0x6e: {  	_ =	shalt  }
0x6f: {  	_ =	shalt  }
0x70: {  	_ =	shalt  }
0x71: {  	_ =	shalt  }
0x72: {  	_ =	shalt  }
0x73: {  	_ =	shalt  }
0x74: {  	_ =	shalt  }
0x75: {  	_ =	shalt  }
0x76: {  	_ =	shalt  }
0x77: {  	_ =	shalt  }
0x78: {  	_ =	shalt  }
0x79: {  	_ =	shalt  }
0x7a: {  	_ =	shalt  }
0x7b: {  	_ =	shalt  }
0x7c: {  	_ =	shalt  }
0x7d: {  	_ =	shalt  }
0x7e: {  	_ =	shalt  }
0x7f: {  	_ =	shalt  }
0x80: {  	_ =	shalt  }
0x81: {  	_ =	shalt  }
0x82: {  	_ =	shalt  }
0x83: {  	_ =	shalt  }
0x84: {  	_ =	shalt  }
0x85: {  	_ =	shalt  }
0x86: {  	_ =	shalt  }
0x87: {  	_ =	shalt  }
.Lfunc_end0:
.L_simem_size_0:
called_computation_lowered:
.L_overlay_start_0:
0x88: {  	s2 =	sld [smem:$0x3FD9]  }
0x89: {  	s3 =	sld [smem:$0x3FFE];
	_ =	sdelay $0x1  }
0x8a: {  	s1 =	srdreg.scid  }
0x8b: {  	s0 =	sand.u32 $0x1, s1  }
0x8c: {  	s17 =	sshll.u32 s0, $0xA;
	s2 =	sadd.s32 s3, s2  }
0x8d: {  	s2 =	sadd.s32 s2, s17  }
0x8e: {  	[smem:$0x3FC3] =	sst s2  }
0x8f: {  	_ = 	snop  }
0x90: {  	s2 =	sld [smem:$0x3FD0];
	(tm) =	ssettm $0x1  }
0x91: {  	s18 =	sld [smem:$0x3FFB];
	_ =	sdelay $0x3  }
0x92: {  	_ =	strace s18  }
0x93: {  	s3 =	sld [smem:$0x3FFC];
	_ =	sdelay $0x3  }
0x94: {  	_ =	strace s3  }
0x95: {  	s3 =	sld [smem:$0x3FFD];
	_ =	sdelay $0x3  }
0x96: {  	_ =	strace s3  }
0x97: {  	_ =	strace $0x8FFFFFFF  }
0x98: {  	s19 =	sld [smem:$0x3FDB];
	_ =	sdelay $0x1  }
0x99: {  	s4 =	simm.s32 $_scs_section_size  }
0x9a: {  	s5 =	simm.s32 $_size__tile_overlayer_lowered;
	s6 =	simm.s32 $_tile_overlayer_lowered  }
0x9b: {  	s22 =	simm.s32 $0x1BFF;
	s21 =	sshll.u32 s6, $0x1;
	s3 =	sadd.s32 s4, s19  }
0x9c: {  	s7 =	simm.s32 $0x0;
	s20 =	sshll.u32 s5, $0x1;
	s5 =	sadd.s32 s21, s3  }
0x9d: {  	[timem:s7], [sflag:s22] =	dma.local [hbm:s5], s20  }
0x9e: {  	_ =	swait.ge [sflag:s22], s20  }
0x9f: {  	s4 =	ssub.s32 $0x0, s20;
	[sflag:s22] =	ssyncset.done $0x0  }
0xa0: {  	[sflag:s22] =	ssyncadd.s32 s4;
	_ =	sdelay $0x1  }
0xa1: {  	s23 =	simm.s32 $0x1B8B  }
0xa2: {  	_ =	swait.ge [sflag:s23], $0x1  }
0xa3: {  	[sflag:s23] =	ssyncset.done $0x0  }
0xa4: {  	s25 =	simm.s32 $0x1B8E;
	s24 =	sld [smem:$0x3FFE];
	[sflag:s23] =	ssyncadd.s32 $0xFFFFFFFF  }
0xa5: {  	s26 =	simm.s32 $execute0_lowered;
	[smem:$0x3FD2] =	sst s25  }
0xa6: {  	s5 =	sshll.u32 s26, $0x1;
	_ =	strace $0x80000046;
	[dreg:$0x1] =	wrdreg $0xFFFFFFFF  }
0xa7: {  	s28 =	simm.s32 $_size_execute0_lowered;
	s3 =	sadd.s32 s3, s5;
	[dreg:$0x0] =	wrdreg $0x0  }
0xa8: {  	s5 =	sshll.u32 s28, $0x1;
	[dreg:$0x2] =	wrdreg s3  }
0xa9: {  	[dreg:$0x3] =	wrdreg s5  }
0xaa: {  	[dreg:$0x4] =	wrdreg $0xC0  }
0xab: {  	_ =	task [dreg:s7], $0x5FFFF  }
0xac: {  	[dreg:$0x1] =	wrdreg $0xFFFFFFFF  }
0xad: {  	[dreg:$0x0] =	wrdreg $0x60  }
0xae: {  	[dreg:$0x2] =	wrdreg s2  }
0xaf: {  	[dreg:$0x3] =	wrdreg s24  }
0xb0: {  	[dreg:$0x4] =	wrdreg $0xA4000  }
0xb1: {  	[dreg:$0x5] =	wrdreg $0x9  }
0xb2: {  	_ =	task.clear_ibuf [dreg:s7], $0x6FFFF;
	_ =	strace $0x90000046  }
0xb3: {  	s29 =	simm.s32 $0x9;
	_ =	strace $0x80000048  }
0xb4: {  	_ =	swait.ge [sflag:s29], $0x1  }
0xb5: {  	[sflag:s29] =	ssyncadd.s32 $0xFFFFFFFF  }
0xb6: {  	_ =	strace $0x90000048  }
0xb7: {  	_ =	sfence  }
0xb8: {  	s30 =	sld [smem:$0x0];
	_ =	sdelay $0x2  }
0xb9: {  	s31 =	sshll.u32 s1, $0xD;
	s1 =	sshrl.u32 s1, $0x2  }
0xba: {  	s3 =	sand.u32 $0x4000, s31;
	s1 =	sadd.s32 s1, s30  }
0xbb: {  	s0 =	sor.u32 s3, s0;
	s1 =	sshll.u32 s1, $0x11  }
0xbc: {  	s0 =	sor.u32 s1, s0  }
0xbd: {  	s0 =	sadd.s32 $0x8F2B, s0  }
0xbe: {  	[sflag:s0] =	ssyncadd.remote.s32 $0x1  }
0xbf: {  	_ =	sfence.sel $0xFFFF  }
0xc0: {  	[dreg:$0x0] =	wrdreg $0xFFFFFFFF;
	(pc) =	sbr.abs _section_cstart, $3  }
0xc1: {  	[dreg:$0x1] =	wrdreg $0xFFFFFFFF  }
0xc2: {  	_ =	task.clear_ibuf [dreg:s7], $0x2FFFF;
	_ =	strace $0x9FFFFFFF  }
0xc3: {  	(tm) =	ssettm $0x7FFFFFFF  }
tec
execute0_lowered:
.L_overlay_start_1:
0x0: {  	(tag) =	ssettag $0x1  }
0x1: {  	s1 =	rddreg [dreg:$0x0]  }
0x2: {  	s0 =	rddreg [dreg:$0x1]  }
0x3: {  	s2 =	rddreg [dreg:$0x2];
	s3 =	simm.s32 $0x0;
	s5 =	srdreg.scid  }
0x4: {  	s13 =	stileid.u32;
	s28 =	simm.s32 $0x2800;
	s30 =	simm.s32 $0xA000  }
0x5: {  	s29 =	simm.s32 $0xA380;
	[smem:$0x7FF] =	sst s3;
	s4 =	sadd.s32 $0x20600, s0  }
0x6: {  	s6 =	sadd.s32 $0x1200, s0;
	s5 =	sand.u32 $0x1, s5;
	s7 =	smul.u32 $0x4E000, s13  }
0x7: {  	s0 =	sadd.s32 $0x47800, s0;
	s31 =	smul.u32 $0x2700, s13;
	p0 =	sne.s32 s13, $0x0  }
0x8: {  	_ =	strace $0x80000047;
	s8 =	ssub.s32 $0x2, s5;
	s20 =	smul.u32 $0x27100, s5  }
0x9: {  	s9 =	sshll.u32 s5, $0x4;
	s5 =	smul.u32 $0x138800, s5;
	s10 =	sshrl.u32 s8, $0x1  }
0xa: {  	s9 =	sor.u32 s13, s9;
	s7 =	sshrl.u32 s7, $0x2;
	s13 =	simm.s32 $0xA100  }
0xb: {  	s8 =	ssub.s32 s8, s10;
	s26 =	smul.u32 $0x7D, s9;
	s19 =	sadd.s32 s7, s2  }
0xc: {  	s16 =	smul.u32 $0x7D00, s9;
	s11 =	sadd.s32 $0x2800, s19;
	[dreg:$0x4] =	wrdreg s19  }
0xd: {  	s9 =	smul.u32 $0xFA0, s9;
	s12 =	sadd.s32 $0x5000, s19;
	[dreg:$0x5] =	wrdreg s11  }
0xe: {  	s7 =	sadd.s32 s31, s20;
	s14 =	sadd.s32 $0x7800, s19;
	[dreg:$0x6] =	wrdreg s12  }
0xf: {  	s5 =	sshrl.u32 s5, $0x3;
	s15 =	sadd.s32 $0xA000, s19;
	[dreg:$0x7] =	wrdreg s14  }
0x10: {  	s20 =	simm.s32 $0x0;
	s17 =	sadd.s32 $0xF000, s19;
	[dreg:$0x8] =	wrdreg s15  }
0x11: {  	s18 =	sadd.s32 $0x11800, s19;
	s7 =	sadd.s32 s0, s7;
	[dreg:$0xa] =	wrdreg s17  }
0x12: {  	s0 =	sadd.s32 s0, s5;
	s31 =	smax.u32 s8, $0x1;
	[dreg:$0xb] =	wrdreg s18  }
0x13: {  	s5 =	simm.s32 $0x9;
	s8 =	simm.s32 $0x50;
	[dreg:$0x12] =	wrdreg s7  }
0x14: {  	s12 =	sadd.s32 $0xC800, s19;
	s11 =	sshrl.u32 s16, $0x3;
	[dreg:$0x16] =	wrdreg s31  }
0x15: {  	s9 =	sadd.s32 s6, s9;
	s23 =	sadd.s32 $0x4, s26;
	[dreg:$0x9] =	wrdreg s12  }
0x16: {  	s24 =	sadd.s32 $0x5, s26;
	s25 =	sadd.s32 $0x6, s26;
	[dreg:$0xc] =	wrdreg s9  }
0x17: {  	s26 =	sadd.s32 $0x7, s26;
	s0 =	sadd.s32 $0x27000, s0;
	[dreg:$0x10] =	wrdreg s23  }
0x18: {  	s14 =	simm.s32 $0xA300;
	s15 =	simm.s32 $0x1;
	[dreg:$0x11] =	wrdreg s24  }
0x19: {  	s16 =	simm.s32 $0x2;
	s17 =	simm.s32 $0x3;
	[dreg:$0x13] =	wrdreg s25  }
0x1a: {  	s18 =	simm.s32 $0x4;
	s7 =	simm.s32 $0xA;
	[dreg:$0x14] =	wrdreg s26  }
0x1b: {  	s21 =	sadd.s32 s6, s11;
	[dreg:$0x15] =	wrdreg s0;
	s23 =	simm.s32 $0xB  }
0x1c: {  	s0 =	simm.s32 $0x7;
	s12 =	simm.s32 $0x7800;
	s11 =	sadd.s32 $0x20, s21  }
0x1d: {  	s24 =	simm.s32 $0x8;
	s22 =	sadd.s32 $0x40, s21;
	[dreg:$0xd] =	wrdreg s11  }
0x1e: {  	s25 =	simm.s32 $0xA180;
	s9 =	sadd.s32 $0x60, s21;
	[dreg:$0xe] =	wrdreg s22  }
0x1f: {  	s26 =	simm.s32 $0x6;
	[dreg:$0xf] =	wrdreg s9;
	s22 =	sadd.s32 $0x138000, s2  }
0x20: {  	v0 =	vimm.f32 $0.0e+00;
	s21 =	simm.s32 $0x5;
	s9 =	simm.s32 $0xA080;
	[dreg:$0x17] =	wrdreg s22  }
.LBB2_1:
0x21: {  	s10 =	simm.s32 $0x2880  }
0x22: {  	[tilespmem:s10+$0xFFFFFF80] =	vst v0  }
0x23: {  	[tilespmem:s10+$0x70] =	vst v0  }
0x24: {  	[tilespmem:s10+$0x60] =	vst v0  }
0x25: {  	[tilespmem:s10+$0x50] =	vst v0  }
0x26: {  	[tilespmem:s10+$0x40] =	vst v0  }
0x27: {  	[tilespmem:s10+$0x30] =	vst v0  }
0x28: {  	[tilespmem:s10+$0x20] =	vst v0  }
0x29: {  	[tilespmem:s10+$0x10] =	vst v0  }
0x2a: {  	[tilespmem:s10+$0x0] =	vst v0  }
0x2b: {  	[tilespmem:s10+$0xFFFFFFF0] =	vst v0  }
0x2c: {  	[tilespmem:s10+$0xFFFFFFE0] =	vst v0  }
0x2d: {  	[tilespmem:s10+$0xFFFFFFD0] =	vst v0  }
0x2e: {  	[tilespmem:s10+$0xFFFFFFC0] =	vst v0  }
0x2f: {  	[tilespmem:s10+$0xFFFFFFB0] =	vst v0  }
0x30: {  	s11 =	simm.s32 $0x0;
	[tilespmem:s10+$0xFFFFFFA0] =	vst v0  }
.LBB2_2:
0x31: {  	s11 =	sadd.s32 $0x2, s11;
	[tilespmem:s10+$0xFFFFFF90] =	vst v0;
	s10 =	sadd.s32 $0x100, s10  }
0x32: {  	[tilespmem:s10+$0xFFFFFF80] =	vst v0;
	p1 =	slt.u32 s11, $0x4E  }
0x33: {  	[tilespmem:s10+$0x70] =	vst v0  }
0x34: {  	[tilespmem:s10+$0x60] =	vst v0  }
0x35: {  	[tilespmem:s10+$0x50] =	vst v0  }
0x36: {  	[tilespmem:s10+$0x40] =	vst v0  }
0x37: {  	[tilespmem:s10+$0x30] =	vst v0  }
0x38: {  	[tilespmem:s10+$0x20] =	vst v0  }
0x39: {  	[tilespmem:s10+$0x10] =	vst v0  }
0x3a: {  	[tilespmem:s10+$0x0] =	vst v0  }
0x3b: {  	[tilespmem:s10+$0xFFFFFFF0] =	vst v0  }
.Ltmp0:
0x3c: {  	[tilespmem:s10+$0xFFFFFFE0] =	vst v0;
	(pc) =	sbr.rel @p1 .LBB2_2-.Ltmp0, $4  }
0x3d: {  	[tilespmem:s10+$0xFFFFFFD0] =	vst v0  }
0x3e: {  	[tilespmem:s10+$0xFFFFFFC0] =	vst v0  }
0x3f: {  	[tilespmem:s10+$0xFFFFFFB0] =	vst v0  }
0x40: {  	[tilespmem:s10+$0xFFFFFFA0] =	vst v0  }
0x41: {  	[dreg:$0x18] =	wrdreg s20  }
0x42: {  	[tilespmem:s10+$0xFFFFFF90] =	vst v0  }
0x43: {  	[spmem:s19] =	stream.linear.scatter [tilespmem:s28], [sflag:$0xB], $0x2800, $0x38;
	[tilespmem:$0x1DC80] =	vst v63  }
0x44: {  	_ =	swait.ge [sflag:s23], $0x2800  }
0x45: {  	[sflag:s23] =	ssyncset.done $0x0  }
0x46: {  	s20 =	rddreg [dreg:$0x5];
	[sflag:s23] =	ssyncadd.s32 $0xFFFFD800  }
0x47: {  	[spmem:s20] =	stream.linear.scatter [tilespmem:s28], [sflag:$0xB], $0x2800, $0x38;
	[tilespmem:$0x1DC80] =	vst v63  }
0x48: {  	_ =	swait.ge [sflag:s23], $0x2800  }
0x49: {  	[sflag:s23] =	ssyncset.done $0x0  }
0x4a: {  	s11 =	rddreg [dreg:$0x6];
	[sflag:s23] =	ssyncadd.s32 $0xFFFFD800  }
0x4b: {  	[spmem:s11] =	stream.linear.scatter [tilespmem:s28], [sflag:$0xB], $0x2800, $0x38;
	[tilespmem:$0x1DC80] =	vst v63  }
0x4c: {  	_ =	swait.ge [sflag:s23], $0x2800  }
0x4d: {  	[sflag:s23] =	ssyncset.done $0x0  }
0x4e: {  	s19 =	rddreg [dreg:$0x7];
	[sflag:s23] =	ssyncadd.s32 $0xFFFFD800  }
0x4f: {  	[spmem:s19] =	stream.linear.scatter [tilespmem:s28], [sflag:$0xB], $0x2800, $0x38;
	[tilespmem:$0x1DC80] =	vst v63  }
0x50: {  	_ =	swait.ge [sflag:s23], $0x2800  }
0x51: {  	[sflag:s23] =	ssyncset.done $0x0  }
0x52: {  	s20 =	rddreg [dreg:$0x8];
	[sflag:s23] =	ssyncadd.s32 $0xFFFFD800  }
0x53: {  	[spmem:s20] =	stream.linear.scatter [tilespmem:s28], [sflag:$0xB], $0x2800, $0x38;
	[tilespmem:$0x1DC80] =	vst v63  }
0x54: {  	_ =	swait.ge [sflag:s23], $0x2800  }
0x55: {  	[sflag:s23] =	ssyncset.done $0x0  }
0x56: {  	s11 =	rddreg [dreg:$0x9];
	[sflag:s23] =	ssyncadd.s32 $0xFFFFD800  }
0x57: {  	[spmem:s11] =	stream.linear.scatter [tilespmem:s28], [sflag:$0xB], $0x2800, $0x38;
	[tilespmem:$0x1DC80] =	vst v63  }
0x58: {  	_ =	swait.ge [sflag:s23], $0x2800  }
0x59: {  	[sflag:s23] =	ssyncset.done $0x0  }
0x5a: {  	s19 =	rddreg [dreg:$0xa];
	[sflag:s23] =	ssyncadd.s32 $0xFFFFD800  }
0x5b: {  	[spmem:s19] =	stream.linear.scatter [tilespmem:s28], [sflag:$0xB], $0x2800, $0x38;
	[tilespmem:$0x1DC80] =	vst v63  }
0x5c: {  	_ =	swait.ge [sflag:s23], $0x2800  }
0x5d: {  	[sflag:s23] =	ssyncset.done $0x0  }
0x5e: {  	s20 =	rddreg [dreg:$0xb];
	[sflag:s23] =	ssyncadd.s32 $0xFFFFD800  }
0x5f: {  	[spmem:s20] =	stream.linear.scatter [tilespmem:s28], [sflag:$0xB], $0x2000, $0x38;
	[tilespmem:$0x1DC80] =	vst v63  }
0x60: {  	_ =	swait.ge [sflag:s23], $0x2000  }
0x61: {  	[sflag:s23] =	ssyncset.done $0x0  }
0x62: {  	s10 =	simm.s32 @!p0 $0x2800;
	[sflag:s23] =	ssyncadd.s32 $0xFFFFE000  }
0x63: {  	[spmem:s22] =	stream.linear.scatter @!p0 [tilespmem:s10], [sflag:$0xB], $0x800, $0x38;
	[tilespmem:$0x1DC80] =	vst v63  }
0x64: {  	s10 =	simm.s32 @!p0 $0xB  }
0x65: {  	_ =	swait.ge @!p0 [sflag:s10], $0x800  }
0x66: {  	[sflag:s10] =	ssyncset.done @!p0 $0x0  }
0x67: {  	[sflag:s10] =	ssyncadd.s32 @!p0 $0xFFFFF800  }
0x68: {  	[bflag:$0x0] =	sbarrier.arrive $0xFFFF  }
0x69: {  	s31 =	simm.s32 $0x0;
	s22 =	rddreg [dreg:$0xc]  }
0x6a: {  	[tilespmem:s30], [sflag:$0x7] =	stream.linear.gather [hbm4b:s22+s31], $0x100, $0x38;
	[tilespmem:$0x1DC80] =	vst v63  }
0x6b: {  	s11 =	simm.s32 $0xA200;
	s23 =	rddreg [dreg:$0xd]  }
0x6c: {  	[tilespmem:s11], [sflag:$0x9] =	stream.linear.gather [hbm4b:s23+s31], $0x100, $0x38;
	[tilespmem:$0x1DC80] =	vst v63  }
0x6d: {  	_ =	swait.ge [sflag:s0], $0x100  }
0x6e: {  	[sflag:s0] =	ssyncset.done $0x0  }
0x6f: {  	[sflag:s0] =	ssyncadd.s32 $0xFFFFFF00  }
0x70: {  	_ =	swait.ge [sflag:s5], $0x100  }
0x71: {  	[sflag:s5] =	ssyncset.done $0x0  }
0x72: {  	[sflag:s5] =	ssyncadd.s32 $0xFFFFFF00  }
0x73: {  	[tilespmem:s31], [sflag:$0x1] =	stream.indirect.gather [hbm4b:s4+s8], $0x80, s30, s8, $0xb8;
	[tilespmem:$0x1DC80] =	vst v63  }
0x74: {  	_ = 	snop  }
0x75: {  	[tilespmem:s28], [sflag:$0x2] =	stream.indirect.gather [hbm4b:s1+s8], $0x80, s9, s8, $0xb8;
	[tilespmem:$0x1DC80] =	vst v63  }
0x76: {  	s19 =	simm.s32 $0x5000  }
0x77: {  	[tilespmem:s19], [sflag:$0x3] =	stream.indirect.gather [hbm4b:s4+s8], $0x80, s11, s8, $0xb8;
	[tilespmem:$0x1DC80] =	vst v63  }
0x78: {  	s20 =	simm.s32 $0xA280  }
0x79: {  	[tilespmem:s12], [sflag:$0x4] =	stream.indirect.gather [hbm4b:s1+s8], $0x80, s20, s8, $0xb8;
	[tilespmem:$0x1DC80] =	vst v63  }
0x7a: {  	s22 =	rddreg [dreg:$0xe]  }
0x7b: {  	[tilespmem:s13], [sflag:$0x8] =	stream.linear.gather [hbm4b:s22+s31], $0x100, $0x38;
	[tilespmem:$0x1DC80] =	vst v63  }
0x7c: {  	s23 =	rddreg [dreg:$0xf]  }
0x7d: {  	[tilespmem:s14], [sflag:$0xA] =	stream.linear.gather [hbm4b:s23+s31], $0x100, $0x38;
	[tilespmem:$0x1DC80] =	vst v63  }
.LBB2_4:
0x7e: {  	_ =	swait.ge [sflag:s15], $0x2800  }
0x7f: {  	[sflag:s15] =	ssyncset.done $0x0  }
0x80: {  	[sflag:s15] =	ssyncadd.s32 $0xFFFFD800  }
0x81: {  	_ =	swait.ge [sflag:s16], $0x2800  }
0x82: {  	[sflag:s16] =	ssyncset.done $0x0  }
0x83: {  	s22 =	simm.s32 $0x2900;
	[sflag:s16] =	ssyncadd.s32 $0xFFFFD800  }
0x84: {  	s23 =	simm.s32 $0x100;
	v1 =	vld [tilespmem:s22+$0x80]  }
0x85: {  	v2 =	vld [tilespmem:s23+$0x80]  }
0x86: {  	v3 =	vld [tilespmem:s23+$0xFFFFFF00]  }
0x87: {  	v4 =	vld [tilespmem:s22+$0xFFFFFF80]  }
0x88: {  	v5 =	vld [tilespmem:s23+$0xFFFFFF80]  }
0x89: {  	v6 =	vld [tilespmem:s23+$0x0]  }
0x8a: {  	v1 =	vadd.f32 v2, v1;
	v2 =	vld [tilespmem:s22+$0x0]  }
0x8b: {  	v7 =	vld [tilespmem:s22+$0xFFFFFF00]  }
0x8c: {  	v1 =	vmax.f32 v1, $0.0e+00  }
0x8d: {  	v4 =	vadd.f32 v5, v4;
	[tilespmem:s22+$0x80] =	vst v1;
	v1 =	vld [tilespmem:s22+$0x90]  }
0x8e: {  	v8 =	vld [tilespmem:s23+$0x90]  }
0x8f: {  	v9 =	vld [tilespmem:s22+$0xFFFFFF90];
	v4 =	vmax.f32 v4, $0.0e+00;
	v2 =	vadd.f32 v6, v2  }
0x90: {  	v5 =	vld [tilespmem:s22+$0xFFFFFF10];
	v3 =	vadd.f32 v3, v7;
	[tilespmem:s22+$0xFFFFFF80] =	vst v4  }
0x91: {  	v6 =	vld [tilespmem:s23+$0xFFFFFF90];
	v2 =	vmax.f32 v2, $0.0e+00  }
0x92: {  	v3 =	vmax.f32 v3, $0.0e+00;
	v4 =	vld [tilespmem:s22+$0x10];
	[tilespmem:s22+$0x0] =	vst v2  }
0x93: {  	[tilespmem:s22+$0xFFFFFF00] =	vst v3;
	v1 =	vadd.f32 v8, v1;
	v2 =	vld [tilespmem:s23+$0x10]  }
0x94: {  	v3 =	vld [tilespmem:s23+$0xFFFFFF10]  }
0x95: {  	v1 =	vmax.f32 v1, $0.0e+00  }
0x96: {  	v6 =	vadd.f32 v6, v9;
	[tilespmem:s22+$0x90] =	vst v1;
	v1 =	vld [tilespmem:s22+$0xA0]  }
0x97: {  	v8 =	vld [tilespmem:s23+$0xA0]  }
0x98: {  	v7 =	vld [tilespmem:s22+$0xFFFFFF20];
	v6 =	vmax.f32 v6, $0.0e+00;
	v2 =	vadd.f32 v2, v4  }
0x99: {  	v3 =	vadd.f32 v3, v5;
	v9 =	vld [tilespmem:s22+$0xFFFFFFA0];
	[tilespmem:s22+$0xFFFFFF90] =	vst v6  }
0x9a: {  	v5 =	vld [tilespmem:s23+$0xFFFFFFA0];
	v2 =	vmax.f32 v2, $0.0e+00  }
0x9b: {  	v3 =	vmax.f32 v3, $0.0e+00;
	v4 =	vld [tilespmem:s22+$0x20];
	[tilespmem:s22+$0x10] =	vst v2  }
0x9c: {  	[tilespmem:s22+$0xFFFFFF10] =	vst v3;
	v1 =	vadd.f32 v8, v1;
	v2 =	vld [tilespmem:s23+$0x20]  }
0x9d: {  	v3 =	vld [tilespmem:s23+$0xFFFFFF20]  }
0x9e: {  	v1 =	vmax.f32 v1, $0.0e+00  }
0x9f: {  	v5 =	vadd.f32 v5, v9;
	[tilespmem:s22+$0xA0] =	vst v1;
	v1 =	vld [tilespmem:s22+$0xB0]  }
0xa0: {  	v8 =	vld [tilespmem:s23+$0xB0]  }
0xa1: {  	v10 =	vld [tilespmem:s22+$0x30];
	v5 =	vmax.f32 v5, $0.0e+00;
	v2 =	vadd.f32 v2, v4  }
0xa2: {  	v3 =	vadd.f32 v3, v7;
	v9 =	vld [tilespmem:s22+$0xFFFFFFB0];
	[tilespmem:s22+$0xFFFFFFA0] =	vst v5  }
0xa3: {  	v4 =	vld [tilespmem:s23+$0xFFFFFFB0];
	v2 =	vmax.f32 v2, $0.0e+00  }
0xa4: {  	v6 =	vld [tilespmem:s22+$0xFFFFFF30];
	[tilespmem:s22+$0x20] =	vst v2;
	v2 =	vmax.f32 v3, $0.0e+00  }
0xa5: {  	v1 =	vadd.f32 v8, v1;
	[tilespmem:s22+$0xFFFFFF20] =	vst v2;
	v2 =	vld [tilespmem:s23+$0x30]  }
0xa6: {  	v7 =	vld [tilespmem:s23+$0xFFFFFF30]  }
0xa7: {  	v11 =	vld [tilespmem:s22+$0xFFFFFF40];
	v1 =	vmax.f32 v1, $0.0e+00  }
0xa8: {  	v4 =	vadd.f32 v4, v9;
	[tilespmem:s22+$0xB0] =	vst v1;
	v1 =	vld [tilespmem:s22+$0xC0]  }
0xa9: {  	v8 =	vld [tilespmem:s23+$0xC0]  }
0xaa: {  	v12 =	vld [tilespmem:s22+$0xFFFFFFD0];
	v4 =	vmax.f32 v4, $0.0e+00;
	v2 =	vadd.f32 v2, v10  }
0xab: {  	v5 =	vld [tilespmem:s22+$0xFFFFFFC0];
	[tilespmem:s22+$0xFFFFFFB0] =	vst v4;
	v6 =	vadd.f32 v7, v6  }
0xac: {  	v7 =	vld [tilespmem:s23+$0xFFFFFFC0];
	v2 =	vmax.f32 v2, $0.0e+00  }
0xad: {  	v3 =	vld [tilespmem:s22+$0x40];
	[tilespmem:s22+$0x30] =	vst v2;
	v2 =	vmax.f32 v6, $0.0e+00  }
0xae: {  	v1 =	vadd.f32 v8, v1;
	v6 =	vld [tilespmem:s23+$0x40];
	[tilespmem:s22+$0xFFFFFF30] =	vst v2  }
0xaf: {  	v2 =	vld [tilespmem:s23+$0xFFFFFF40]  }
0xb0: {  	v9 =	vld [tilespmem:s22+$0xFFFFFF50];
	v1 =	vmax.f32 v1, $0.0e+00  }
0xb1: {  	[tilespmem:s22+$0xC0] =	vst v1;
	v1 =	vadd.f32 v7, v5;
	v7 =	vld [tilespmem:s22+$0xD0]  }
0xb2: {  	v8 =	vld [tilespmem:s23+$0xD0]  }
0xb3: {  	v4 =	vld [tilespmem:s22+$0xFFFFFF60];
	v1 =	vmax.f32 v1, $0.0e+00;
	v3 =	vadd.f32 v6, v3  }
0xb4: {  	v10 =	vld [tilespmem:s22+$0x50];
	[tilespmem:s22+$0xFFFFFFC0] =	vst v1;
	v1 =	vadd.f32 v2, v11  }
0xb5: {  	v2 =	vld [tilespmem:s23+$0xFFFFFFD0];
	v3 =	vmax.f32 v3, $0.0e+00  }
0xb6: {  	v5 =	vld [tilespmem:s22+$0xFFFFFFE0];
	[tilespmem:s22+$0x40] =	vst v3;
	v1 =	vmax.f32 v1, $0.0e+00  }
0xb7: {  	v3 =	vld [tilespmem:s23+$0x50];
	v7 =	vadd.f32 v8, v7;
	[tilespmem:s22+$0xFFFFFF40] =	vst v1  }
0xb8: {  	v1 =	vld [tilespmem:s23+$0xFFFFFF50]  }
0xb9: {  	v6 =	vld [tilespmem:s22+$0x60];
	v7 =	vmax.f32 v7, $0.0e+00  }
0xba: {  	v2 =	vadd.f32 v2, v12;
	[tilespmem:s22+$0xD0] =	vst v7;
	v7 =	vld [tilespmem:s22+$0xE0]  }
0xbb: {  	v11 =	vld [tilespmem:s23+$0xE0]  }
0xbc: {  	v2 =	vmax.f32 v2, $0.0e+00;
	v8 =	vadd.f32 v3, v10;
	v3 =	vld [tilespmem:s22+$0xFFFFFF70]  }
0xbd: {  	[tilespmem:s22+$0xFFFFFFD0] =	vst v2;
	v1 =	vadd.f32 v1, v9;
	v2 =	vld [tilespmem:s22+$0xFFFFFFF0]  }
0xbe: {  	v9 =	vmax.f32 v8, $0.0e+00;
	v8 =	vld [tilespmem:s23+$0xFFFFFFE0]  }
0xbf: {  	[tilespmem:s22+$0x50] =	vst v9;
	v9 =	vmax.f32 v1, $0.0e+00;
	v1 =	vld [tilespmem:s22+$0x70]  }
0xc0: {  	[tilespmem:s22+$0xFFFFFF50] =	vst v9;
	v9 =	vld [tilespmem:s23+$0x60];
	v7 =	vadd.f32 v11, v7  }
0xc1: {  	v10 =	vld [tilespmem:s23+$0xFFFFFF60]  }
0xc2: {  	s19 =	simm.s32 $0x0;
	s20 =	simm.s32 $0x2B00;
	s10 =	simm.s32 $0x100;
	v11 =	vmax.f32 v7, $0.0e+00;
	v7 =	vld [tilespmem:s22+$0xF0]  }
.LBB2_5:
0xc3: {  	v12 =	vld [tilespmem:s20+$0x80];
	v5 =	vadd.f32 v8, v5;
	[tilespmem:s22+$0xE0] =	vst v11  }
0xc4: {  	s10 =	sadd.s32 $0x200, s10;
	v8 =	vld [tilespmem:s23+$0xF0]  }
0xc5: {  	s19 =	sadd.s32 $0x4, s19;
	v11 =	vld [tilespmem:s10+$0x80];
	v5 =	vmax.f32 v5, $0.0e+00;
	v6 =	vadd.f32 v9, v6  }
0xc6: {  	p1 =	slt.u32 s19, $0x4C;
	v9 =	vld [tilespmem:s10+$0xFFFFFF00];
	v4 =	vadd.f32 v10, v4;
	[tilespmem:s22+$0xFFFFFFE0] =	vst v5  }
0xc7: {  	v5 =	vld [tilespmem:s20+$0xFFFFFF80];
	v6 =	vmax.f32 v6, $0.0e+00  }
0xc8: {  	v10 =	vld [tilespmem:s10+$0xFFFFFF80];
	v4 =	vmax.f32 v4, $0.0e+00;
	[tilespmem:s22+$0x60] =	vst v6  }
0xc9: {  	v6 =	vld [tilespmem:s20+$0x0];
	[tilespmem:s22+$0xFFFFFF60] =	vst v4;
	v4 =	vadd.f32 v8, v7  }
0xca: {  	v7 =	vld [tilespmem:s10+$0x0];
	v8 =	vadd.f32 v11, v12  }
0xcb: {  	v11 =	vld [tilespmem:s20+$0xFFFFFF00];
	v4 =	vmax.f32 v4, $0.0e+00  }
0xcc: {  	v12 =	vld [tilespmem:s20+$0xFFFFFF10];
	v8 =	vmax.f32 v8, $0.0e+00;
	[tilespmem:s22+$0xF0] =	vst v4  }
0xcd: {  	v4 =	vadd.f32 v10, v5;
	[tilespmem:s20+$0x80] =	vst v8;
	v5 =	vld [tilespmem:s20+$0x90]  }
0xce: {  	v8 =	vld [tilespmem:s10+$0x90]  }
0xcf: {  	v4 =	vmax.f32 v4, $0.0e+00;
	v10 =	vld [tilespmem:s20+$0xFFFFFF90];
	v6 =	vadd.f32 v7, v6  }
0xd0: {  	v7 =	vadd.f32 v9, v11;
	[tilespmem:s20+$0xFFFFFF80] =	vst v4;
	v4 =	vld [tilespmem:s20+$0x10]  }
0xd1: {  	v9 =	vld [tilespmem:s10+$0xFFFFFF90];
	v6 =	vmax.f32 v6, $0.0e+00  }
0xd2: {  	v7 =	vmax.f32 v7, $0.0e+00;
	v11 =	vld [tilespmem:s20+$0xFFFFFF20];
	[tilespmem:s20+$0x0] =	vst v6  }
0xd3: {  	[tilespmem:s20+$0xFFFFFF00] =	vst v7;
	v6 =	vld [tilespmem:s10+$0x10];
	v5 =	vadd.f32 v8, v5  }
0xd4: {  	v7 =	vld [tilespmem:s10+$0xFFFFFF10]  }
0xd5: {  	v8 =	vld [tilespmem:s20+$0xFFFFFFA0];
	v5 =	vmax.f32 v5, $0.0e+00  }
0xd6: {  	v9 =	vadd.f32 v9, v10;
	[tilespmem:s20+$0x90] =	vst v5;
	v5 =	vld [tilespmem:s20+$0xA0]  }
0xd7: {  	v10 =	vld [tilespmem:s10+$0xA0]  }
0xd8: {  	v9 =	vmax.f32 v9, $0.0e+00;
	v4 =	vadd.f32 v6, v4;
	v6 =	vld [tilespmem:s20+$0x20]  }
0xd9: {  	v7 =	vadd.f32 v7, v12;
	v12 =	vld [tilespmem:s20+$0xFFFFFF30];
	[tilespmem:s20+$0xFFFFFF90] =	vst v9  }
0xda: {  	v9 =	vld [tilespmem:s10+$0xFFFFFFA0];
	v4 =	vmax.f32 v4, $0.0e+00  }
0xdb: {  	v7 =	vmax.f32 v7, $0.0e+00;
	v13 =	vld [tilespmem:s20+$0xFFFFFFB0];
	[tilespmem:s20+$0x10] =	vst v4  }
0xdc: {  	[tilespmem:s20+$0xFFFFFF10] =	vst v7;
	v4 =	vld [tilespmem:s10+$0x20];
	v5 =	vadd.f32 v10, v5  }
0xdd: {  	v7 =	vld [tilespmem:s10+$0xFFFFFF20]  }
0xde: {  	v10 =	vld [tilespmem:s20+$0x30];
	v5 =	vmax.f32 v5, $0.0e+00  }
0xdf: {  	v8 =	vadd.f32 v9, v8;
	[tilespmem:s20+$0xA0] =	vst v5;
	v5 =	vld [tilespmem:s20+$0xB0]  }
0xe0: {  	v9 =	vld [tilespmem:s10+$0xB0]  }
0xe1: {  	v14 =	vld [tilespmem:s20+$0xFFFFFF40];
	v8 =	vmax.f32 v8, $0.0e+00;
	v4 =	vadd.f32 v4, v6  }
0xe2: {  	v6 =	vadd.f32 v7, v11;
	[tilespmem:s20+$0xFFFFFFA0] =	vst v8;
	v7 =	vld [tilespmem:s20+$0xFFFFFFC0]  }
0xe3: {  	v8 =	vld [tilespmem:s10+$0xFFFFFFB0];
	v4 =	vmax.f32 v4, $0.0e+00  }
0xe4: {  	v6 =	vmax.f32 v6, $0.0e+00;
	[tilespmem:s20+$0x20] =	vst v4;
	v11 =	vld [tilespmem:s20+$0x40]  }
0xe5: {  	[tilespmem:s20+$0xFFFFFF20] =	vst v6;
	v4 =	vld [tilespmem:s10+$0x30];
	v5 =	vadd.f32 v9, v5  }
0xe6: {  	v6 =	vld [tilespmem:s10+$0xFFFFFF30]  }
0xe7: {  	v9 =	vld [tilespmem:s20+$0xFFFFFF50];
	v5 =	vmax.f32 v5, $0.0e+00  }
0xe8: {  	v8 =	vadd.f32 v8, v13;
	[tilespmem:s20+$0xB0] =	vst v5;
	v5 =	vld [tilespmem:s20+$0xC0]  }
0xe9: {  	v13 =	vld [tilespmem:s10+$0xC0]  }
0xea: {  	v8 =	vmax.f32 v8, $0.0e+00;
	v15 =	vld [tilespmem:s20+$0xFFFFFFD0];
	v4 =	vadd.f32 v4, v10  }
0xeb: {  	v6 =	vadd.f32 v6, v12;
	[tilespmem:s20+$0xFFFFFFB0] =	vst v8;
	v8 =	vld [tilespmem:s20+$0x50]  }
0xec: {  	v10 =	vld [tilespmem:s10+$0xFFFFFFC0];
	v12 =	vmax.f32 v4, $0.0e+00  }
0xed: {  	v6 =	vmax.f32 v6, $0.0e+00;
	v4 =	vld [tilespmem:s20+$0xFFFFFF60];
	[tilespmem:s20+$0x30] =	vst v12  }
0xee: {  	[tilespmem:s20+$0xFFFFFF30] =	vst v6;
	v6 =	vld [tilespmem:s10+$0x40];
	v12 =	vadd.f32 v13, v5  }
0xef: {  	v13 =	vld [tilespmem:s10+$0xFFFFFF40]  }
0xf0: {  	v5 =	vld [tilespmem:s20+$0xFFFFFFE0];
	v12 =	vmax.f32 v12, $0.0e+00  }
0xf1: {  	v7 =	vadd.f32 v10, v7;
	[tilespmem:s20+$0xC0] =	vst v12;
	v10 =	vld [tilespmem:s20+$0xD0]  }
0xf2: {  	v12 =	vld [tilespmem:s10+$0xD0]  }
0xf3: {  	v7 =	vmax.f32 v7, $0.0e+00;
	v11 =	vadd.f32 v6, v11;
	v6 =	vld [tilespmem:s20+$0x60]  }
0xf4: {  	v13 =	vadd.f32 v13, v14;
	[tilespmem:s20+$0xFFFFFFC0] =	vst v7;
	v7 =	vld [tilespmem:s23+$0xFFFFFF70]  }
0xf5: {  	v14 =	vld [tilespmem:s10+$0xFFFFFFD0];
	v11 =	vmax.f32 v11, $0.0e+00  }
0xf6: {  	v13 =	vmax.f32 v13, $0.0e+00;
	[tilespmem:s20+$0x40] =	vst v11;
	v11 =	vld [tilespmem:s23+$0xFFFFFFF0]  }
0xf7: {  	[tilespmem:s20+$0xFFFFFF40] =	vst v13;
	v13 =	vld [tilespmem:s10+$0x50];
	v10 =	vadd.f32 v12, v10  }
0xf8: {  	v12 =	vld [tilespmem:s10+$0xFFFFFF50]  }
0xf9: {  	v10 =	vmax.f32 v10, $0.0e+00;
	v3 =	vadd.f32 v7, v3;
	v7 =	vld [tilespmem:s23+$0x70];
	s23 =	smov.u32 s10  }
0xfa: {  	v14 =	vadd.f32 v14, v15;
	[tilespmem:s20+$0xD0] =	vst v10;
	v10 =	vld [tilespmem:s20+$0xE0]  }
0xfb: {  	v15 =	vld [tilespmem:s10+$0xE0];
	v16 =	vmax.f32 v3, $0.0e+00;
	v11 =	vadd.f32 v11, v2  }
0xfc: {  	v3 =	vld [tilespmem:s20+$0xFFFFFF70];
	v2 =	vmax.f32 v14, $0.0e+00;
	v13 =	vadd.f32 v13, v8;
	[tilespmem:s22+$0xFFFFFF70] =	vst v16  }
0xfd: {  	v9 =	vadd.f32 v12, v9;
	[tilespmem:s20+$0xFFFFFFD0] =	vst v2;
	v2 =	vld [tilespmem:s20+$0xFFFFFFF0];
	v11 =	vmax.f32 v11, $0.0e+00  }
.Ltmp1:
0xfe: {  	v8 =	vld [tilespmem:s10+$0xFFFFFFE0];
	v12 =	vmax.f32 v13, $0.0e+00;
	[tilespmem:s22+$0xFFFFFFF0] =	vst v11;
	v7 =	vadd.f32 v7, v1;
	(pc) =	sbr.rel @p1 .LBB2_5-.Ltmp1, $4  }
0xff: {  	v9 =	vmax.f32 v9, $0.0e+00;
	[tilespmem:s20+$0x50] =	vst v12;
	v1 =	vld [tilespmem:s20+$0x70]  }
0x100: {  	[tilespmem:s20+$0xFFFFFF50] =	vst v9;
	v9 =	vld [tilespmem:s10+$0x60];
	v11 =	vadd.f32 v15, v10;
	v7 =	vmax.f32 v7, $0.0e+00  }
0x101: {  	v10 =	vld [tilespmem:s10+$0xFFFFFF60];
	[tilespmem:s22+$0x70] =	vst v7;
	s22 =	smov.u32 s20  }
0x102: {  	s20 =	sadd.s32 $0x200, s20;
	v11 =	vmax.f32 v11, $0.0e+00;
	v7 =	vld [tilespmem:s22+$0xF0]  }
0x103: {  	_ =	sdelay $0x2  }
0x104: {  	v4 =	vadd.f32 v10, v4  }
0x105: {  	v5 =	vadd.f32 v8, v5  }
0x106: {  	[tilespmem:s22+$0xE0] =	vst v11;
	v6 =	vadd.f32 v9, v6;
	v4 =	vmax.f32 v4, $0.0e+00  }
0x107: {  	v8 =	vld [tilespmem:s23+$0xF0];
	v5 =	vmax.f32 v5, $0.0e+00;
	[tilespmem:s22+$0xFFFFFF60] =	vst v4  }
0x108: {  	[tilespmem:s22+$0xFFFFFFE0] =	vst v5;
	v4 =	vmax.f32 v6, $0.0e+00;
	v5 =	vld [tilespmem:s23+$0xFFFFFF70]  }
0x109: {  	[tilespmem:s22+$0x60] =	vst v4;
	v4 =	vld [tilespmem:s23+$0xFFFFFFF0]  }
0x10a: {  	v6 =	vld [tilespmem:s23+$0x70];
	_ =	sdelay $0x1  }
0x10b: {  	v7 =	vadd.f32 v8, v7  }
0x10c: {  	v3 =	vadd.f32 v5, v3  }
0x10d: {  	v5 =	vmax.f32 v7, $0.0e+00;
	v2 =	vadd.f32 v4, v2  }
0x10e: {  	[tilespmem:s22+$0xF0] =	vst v5;
	v1 =	vadd.f32 v6, v1;
	v3 =	vmax.f32 v3, $0.0e+00  }
0x10f: {  	v2 =	vmax.f32 v2, $0.0e+00;
	[tilespmem:s22+$0xFFFFFF70] =	vst v3  }
0x110: {  	[tilespmem:s22+$0xFFFFFFF0] =	vst v2;
	v1 =	vmax.f32 v1, $0.0e+00  }
0x111: {  	[tilespmem:s22+$0x70] =	vst v1  }
0x112: {  	[spmem:s2] =	stream.indirect.scatter.add.f32 [tilespmem:s28], [sflag:$0x5], $0x80, s9, s8, $0xb8;
	[tilespmem:$0x1DC80] =	vst v63  }
0x113: {  	_ =	swait.ge [sflag:s17], $0x2800  }
0x114: {  	[sflag:s17] =	ssyncset.done $0x0  }
0x115: {  	[sflag:s17] =	ssyncadd.s32 $0xFFFFD800  }
0x116: {  	_ =	swait.ge [sflag:s18], $0x2800  }
0x117: {  	[sflag:s18] =	ssyncset.done $0x0  }
0x118: {  	s22 =	simm.s32 $0x7900;
	[sflag:s18] =	ssyncadd.s32 $0xFFFFD800  }
0x119: {  	s23 =	simm.s32 $0x5100;
	v1 =	vld [tilespmem:s22+$0x80]  }
0x11a: {  	v2 =	vld [tilespmem:s23+$0x80]  }
0x11b: {  	v3 =	vld [tilespmem:s23+$0xFFFFFF00]  }
0x11c: {  	v4 =	vld [tilespmem:s22+$0xFFFFFF80]  }
0x11d: {  	v5 =	vld [tilespmem:s23+$0xFFFFFF80]  }
0x11e: {  	v6 =	vld [tilespmem:s23+$0x0]  }
0x11f: {  	v1 =	vadd.f32 v2, v1;
	v2 =	vld [tilespmem:s22+$0x0]  }
0x120: {  	v7 =	vld [tilespmem:s22+$0xFFFFFF00]  }
0x121: {  	v1 =	vmax.f32 v1, $0.0e+00  }
0x122: {  	v4 =	vadd.f32 v5, v4;
	[tilespmem:s22+$0x80] =	vst v1;
	v1 =	vld [tilespmem:s22+$0x90]  }
0x123: {  	v8 =	vld [tilespmem:s23+$0x90]  }
0x124: {  	v9 =	vld [tilespmem:s22+$0xFFFFFF90];
	v4 =	vmax.f32 v4, $0.0e+00;
	v2 =	vadd.f32 v6, v2  }
0x125: {  	v5 =	vld [tilespmem:s22+$0xFFFFFF10];
	v3 =	vadd.f32 v3, v7;
	[tilespmem:s22+$0xFFFFFF80] =	vst v4  }
0x126: {  	v6 =	vld [tilespmem:s23+$0xFFFFFF90];
	v2 =	vmax.f32 v2, $0.0e+00  }
0x127: {  	v3 =	vmax.f32 v3, $0.0e+00;
	v4 =	vld [tilespmem:s22+$0x10];
	[tilespmem:s22+$0x0] =	vst v2  }
0x128: {  	[tilespmem:s22+$0xFFFFFF00] =	vst v3;
	v1 =	vadd.f32 v8, v1;
	v2 =	vld [tilespmem:s23+$0x10]  }
0x129: {  	v3 =	vld [tilespmem:s23+$0xFFFFFF10]  }
0x12a: {  	v1 =	vmax.f32 v1, $0.0e+00  }
0x12b: {  	v6 =	vadd.f32 v6, v9;
	[tilespmem:s22+$0x90] =	vst v1;
	v1 =	vld [tilespmem:s22+$0xA0]  }
0x12c: {  	v8 =	vld [tilespmem:s23+$0xA0]  }
0x12d: {  	v7 =	vld [tilespmem:s22+$0xFFFFFF20];
	v6 =	vmax.f32 v6, $0.0e+00;
	v2 =	vadd.f32 v2, v4  }
0x12e: {  	v3 =	vadd.f32 v3, v5;
	v9 =	vld [tilespmem:s22+$0xFFFFFFA0];
	[tilespmem:s22+$0xFFFFFF90] =	vst v6  }
0x12f: {  	v5 =	vld [tilespmem:s23+$0xFFFFFFA0];
	v2 =	vmax.f32 v2, $0.0e+00  }
0x130: {  	v3 =	vmax.f32 v3, $0.0e+00;
	v4 =	vld [tilespmem:s22+$0x20];
	[tilespmem:s22+$0x10] =	vst v2  }
0x131: {  	[tilespmem:s22+$0xFFFFFF10] =	vst v3;
	v1 =	vadd.f32 v8, v1;
	v2 =	vld [tilespmem:s23+$0x20]  }
0x132: {  	v3 =	vld [tilespmem:s23+$0xFFFFFF20]  }
0x133: {  	v1 =	vmax.f32 v1, $0.0e+00  }
0x134: {  	v5 =	vadd.f32 v5, v9;
	[tilespmem:s22+$0xA0] =	vst v1;
	v1 =	vld [tilespmem:s22+$0xB0]  }
0x135: {  	v8 =	vld [tilespmem:s23+$0xB0]  }
0x136: {  	v10 =	vld [tilespmem:s22+$0x30];
	v5 =	vmax.f32 v5, $0.0e+00;
	v2 =	vadd.f32 v2, v4  }
0x137: {  	v3 =	vadd.f32 v3, v7;
	v9 =	vld [tilespmem:s22+$0xFFFFFFB0];
	[tilespmem:s22+$0xFFFFFFA0] =	vst v5  }
0x138: {  	v4 =	vld [tilespmem:s23+$0xFFFFFFB0];
	v2 =	vmax.f32 v2, $0.0e+00  }
0x139: {  	v6 =	vld [tilespmem:s22+$0xFFFFFF30];
	[tilespmem:s22+$0x20] =	vst v2;
	v2 =	vmax.f32 v3, $0.0e+00  }
0x13a: {  	v1 =	vadd.f32 v8, v1;
	[tilespmem:s22+$0xFFFFFF20] =	vst v2;
	v2 =	vld [tilespmem:s23+$0x30]  }
0x13b: {  	v7 =	vld [tilespmem:s23+$0xFFFFFF30]  }
0x13c: {  	v11 =	vld [tilespmem:s22+$0xFFFFFF40];
	v1 =	vmax.f32 v1, $0.0e+00  }
0x13d: {  	v4 =	vadd.f32 v4, v9;
	[tilespmem:s22+$0xB0] =	vst v1;
	v1 =	vld [tilespmem:s22+$0xC0]  }
0x13e: {  	v8 =	vld [tilespmem:s23+$0xC0]  }
0x13f: {  	v12 =	vld [tilespmem:s22+$0xFFFFFFD0];
	v4 =	vmax.f32 v4, $0.0e+00;
	v2 =	vadd.f32 v2, v10  }
0x140: {  	v5 =	vld [tilespmem:s22+$0xFFFFFFC0];
	[tilespmem:s22+$0xFFFFFFB0] =	vst v4;
	v6 =	vadd.f32 v7, v6  }
0x141: {  	v7 =	vld [tilespmem:s23+$0xFFFFFFC0];
	v2 =	vmax.f32 v2, $0.0e+00  }
0x142: {  	v3 =	vld [tilespmem:s22+$0x40];
	[tilespmem:s22+$0x30] =	vst v2;
	v2 =	vmax.f32 v6, $0.0e+00  }
0x143: {  	v1 =	vadd.f32 v8, v1;
	v6 =	vld [tilespmem:s23+$0x40];
	[tilespmem:s22+$0xFFFFFF30] =	vst v2  }
0x144: {  	v2 =	vld [tilespmem:s23+$0xFFFFFF40]  }
0x145: {  	v9 =	vld [tilespmem:s22+$0xFFFFFF50];
	v1 =	vmax.f32 v1, $0.0e+00  }
0x146: {  	[tilespmem:s22+$0xC0] =	vst v1;
	v1 =	vadd.f32 v7, v5;
	v7 =	vld [tilespmem:s22+$0xD0]  }
0x147: {  	v8 =	vld [tilespmem:s23+$0xD0]  }
0x148: {  	v4 =	vld [tilespmem:s22+$0xFFFFFF60];
	v1 =	vmax.f32 v1, $0.0e+00;
	v3 =	vadd.f32 v6, v3  }
0x149: {  	v10 =	vld [tilespmem:s22+$0x50];
	[tilespmem:s22+$0xFFFFFFC0] =	vst v1;
	v1 =	vadd.f32 v2, v11  }
0x14a: {  	v2 =	vld [tilespmem:s23+$0xFFFFFFD0];
	v3 =	vmax.f32 v3, $0.0e+00  }
0x14b: {  	v5 =	vld [tilespmem:s22+$0xFFFFFFE0];
	[tilespmem:s22+$0x40] =	vst v3;
	v1 =	vmax.f32 v1, $0.0e+00  }
0x14c: {  	v3 =	vld [tilespmem:s23+$0x50];
	v7 =	vadd.f32 v8, v7;
	[tilespmem:s22+$0xFFFFFF40] =	vst v1  }
0x14d: {  	v1 =	vld [tilespmem:s23+$0xFFFFFF50]  }
0x14e: {  	v6 =	vld [tilespmem:s22+$0x60];
	v7 =	vmax.f32 v7, $0.0e+00  }
0x14f: {  	v2 =	vadd.f32 v2, v12;
	[tilespmem:s22+$0xD0] =	vst v7;
	v7 =	vld [tilespmem:s22+$0xE0]  }
0x150: {  	v11 =	vld [tilespmem:s23+$0xE0]  }
0x151: {  	v2 =	vmax.f32 v2, $0.0e+00;
	v8 =	vadd.f32 v3, v10;
	v3 =	vld [tilespmem:s22+$0xFFFFFF70]  }
0x152: {  	[tilespmem:s22+$0xFFFFFFD0] =	vst v2;
	v1 =	vadd.f32 v1, v9;
	v2 =	vld [tilespmem:s22+$0xFFFFFFF0]  }
0x153: {  	v9 =	vmax.f32 v8, $0.0e+00;
	v8 =	vld [tilespmem:s23+$0xFFFFFFE0]  }
0x154: {  	[tilespmem:s22+$0x50] =	vst v9;
	v9 =	vmax.f32 v1, $0.0e+00;
	v1 =	vld [tilespmem:s22+$0x70]  }
0x155: {  	[tilespmem:s22+$0xFFFFFF50] =	vst v9;
	v9 =	vld [tilespmem:s23+$0x60];
	v7 =	vadd.f32 v11, v7  }
0x156: {  	v10 =	vld [tilespmem:s23+$0xFFFFFF60]  }
0x157: {  	s19 =	simm.s32 $0x0;
	s20 =	simm.s32 $0x7B00;
	s10 =	simm.s32 $0x5100;
	v11 =	vmax.f32 v7, $0.0e+00;
	v7 =	vld [tilespmem:s22+$0xF0]  }
.LBB2_7:
0x158: {  	v12 =	vld [tilespmem:s20+$0x80];
	v5 =	vadd.f32 v8, v5;
	[tilespmem:s22+$0xE0] =	vst v11  }
0x159: {  	s10 =	sadd.s32 $0x200, s10;
	v8 =	vld [tilespmem:s23+$0xF0]  }
0x15a: {  	s19 =	sadd.s32 $0x4, s19;
	v11 =	vld [tilespmem:s10+$0x80];
	v5 =	vmax.f32 v5, $0.0e+00;
	v6 =	vadd.f32 v9, v6  }
0x15b: {  	p1 =	slt.u32 s19, $0x4C;
	v9 =	vld [tilespmem:s10+$0xFFFFFF00];
	v4 =	vadd.f32 v10, v4;
	[tilespmem:s22+$0xFFFFFFE0] =	vst v5  }
0x15c: {  	v5 =	vld [tilespmem:s20+$0xFFFFFF80];
	v6 =	vmax.f32 v6, $0.0e+00  }
0x15d: {  	v10 =	vld [tilespmem:s10+$0xFFFFFF80];
	v4 =	vmax.f32 v4, $0.0e+00;
	[tilespmem:s22+$0x60] =	vst v6  }
0x15e: {  	v6 =	vld [tilespmem:s20+$0x0];
	[tilespmem:s22+$0xFFFFFF60] =	vst v4;
	v4 =	vadd.f32 v8, v7  }
0x15f: {  	v7 =	vld [tilespmem:s10+$0x0];
	v8 =	vadd.f32 v11, v12  }
0x160: {  	v11 =	vld [tilespmem:s20+$0xFFFFFF00];
	v4 =	vmax.f32 v4, $0.0e+00  }
0x161: {  	v12 =	vld [tilespmem:s20+$0xFFFFFF10];
	v8 =	vmax.f32 v8, $0.0e+00;
	[tilespmem:s22+$0xF0] =	vst v4  }
0x162: {  	v4 =	vadd.f32 v10, v5;
	[tilespmem:s20+$0x80] =	vst v8;
	v5 =	vld [tilespmem:s20+$0x90]  }
0x163: {  	v8 =	vld [tilespmem:s10+$0x90]  }
0x164: {  	v4 =	vmax.f32 v4, $0.0e+00;
	v10 =	vld [tilespmem:s20+$0xFFFFFF90];
	v6 =	vadd.f32 v7, v6  }
0x165: {  	v7 =	vadd.f32 v9, v11;
	[tilespmem:s20+$0xFFFFFF80] =	vst v4;
	v4 =	vld [tilespmem:s20+$0x10]  }
0x166: {  	v9 =	vld [tilespmem:s10+$0xFFFFFF90];
	v6 =	vmax.f32 v6, $0.0e+00  }
0x167: {  	v7 =	vmax.f32 v7, $0.0e+00;
	v11 =	vld [tilespmem:s20+$0xFFFFFF20];
	[tilespmem:s20+$0x0] =	vst v6  }
0x168: {  	[tilespmem:s20+$0xFFFFFF00] =	vst v7;
	v6 =	vld [tilespmem:s10+$0x10];
	v5 =	vadd.f32 v8, v5  }
0x169: {  	v7 =	vld [tilespmem:s10+$0xFFFFFF10]  }
0x16a: {  	v8 =	vld [tilespmem:s20+$0xFFFFFFA0];
	v5 =	vmax.f32 v5, $0.0e+00  }
0x16b: {  	v9 =	vadd.f32 v9, v10;
	[tilespmem:s20+$0x90] =	vst v5;
	v5 =	vld [tilespmem:s20+$0xA0]  }
0x16c: {  	v10 =	vld [tilespmem:s10+$0xA0]  }
0x16d: {  	v9 =	vmax.f32 v9, $0.0e+00;
	v4 =	vadd.f32 v6, v4;
	v6 =	vld [tilespmem:s20+$0x20]  }
0x16e: {  	v7 =	vadd.f32 v7, v12;
	v12 =	vld [tilespmem:s20+$0xFFFFFF30];
	[tilespmem:s20+$0xFFFFFF90] =	vst v9  }
0x16f: {  	v9 =	vld [tilespmem:s10+$0xFFFFFFA0];
	v4 =	vmax.f32 v4, $0.0e+00  }
0x170: {  	v7 =	vmax.f32 v7, $0.0e+00;
	v13 =	vld [tilespmem:s20+$0xFFFFFFB0];
	[tilespmem:s20+$0x10] =	vst v4  }
0x171: {  	[tilespmem:s20+$0xFFFFFF10] =	vst v7;
	v4 =	vld [tilespmem:s10+$0x20];
	v5 =	vadd.f32 v10, v5  }
0x172: {  	v7 =	vld [tilespmem:s10+$0xFFFFFF20]  }
0x173: {  	v10 =	vld [tilespmem:s20+$0x30];
	v5 =	vmax.f32 v5, $0.0e+00  }
0x174: {  	v8 =	vadd.f32 v9, v8;
	[tilespmem:s20+$0xA0] =	vst v5;
	v5 =	vld [tilespmem:s20+$0xB0]  }
0x175: {  	v9 =	vld [tilespmem:s10+$0xB0]  }
0x176: {  	v14 =	vld [tilespmem:s20+$0xFFFFFF40];
	v8 =	vmax.f32 v8, $0.0e+00;
	v4 =	vadd.f32 v4, v6  }
0x177: {  	v6 =	vadd.f32 v7, v11;
	[tilespmem:s20+$0xFFFFFFA0] =	vst v8;
	v7 =	vld [tilespmem:s20+$0xFFFFFFC0]  }
0x178: {  	v8 =	vld [tilespmem:s10+$0xFFFFFFB0];
	v4 =	vmax.f32 v4, $0.0e+00  }
0x179: {  	v6 =	vmax.f32 v6, $0.0e+00;
	[tilespmem:s20+$0x20] =	vst v4;
	v11 =	vld [tilespmem:s20+$0x40]  }
0x17a: {  	[tilespmem:s20+$0xFFFFFF20] =	vst v6;
	v4 =	vld [tilespmem:s10+$0x30];
	v5 =	vadd.f32 v9, v5  }
0x17b: {  	v6 =	vld [tilespmem:s10+$0xFFFFFF30]  }
0x17c: {  	v9 =	vld [tilespmem:s20+$0xFFFFFF50];
	v5 =	vmax.f32 v5, $0.0e+00  }
0x17d: {  	v8 =	vadd.f32 v8, v13;
	[tilespmem:s20+$0xB0] =	vst v5;
	v5 =	vld [tilespmem:s20+$0xC0]  }
0x17e: {  	v13 =	vld [tilespmem:s10+$0xC0]  }
0x17f: {  	v8 =	vmax.f32 v8, $0.0e+00;
	v15 =	vld [tilespmem:s20+$0xFFFFFFD0];
	v4 =	vadd.f32 v4, v10  }
0x180: {  	v6 =	vadd.f32 v6, v12;
	[tilespmem:s20+$0xFFFFFFB0] =	vst v8;
	v8 =	vld [tilespmem:s20+$0x50]  }
0x181: {  	v10 =	vld [tilespmem:s10+$0xFFFFFFC0];
	v12 =	vmax.f32 v4, $0.0e+00  }
0x182: {  	v6 =	vmax.f32 v6, $0.0e+00;
	v4 =	vld [tilespmem:s20+$0xFFFFFF60];
	[tilespmem:s20+$0x30] =	vst v12  }
0x183: {  	[tilespmem:s20+$0xFFFFFF30] =	vst v6;
	v6 =	vld [tilespmem:s10+$0x40];
	v12 =	vadd.f32 v13, v5  }
0x184: {  	v13 =	vld [tilespmem:s10+$0xFFFFFF40]  }
0x185: {  	v5 =	vld [tilespmem:s20+$0xFFFFFFE0];
	v12 =	vmax.f32 v12, $0.0e+00  }
0x186: {  	v7 =	vadd.f32 v10, v7;
	[tilespmem:s20+$0xC0] =	vst v12;
	v10 =	vld [tilespmem:s20+$0xD0]  }
0x187: {  	v12 =	vld [tilespmem:s10+$0xD0]  }
0x188: {  	v7 =	vmax.f32 v7, $0.0e+00;
	v11 =	vadd.f32 v6, v11;
	v6 =	vld [tilespmem:s20+$0x60]  }
0x189: {  	v13 =	vadd.f32 v13, v14;
	[tilespmem:s20+$0xFFFFFFC0] =	vst v7;
	v7 =	vld [tilespmem:s23+$0xFFFFFF70]  }
0x18a: {  	v14 =	vld [tilespmem:s10+$0xFFFFFFD0];
	v11 =	vmax.f32 v11, $0.0e+00  }
0x18b: {  	v13 =	vmax.f32 v13, $0.0e+00;
	[tilespmem:s20+$0x40] =	vst v11;
	v11 =	vld [tilespmem:s23+$0xFFFFFFF0]  }
0x18c: {  	[tilespmem:s20+$0xFFFFFF40] =	vst v13;
	v13 =	vld [tilespmem:s10+$0x50];
	v10 =	vadd.f32 v12, v10  }
0x18d: {  	v12 =	vld [tilespmem:s10+$0xFFFFFF50]  }
0x18e: {  	v10 =	vmax.f32 v10, $0.0e+00;
	v3 =	vadd.f32 v7, v3;
	v7 =	vld [tilespmem:s23+$0x70];
	s23 =	smov.u32 s10  }
0x18f: {  	v14 =	vadd.f32 v14, v15;
	[tilespmem:s20+$0xD0] =	vst v10;
	v10 =	vld [tilespmem:s20+$0xE0]  }
0x190: {  	v15 =	vld [tilespmem:s10+$0xE0];
	v16 =	vmax.f32 v3, $0.0e+00;
	v11 =	vadd.f32 v11, v2  }
0x191: {  	v3 =	vld [tilespmem:s20+$0xFFFFFF70];
	v2 =	vmax.f32 v14, $0.0e+00;
	v13 =	vadd.f32 v13, v8;
	[tilespmem:s22+$0xFFFFFF70] =	vst v16  }
0x192: {  	v9 =	vadd.f32 v12, v9;
	[tilespmem:s20+$0xFFFFFFD0] =	vst v2;
	v2 =	vld [tilespmem:s20+$0xFFFFFFF0];
	v11 =	vmax.f32 v11, $0.0e+00  }
.Ltmp2:
0x193: {  	v8 =	vld [tilespmem:s10+$0xFFFFFFE0];
	v12 =	vmax.f32 v13, $0.0e+00;
	[tilespmem:s22+$0xFFFFFFF0] =	vst v11;
	v7 =	vadd.f32 v7, v1;
	(pc) =	sbr.rel @p1 .LBB2_7-.Ltmp2, $4  }
0x194: {  	v9 =	vmax.f32 v9, $0.0e+00;
	[tilespmem:s20+$0x50] =	vst v12;
	v1 =	vld [tilespmem:s20+$0x70]  }
0x195: {  	[tilespmem:s20+$0xFFFFFF50] =	vst v9;
	v9 =	vld [tilespmem:s10+$0x60];
	v11 =	vadd.f32 v15, v10;
	v7 =	vmax.f32 v7, $0.0e+00  }
0x196: {  	v10 =	vld [tilespmem:s10+$0xFFFFFF60];
	[tilespmem:s22+$0x70] =	vst v7;
	s22 =	smov.u32 s20  }
0x197: {  	s20 =	sadd.s32 $0x200, s20;
	v11 =	vmax.f32 v11, $0.0e+00;
	v7 =	vld [tilespmem:s22+$0xF0]  }
0x198: {  	_ =	sdelay $0x2  }
0x199: {  	v4 =	vadd.f32 v10, v4  }
0x19a: {  	v5 =	vadd.f32 v8, v5  }
0x19b: {  	[tilespmem:s22+$0xE0] =	vst v11;
	v6 =	vadd.f32 v9, v6;
	v4 =	vmax.f32 v4, $0.0e+00  }
0x19c: {  	v8 =	vld [tilespmem:s23+$0xF0];
	v5 =	vmax.f32 v5, $0.0e+00;
	[tilespmem:s22+$0xFFFFFF60] =	vst v4  }
0x19d: {  	[tilespmem:s22+$0xFFFFFFE0] =	vst v5;
	v4 =	vmax.f32 v6, $0.0e+00;
	v5 =	vld [tilespmem:s23+$0xFFFFFF70]  }
0x19e: {  	[tilespmem:s22+$0x60] =	vst v4;
	v4 =	vld [tilespmem:s23+$0xFFFFFFF0]  }
0x19f: {  	v6 =	vld [tilespmem:s23+$0x70];
	_ =	sdelay $0x1  }
0x1a0: {  	v7 =	vadd.f32 v8, v7  }
0x1a1: {  	v3 =	vadd.f32 v5, v3  }
0x1a2: {  	v5 =	vmax.f32 v7, $0.0e+00;
	v2 =	vadd.f32 v4, v2  }
0x1a3: {  	[tilespmem:s22+$0xF0] =	vst v5;
	v1 =	vadd.f32 v6, v1;
	v3 =	vmax.f32 v3, $0.0e+00  }
0x1a4: {  	v2 =	vmax.f32 v2, $0.0e+00;
	[tilespmem:s22+$0xFFFFFF70] =	vst v3  }
0x1a5: {  	[tilespmem:s22+$0xFFFFFFF0] =	vst v2;
	v1 =	vmax.f32 v1, $0.0e+00  }
0x1a6: {  	s10 =	simm.s32 $0xA280;
	[tilespmem:s22+$0x70] =	vst v1  }
0x1a7: {  	[spmem:s2] =	stream.indirect.scatter.add.f32 [tilespmem:s12], [sflag:$0x6], $0x80, s10, s8, $0xb8;
	[tilespmem:$0x1DC80] =	vst v63  }
0x1a8: {  	_ =	swait.ge [sflag:s21], $0x2800  }
0x1a9: {  	[sflag:s21] =	ssyncset.done $0x0  }
0x1aa: {  	[sflag:s21] =	ssyncadd.s32 $0xFFFFD800  }
0x1ab: {  	_ =	swait.ge [sflag:s24], $0x100  }
0x1ac: {  	s22 =	sshll.u32 s31, $0x2;
	[sflag:s24] =	ssyncset.done $0x0;
	s20 =	rddreg [dreg:$0x10]  }
0x1ad: {  	[sflag:s24] =	ssyncadd.s32 $0xFFFFFF00;
	s10 =	sadd.s32 s22, s20  }
0x1ae: {  	[tilespmem:s3], [sflag:$0x1] =	stream.indirect.gather [hbm4b:s4+s8], $0x80, s13, s8, $0xb8;
	[tilespmem:$0x1DC80] =	vst v63  }
0x1af: {  	s10 =	sshll.u32 s10, $0x5  }
0x1b0: {  	s10 =	sand.u32 $0x1FFFFFE0, s10  }
0x1b1: {  	[tilespmem:s28], [sflag:$0x2] =	stream.indirect.gather [hbm4b:s1+s8], $0x80, s25, s8, $0xb8;
	[tilespmem:$0x1DC80] =	vst v63  }
0x1b2: {  	s10 =	sadd.s32 s6, s10  }
0x1b3: {  	[tilespmem:s30], [sflag:$0x7] =	stream.linear.gather [hbm4b:s10+s3], $0x100, $0x38;
	[tilespmem:$0x1DC80] =	vst v63  }
0x1b4: {  	_ =	swait.ge [sflag:s26], $0x2800  }
0x1b5: {  	[sflag:s26] =	ssyncset.done $0x0  }
0x1b6: {  	[sflag:s26] =	ssyncadd.s32 $0xFFFFD800  }
0x1b7: {  	_ =	swait.ge [sflag:s7], $0x100  }
0x1b8: {  	p1 =	seq.s32 s31, $0x1E;
	[sflag:s7] =	ssyncset.done $0x0;
	s10 =	rddreg [dreg:$0x11]  }
0x1b9: {  	s23 =	simm.s32 $0x5000;
	[sflag:s7] =	ssyncadd.s32 $0xFFFFFF00;
	s10 =	sadd.s32 @!p1 s22, s10  }
0x1ba: {  	[tilespmem:s23], [sflag:$0x3] =	stream.indirect.gather [hbm4b:s4+s8], $0x80, s14, s8, $0xb8;
	[tilespmem:$0x1DC80] =	vst v63  }
0x1bb: {  	s10 =	sshll.u32 @!p1 s10, $0x5  }
0x1bc: {  	s10 =	sand.u32 @!p1 $0x1FFFFFE0, s10  }
0x1bd: {  	[tilespmem:s12], [sflag:$0x4] =	stream.indirect.gather [hbm4b:s1+s8], $0x80, s29, s8, $0xb8;
	[tilespmem:$0x1DC80] =	vst v63  }
0x1be: {  	s11 =	simm.s32 @!p1 $0x0;
	s19 =	simm.s32 @!p1 $0xA200;
	s10 =	sadd.s32 @!p1 s6, s10  }
0x1bf: {  	[tilespmem:s19], [sflag:$0x9] =	stream.linear.gather @!p1 [hbm4b:s10+s11], $0x100, $0x38;
	[tilespmem:$0x1DC80] =	vst v63  }
0x1c0: {  	_ =	swait.ge [sflag:s15], $0x2800  }
0x1c1: {  	[sflag:s15] =	ssyncset.done $0x0  }
0x1c2: {  	[sflag:s15] =	ssyncadd.s32 $0xFFFFD800  }
0x1c3: {  	_ =	swait.ge [sflag:s16], $0x2800  }
0x1c4: {  	[sflag:s16] =	ssyncset.done $0x0  }
0x1c5: {  	s23 =	simm.s32 $0x2900;
	[sflag:s16] =	ssyncadd.s32 $0xFFFFD800  }
0x1c6: {  	s19 =	simm.s32 $0x100;
	v1 =	vld [tilespmem:s23+$0x80]  }
0x1c7: {  	v2 =	vld [tilespmem:s19+$0x80]  }
0x1c8: {  	v3 =	vld [tilespmem:s19+$0xFFFFFF00]  }
0x1c9: {  	v4 =	vld [tilespmem:s23+$0xFFFFFF80]  }
0x1ca: {  	v5 =	vld [tilespmem:s19+$0xFFFFFF80]  }
0x1cb: {  	v6 =	vld [tilespmem:s19+$0x0]  }
0x1cc: {  	v1 =	vadd.f32 v2, v1;
	v2 =	vld [tilespmem:s23+$0x0]  }
0x1cd: {  	v7 =	vld [tilespmem:s23+$0xFFFFFF00]  }
0x1ce: {  	v1 =	vmax.f32 v1, $0.0e+00  }
0x1cf: {  	v4 =	vadd.f32 v5, v4;
	[tilespmem:s23+$0x80] =	vst v1;
	v1 =	vld [tilespmem:s23+$0x90]  }
0x1d0: {  	v8 =	vld [tilespmem:s19+$0x90]  }
0x1d1: {  	v9 =	vld [tilespmem:s23+$0xFFFFFF90];
	v4 =	vmax.f32 v4, $0.0e+00;
	v2 =	vadd.f32 v6, v2  }
0x1d2: {  	v5 =	vld [tilespmem:s23+$0xFFFFFF10];
	v3 =	vadd.f32 v3, v7;
	[tilespmem:s23+$0xFFFFFF80] =	vst v4  }
0x1d3: {  	v6 =	vld [tilespmem:s19+$0xFFFFFF90];
	v2 =	vmax.f32 v2, $0.0e+00  }
0x1d4: {  	v3 =	vmax.f32 v3, $0.0e+00;
	v4 =	vld [tilespmem:s23+$0x10];
	[tilespmem:s23+$0x0] =	vst v2  }
0x1d5: {  	[tilespmem:s23+$0xFFFFFF00] =	vst v3;
	v1 =	vadd.f32 v8, v1;
	v2 =	vld [tilespmem:s19+$0x10]  }
0x1d6: {  	v3 =	vld [tilespmem:s19+$0xFFFFFF10]  }
0x1d7: {  	v1 =	vmax.f32 v1, $0.0e+00  }
0x1d8: {  	v6 =	vadd.f32 v6, v9;
	[tilespmem:s23+$0x90] =	vst v1;
	v1 =	vld [tilespmem:s23+$0xA0]  }
0x1d9: {  	v8 =	vld [tilespmem:s19+$0xA0]  }
0x1da: {  	v7 =	vld [tilespmem:s23+$0xFFFFFF20];
	v6 =	vmax.f32 v6, $0.0e+00;
	v2 =	vadd.f32 v2, v4  }
0x1db: {  	v3 =	vadd.f32 v3, v5;
	v9 =	vld [tilespmem:s23+$0xFFFFFFA0];
	[tilespmem:s23+$0xFFFFFF90] =	vst v6  }
0x1dc: {  	v5 =	vld [tilespmem:s19+$0xFFFFFFA0];
	v2 =	vmax.f32 v2, $0.0e+00  }
0x1dd: {  	v3 =	vmax.f32 v3, $0.0e+00;
	v4 =	vld [tilespmem:s23+$0x20];
	[tilespmem:s23+$0x10] =	vst v2  }
0x1de: {  	[tilespmem:s23+$0xFFFFFF10] =	vst v3;
	v1 =	vadd.f32 v8, v1;
	v2 =	vld [tilespmem:s19+$0x20]  }
0x1df: {  	v3 =	vld [tilespmem:s19+$0xFFFFFF20]  }
0x1e0: {  	v1 =	vmax.f32 v1, $0.0e+00  }
0x1e1: {  	v5 =	vadd.f32 v5, v9;
	[tilespmem:s23+$0xA0] =	vst v1;
	v1 =	vld [tilespmem:s23+$0xB0]  }
0x1e2: {  	v8 =	vld [tilespmem:s19+$0xB0]  }
0x1e3: {  	v10 =	vld [tilespmem:s23+$0x30];
	v5 =	vmax.f32 v5, $0.0e+00;
	v2 =	vadd.f32 v2, v4  }
0x1e4: {  	v3 =	vadd.f32 v3, v7;
	v9 =	vld [tilespmem:s23+$0xFFFFFFB0];
	[tilespmem:s23+$0xFFFFFFA0] =	vst v5  }
0x1e5: {  	v4 =	vld [tilespmem:s19+$0xFFFFFFB0];
	v2 =	vmax.f32 v2, $0.0e+00  }
0x1e6: {  	v6 =	vld [tilespmem:s23+$0xFFFFFF30];
	[tilespmem:s23+$0x20] =	vst v2;
	v2 =	vmax.f32 v3, $0.0e+00  }
0x1e7: {  	v1 =	vadd.f32 v8, v1;
	[tilespmem:s23+$0xFFFFFF20] =	vst v2;
	v2 =	vld [tilespmem:s19+$0x30]  }
0x1e8: {  	v7 =	vld [tilespmem:s19+$0xFFFFFF30]  }
0x1e9: {  	v11 =	vld [tilespmem:s23+$0xFFFFFF40];
	v1 =	vmax.f32 v1, $0.0e+00  }
0x1ea: {  	v4 =	vadd.f32 v4, v9;
	[tilespmem:s23+$0xB0] =	vst v1;
	v1 =	vld [tilespmem:s23+$0xC0]  }
0x1eb: {  	v8 =	vld [tilespmem:s19+$0xC0]  }
0x1ec: {  	v12 =	vld [tilespmem:s23+$0xFFFFFFD0];
	v4 =	vmax.f32 v4, $0.0e+00;
	v2 =	vadd.f32 v2, v10  }
0x1ed: {  	v5 =	vld [tilespmem:s23+$0xFFFFFFC0];
	[tilespmem:s23+$0xFFFFFFB0] =	vst v4;
	v6 =	vadd.f32 v7, v6  }
0x1ee: {  	v7 =	vld [tilespmem:s19+$0xFFFFFFC0];
	v2 =	vmax.f32 v2, $0.0e+00  }
0x1ef: {  	v3 =	vld [tilespmem:s23+$0x40];
	[tilespmem:s23+$0x30] =	vst v2;
	v2 =	vmax.f32 v6, $0.0e+00  }
0x1f0: {  	v1 =	vadd.f32 v8, v1;
	v6 =	vld [tilespmem:s19+$0x40];
	[tilespmem:s23+$0xFFFFFF30] =	vst v2  }
0x1f1: {  	v2 =	vld [tilespmem:s19+$0xFFFFFF40]  }
0x1f2: {  	v9 =	vld [tilespmem:s23+$0xFFFFFF50];
	v1 =	vmax.f32 v1, $0.0e+00  }
0x1f3: {  	[tilespmem:s23+$0xC0] =	vst v1;
	v1 =	vadd.f32 v7, v5;
	v7 =	vld [tilespmem:s23+$0xD0]  }
0x1f4: {  	v8 =	vld [tilespmem:s19+$0xD0]  }
0x1f5: {  	v4 =	vld [tilespmem:s23+$0xFFFFFF60];
	v1 =	vmax.f32 v1, $0.0e+00;
	v3 =	vadd.f32 v6, v3  }
0x1f6: {  	v10 =	vld [tilespmem:s23+$0x50];
	[tilespmem:s23+$0xFFFFFFC0] =	vst v1;
	v1 =	vadd.f32 v2, v11  }
0x1f7: {  	v2 =	vld [tilespmem:s19+$0xFFFFFFD0];
	v3 =	vmax.f32 v3, $0.0e+00  }
0x1f8: {  	v5 =	vld [tilespmem:s23+$0xFFFFFFE0];
	[tilespmem:s23+$0x40] =	vst v3;
	v1 =	vmax.f32 v1, $0.0e+00  }
0x1f9: {  	v3 =	vld [tilespmem:s19+$0x50];
	v7 =	vadd.f32 v8, v7;
	[tilespmem:s23+$0xFFFFFF40] =	vst v1  }
0x1fa: {  	v1 =	vld [tilespmem:s19+$0xFFFFFF50]  }
0x1fb: {  	v6 =	vld [tilespmem:s23+$0x60];
	v7 =	vmax.f32 v7, $0.0e+00  }
0x1fc: {  	v2 =	vadd.f32 v2, v12;
	[tilespmem:s23+$0xD0] =	vst v7;
	v7 =	vld [tilespmem:s23+$0xE0]  }
0x1fd: {  	v11 =	vld [tilespmem:s19+$0xE0]  }
0x1fe: {  	v2 =	vmax.f32 v2, $0.0e+00;
	v8 =	vadd.f32 v3, v10;
	v3 =	vld [tilespmem:s23+$0xFFFFFF70]  }
0x1ff: {  	[tilespmem:s23+$0xFFFFFFD0] =	vst v2;
	v1 =	vadd.f32 v1, v9;
	v2 =	vld [tilespmem:s23+$0xFFFFFFF0]  }
0x200: {  	v9 =	vmax.f32 v8, $0.0e+00;
	v8 =	vld [tilespmem:s19+$0xFFFFFFE0]  }
0x201: {  	[tilespmem:s23+$0x50] =	vst v9;
	v9 =	vmax.f32 v1, $0.0e+00;
	v1 =	vld [tilespmem:s23+$0x70]  }
0x202: {  	[tilespmem:s23+$0xFFFFFF50] =	vst v9;
	v9 =	vld [tilespmem:s19+$0x60];
	v7 =	vadd.f32 v11, v7  }
0x203: {  	v10 =	vld [tilespmem:s19+$0xFFFFFF60]  }
0x204: {  	s20 =	simm.s32 $0x0;
	s10 =	simm.s32 $0x2B00;
	s11 =	simm.s32 $0x100;
	v11 =	vmax.f32 v7, $0.0e+00;
	v7 =	vld [tilespmem:s23+$0xF0]  }
.LBB2_9:
0x205: {  	v12 =	vld [tilespmem:s10+$0x80];
	v5 =	vadd.f32 v8, v5;
	[tilespmem:s23+$0xE0] =	vst v11  }
0x206: {  	s11 =	sadd.s32 $0x200, s11;
	v8 =	vld [tilespmem:s19+$0xF0]  }
0x207: {  	s20 =	sadd.s32 $0x4, s20;
	v11 =	vld [tilespmem:s11+$0x80];
	v5 =	vmax.f32 v5, $0.0e+00;
	v6 =	vadd.f32 v9, v6  }
0x208: {  	p2 =	slt.u32 s20, $0x4C;
	v9 =	vld [tilespmem:s11+$0xFFFFFF00];
	v4 =	vadd.f32 v10, v4;
	[tilespmem:s23+$0xFFFFFFE0] =	vst v5  }
0x209: {  	v5 =	vld [tilespmem:s10+$0xFFFFFF80];
	v6 =	vmax.f32 v6, $0.0e+00  }
0x20a: {  	v10 =	vld [tilespmem:s11+$0xFFFFFF80];
	v4 =	vmax.f32 v4, $0.0e+00;
	[tilespmem:s23+$0x60] =	vst v6  }
0x20b: {  	v6 =	vld [tilespmem:s10+$0x0];
	[tilespmem:s23+$0xFFFFFF60] =	vst v4;
	v4 =	vadd.f32 v8, v7  }
0x20c: {  	v7 =	vld [tilespmem:s11+$0x0];
	v8 =	vadd.f32 v11, v12  }
0x20d: {  	v11 =	vld [tilespmem:s10+$0xFFFFFF00];
	v4 =	vmax.f32 v4, $0.0e+00  }
0x20e: {  	v12 =	vld [tilespmem:s10+$0xFFFFFF10];
	v8 =	vmax.f32 v8, $0.0e+00;
	[tilespmem:s23+$0xF0] =	vst v4  }
0x20f: {  	v4 =	vadd.f32 v10, v5;
	[tilespmem:s10+$0x80] =	vst v8;
	v5 =	vld [tilespmem:s10+$0x90]  }
0x210: {  	v8 =	vld [tilespmem:s11+$0x90]  }
0x211: {  	v4 =	vmax.f32 v4, $0.0e+00;
	v10 =	vld [tilespmem:s10+$0xFFFFFF90];
	v6 =	vadd.f32 v7, v6  }
0x212: {  	v7 =	vadd.f32 v9, v11;
	[tilespmem:s10+$0xFFFFFF80] =	vst v4;
	v4 =	vld [tilespmem:s10+$0x10]  }
0x213: {  	v9 =	vld [tilespmem:s11+$0xFFFFFF90];
	v6 =	vmax.f32 v6, $0.0e+00  }
0x214: {  	v7 =	vmax.f32 v7, $0.0e+00;
	v11 =	vld [tilespmem:s10+$0xFFFFFF20];
	[tilespmem:s10+$0x0] =	vst v6  }
0x215: {  	[tilespmem:s10+$0xFFFFFF00] =	vst v7;
	v6 =	vld [tilespmem:s11+$0x10];
	v5 =	vadd.f32 v8, v5  }
0x216: {  	v7 =	vld [tilespmem:s11+$0xFFFFFF10]  }
0x217: {  	v8 =	vld [tilespmem:s10+$0xFFFFFFA0];
	v5 =	vmax.f32 v5, $0.0e+00  }
0x218: {  	v9 =	vadd.f32 v9, v10;
	[tilespmem:s10+$0x90] =	vst v5;
	v5 =	vld [tilespmem:s10+$0xA0]  }
0x219: {  	v10 =	vld [tilespmem:s11+$0xA0]  }
0x21a: {  	v9 =	vmax.f32 v9, $0.0e+00;
	v4 =	vadd.f32 v6, v4;
	v6 =	vld [tilespmem:s10+$0x20]  }
0x21b: {  	v7 =	vadd.f32 v7, v12;
	v12 =	vld [tilespmem:s10+$0xFFFFFF30];
	[tilespmem:s10+$0xFFFFFF90] =	vst v9  }
0x21c: {  	v9 =	vld [tilespmem:s11+$0xFFFFFFA0];
	v4 =	vmax.f32 v4, $0.0e+00  }
0x21d: {  	v7 =	vmax.f32 v7, $0.0e+00;
	v13 =	vld [tilespmem:s10+$0xFFFFFFB0];
	[tilespmem:s10+$0x10] =	vst v4  }
0x21e: {  	[tilespmem:s10+$0xFFFFFF10] =	vst v7;
	v4 =	vld [tilespmem:s11+$0x20];
	v5 =	vadd.f32 v10, v5  }
0x21f: {  	v7 =	vld [tilespmem:s11+$0xFFFFFF20]  }
0x220: {  	v10 =	vld [tilespmem:s10+$0x30];
	v5 =	vmax.f32 v5, $0.0e+00  }
0x221: {  	v8 =	vadd.f32 v9, v8;
	[tilespmem:s10+$0xA0] =	vst v5;
	v5 =	vld [tilespmem:s10+$0xB0]  }
0x222: {  	v9 =	vld [tilespmem:s11+$0xB0]  }
0x223: {  	v14 =	vld [tilespmem:s10+$0xFFFFFF40];
	v8 =	vmax.f32 v8, $0.0e+00;
	v4 =	vadd.f32 v4, v6  }
0x224: {  	v6 =	vadd.f32 v7, v11;
	[tilespmem:s10+$0xFFFFFFA0] =	vst v8;
	v7 =	vld [tilespmem:s10+$0xFFFFFFC0]  }
0x225: {  	v8 =	vld [tilespmem:s11+$0xFFFFFFB0];
	v4 =	vmax.f32 v4, $0.0e+00  }
0x226: {  	v6 =	vmax.f32 v6, $0.0e+00;
	[tilespmem:s10+$0x20] =	vst v4;
	v11 =	vld [tilespmem:s10+$0x40]  }
0x227: {  	[tilespmem:s10+$0xFFFFFF20] =	vst v6;
	v4 =	vld [tilespmem:s11+$0x30];
	v5 =	vadd.f32 v9, v5  }
0x228: {  	v6 =	vld [tilespmem:s11+$0xFFFFFF30]  }
0x229: {  	v9 =	vld [tilespmem:s10+$0xFFFFFF50];
	v5 =	vmax.f32 v5, $0.0e+00  }
0x22a: {  	v8 =	vadd.f32 v8, v13;
	[tilespmem:s10+$0xB0] =	vst v5;
	v5 =	vld [tilespmem:s10+$0xC0]  }
0x22b: {  	v13 =	vld [tilespmem:s11+$0xC0]  }
0x22c: {  	v8 =	vmax.f32 v8, $0.0e+00;
	v15 =	vld [tilespmem:s10+$0xFFFFFFD0];
	v4 =	vadd.f32 v4, v10  }
0x22d: {  	v6 =	vadd.f32 v6, v12;
	[tilespmem:s10+$0xFFFFFFB0] =	vst v8;
	v8 =	vld [tilespmem:s10+$0x50]  }
0x22e: {  	v10 =	vld [tilespmem:s11+$0xFFFFFFC0];
	v12 =	vmax.f32 v4, $0.0e+00  }
0x22f: {  	v6 =	vmax.f32 v6, $0.0e+00;
	v4 =	vld [tilespmem:s10+$0xFFFFFF60];
	[tilespmem:s10+$0x30] =	vst v12  }
0x230: {  	[tilespmem:s10+$0xFFFFFF30] =	vst v6;
	v6 =	vld [tilespmem:s11+$0x40];
	v12 =	vadd.f32 v13, v5  }
0x231: {  	v13 =	vld [tilespmem:s11+$0xFFFFFF40]  }
0x232: {  	v5 =	vld [tilespmem:s10+$0xFFFFFFE0];
	v12 =	vmax.f32 v12, $0.0e+00  }
0x233: {  	v7 =	vadd.f32 v10, v7;
	[tilespmem:s10+$0xC0] =	vst v12;
	v10 =	vld [tilespmem:s10+$0xD0]  }
0x234: {  	v12 =	vld [tilespmem:s11+$0xD0]  }
0x235: {  	v7 =	vmax.f32 v7, $0.0e+00;
	v11 =	vadd.f32 v6, v11;
	v6 =	vld [tilespmem:s10+$0x60]  }
0x236: {  	v13 =	vadd.f32 v13, v14;
	[tilespmem:s10+$0xFFFFFFC0] =	vst v7;
	v7 =	vld [tilespmem:s19+$0xFFFFFF70]  }
0x237: {  	v14 =	vld [tilespmem:s11+$0xFFFFFFD0];
	v11 =	vmax.f32 v11, $0.0e+00  }
0x238: {  	v13 =	vmax.f32 v13, $0.0e+00;
	[tilespmem:s10+$0x40] =	vst v11;
	v11 =	vld [tilespmem:s19+$0xFFFFFFF0]  }
0x239: {  	[tilespmem:s10+$0xFFFFFF40] =	vst v13;
	v13 =	vld [tilespmem:s11+$0x50];
	v10 =	vadd.f32 v12, v10  }
0x23a: {  	v12 =	vld [tilespmem:s11+$0xFFFFFF50]  }
0x23b: {  	v10 =	vmax.f32 v10, $0.0e+00;
	v3 =	vadd.f32 v7, v3;
	v7 =	vld [tilespmem:s19+$0x70];
	s19 =	smov.u32 s11  }
0x23c: {  	v14 =	vadd.f32 v14, v15;
	[tilespmem:s10+$0xD0] =	vst v10;
	v10 =	vld [tilespmem:s10+$0xE0]  }
0x23d: {  	v15 =	vld [tilespmem:s11+$0xE0];
	v16 =	vmax.f32 v3, $0.0e+00;
	v11 =	vadd.f32 v11, v2  }
0x23e: {  	v3 =	vld [tilespmem:s10+$0xFFFFFF70];
	v2 =	vmax.f32 v14, $0.0e+00;
	v13 =	vadd.f32 v13, v8;
	[tilespmem:s23+$0xFFFFFF70] =	vst v16  }
0x23f: {  	v9 =	vadd.f32 v12, v9;
	[tilespmem:s10+$0xFFFFFFD0] =	vst v2;
	v2 =	vld [tilespmem:s10+$0xFFFFFFF0];
	v11 =	vmax.f32 v11, $0.0e+00  }
.Ltmp3:
0x240: {  	v8 =	vld [tilespmem:s11+$0xFFFFFFE0];
	v12 =	vmax.f32 v13, $0.0e+00;
	[tilespmem:s23+$0xFFFFFFF0] =	vst v11;
	v7 =	vadd.f32 v7, v1;
	(pc) =	sbr.rel @p2 .LBB2_9-.Ltmp3, $4  }
0x241: {  	v9 =	vmax.f32 v9, $0.0e+00;
	[tilespmem:s10+$0x50] =	vst v12;
	v1 =	vld [tilespmem:s10+$0x70]  }
0x242: {  	[tilespmem:s10+$0xFFFFFF50] =	vst v9;
	v9 =	vld [tilespmem:s11+$0x60];
	v11 =	vadd.f32 v15, v10;
	v7 =	vmax.f32 v7, $0.0e+00  }
0x243: {  	v10 =	vld [tilespmem:s11+$0xFFFFFF60];
	[tilespmem:s23+$0x70] =	vst v7;
	s23 =	smov.u32 s10  }
0x244: {  	s10 =	sadd.s32 $0x200, s10;
	v11 =	vmax.f32 v11, $0.0e+00;
	v7 =	vld [tilespmem:s23+$0xF0]  }
0x245: {  	_ =	sdelay $0x2  }
0x246: {  	v4 =	vadd.f32 v10, v4  }
0x247: {  	v5 =	vadd.f32 v8, v5  }
0x248: {  	[tilespmem:s23+$0xE0] =	vst v11;
	v6 =	vadd.f32 v9, v6;
	v4 =	vmax.f32 v4, $0.0e+00  }
0x249: {  	v8 =	vld [tilespmem:s19+$0xF0];
	v5 =	vmax.f32 v5, $0.0e+00;
	[tilespmem:s23+$0xFFFFFF60] =	vst v4  }
0x24a: {  	[tilespmem:s23+$0xFFFFFFE0] =	vst v5;
	v4 =	vmax.f32 v6, $0.0e+00;
	v5 =	vld [tilespmem:s19+$0xFFFFFF70]  }
0x24b: {  	[tilespmem:s23+$0x60] =	vst v4;
	v4 =	vld [tilespmem:s19+$0xFFFFFFF0]  }
0x24c: {  	v6 =	vld [tilespmem:s19+$0x70];
	_ =	sdelay $0x1  }
0x24d: {  	v7 =	vadd.f32 v8, v7  }
0x24e: {  	v3 =	vadd.f32 v5, v3  }
0x24f: {  	v5 =	vmax.f32 v7, $0.0e+00;
	v2 =	vadd.f32 v4, v2  }
0x250: {  	[tilespmem:s23+$0xF0] =	vst v5;
	v1 =	vadd.f32 v6, v1;
	v3 =	vmax.f32 v3, $0.0e+00  }
0x251: {  	v2 =	vmax.f32 v2, $0.0e+00;
	[tilespmem:s23+$0xFFFFFF70] =	vst v3  }
0x252: {  	[tilespmem:s23+$0xFFFFFFF0] =	vst v2;
	v1 =	vmax.f32 v1, $0.0e+00  }
0x253: {  	[tilespmem:s23+$0x70] =	vst v1  }
0x254: {  	[spmem:s2] =	stream.indirect.scatter.add.f32 [tilespmem:s28], [sflag:$0x5], $0x80, s25, s8, $0xb8;
	[tilespmem:$0x1DC80] =	vst v63  }
0x255: {  	_ =	swait.ge [sflag:s17], $0x2800  }
0x256: {  	[sflag:s17] =	ssyncset.done $0x0  }
0x257: {  	[sflag:s17] =	ssyncadd.s32 $0xFFFFD800  }
0x258: {  	_ =	swait.ge [sflag:s18], $0x2800  }
0x259: {  	[sflag:s18] =	ssyncset.done $0x0  }
0x25a: {  	s23 =	simm.s32 $0x7900;
	[sflag:s18] =	ssyncadd.s32 $0xFFFFD800  }
0x25b: {  	s19 =	simm.s32 $0x5100;
	v1 =	vld [tilespmem:s23+$0x80]  }
0x25c: {  	v2 =	vld [tilespmem:s19+$0x80]  }
0x25d: {  	v3 =	vld [tilespmem:s19+$0xFFFFFF00]  }
0x25e: {  	v4 =	vld [tilespmem:s23+$0xFFFFFF80]  }
0x25f: {  	v5 =	vld [tilespmem:s19+$0xFFFFFF80]  }
0x260: {  	v6 =	vld [tilespmem:s19+$0x0]  }
0x261: {  	v1 =	vadd.f32 v2, v1;
	v2 =	vld [tilespmem:s23+$0x0]  }
0x262: {  	v7 =	vld [tilespmem:s23+$0xFFFFFF00]  }
0x263: {  	v1 =	vmax.f32 v1, $0.0e+00  }
0x264: {  	v4 =	vadd.f32 v5, v4;
	[tilespmem:s23+$0x80] =	vst v1;
	v1 =	vld [tilespmem:s23+$0x90]  }
0x265: {  	v8 =	vld [tilespmem:s19+$0x90]  }
0x266: {  	v9 =	vld [tilespmem:s23+$0xFFFFFF90];
	v4 =	vmax.f32 v4, $0.0e+00;
	v2 =	vadd.f32 v6, v2  }
0x267: {  	v5 =	vld [tilespmem:s23+$0xFFFFFF10];
	v3 =	vadd.f32 v3, v7;
	[tilespmem:s23+$0xFFFFFF80] =	vst v4  }
0x268: {  	v6 =	vld [tilespmem:s19+$0xFFFFFF90];
	v2 =	vmax.f32 v2, $0.0e+00  }
0x269: {  	v3 =	vmax.f32 v3, $0.0e+00;
	v4 =	vld [tilespmem:s23+$0x10];
	[tilespmem:s23+$0x0] =	vst v2  }
0x26a: {  	[tilespmem:s23+$0xFFFFFF00] =	vst v3;
	v1 =	vadd.f32 v8, v1;
	v2 =	vld [tilespmem:s19+$0x10]  }
0x26b: {  	v3 =	vld [tilespmem:s19+$0xFFFFFF10]  }
0x26c: {  	v1 =	vmax.f32 v1, $0.0e+00  }
0x26d: {  	v6 =	vadd.f32 v6, v9;
	[tilespmem:s23+$0x90] =	vst v1;
	v1 =	vld [tilespmem:s23+$0xA0]  }
0x26e: {  	v8 =	vld [tilespmem:s19+$0xA0]  }
0x26f: {  	v7 =	vld [tilespmem:s23+$0xFFFFFF20];
	v6 =	vmax.f32 v6, $0.0e+00;
	v2 =	vadd.f32 v2, v4  }
0x270: {  	v3 =	vadd.f32 v3, v5;
	v9 =	vld [tilespmem:s23+$0xFFFFFFA0];
	[tilespmem:s23+$0xFFFFFF90] =	vst v6  }
0x271: {  	v5 =	vld [tilespmem:s19+$0xFFFFFFA0];
	v2 =	vmax.f32 v2, $0.0e+00  }
0x272: {  	v3 =	vmax.f32 v3, $0.0e+00;
	v4 =	vld [tilespmem:s23+$0x20];
	[tilespmem:s23+$0x10] =	vst v2  }
0x273: {  	[tilespmem:s23+$0xFFFFFF10] =	vst v3;
	v1 =	vadd.f32 v8, v1;
	v2 =	vld [tilespmem:s19+$0x20]  }
0x274: {  	v3 =	vld [tilespmem:s19+$0xFFFFFF20]  }
0x275: {  	v1 =	vmax.f32 v1, $0.0e+00  }
0x276: {  	v5 =	vadd.f32 v5, v9;
	[tilespmem:s23+$0xA0] =	vst v1;
	v1 =	vld [tilespmem:s23+$0xB0]  }
0x277: {  	v8 =	vld [tilespmem:s19+$0xB0]  }
0x278: {  	v10 =	vld [tilespmem:s23+$0x30];
	v5 =	vmax.f32 v5, $0.0e+00;
	v2 =	vadd.f32 v2, v4  }
0x279: {  	v3 =	vadd.f32 v3, v7;
	v9 =	vld [tilespmem:s23+$0xFFFFFFB0];
	[tilespmem:s23+$0xFFFFFFA0] =	vst v5  }
0x27a: {  	v4 =	vld [tilespmem:s19+$0xFFFFFFB0];
	v2 =	vmax.f32 v2, $0.0e+00  }
0x27b: {  	v6 =	vld [tilespmem:s23+$0xFFFFFF30];
	[tilespmem:s23+$0x20] =	vst v2;
	v2 =	vmax.f32 v3, $0.0e+00  }
0x27c: {  	v1 =	vadd.f32 v8, v1;
	[tilespmem:s23+$0xFFFFFF20] =	vst v2;
	v2 =	vld [tilespmem:s19+$0x30]  }
0x27d: {  	v7 =	vld [tilespmem:s19+$0xFFFFFF30]  }
0x27e: {  	v11 =	vld [tilespmem:s23+$0xFFFFFF40];
	v1 =	vmax.f32 v1, $0.0e+00  }
0x27f: {  	v4 =	vadd.f32 v4, v9;
	[tilespmem:s23+$0xB0] =	vst v1;
	v1 =	vld [tilespmem:s23+$0xC0]  }
0x280: {  	v8 =	vld [tilespmem:s19+$0xC0]  }
0x281: {  	v12 =	vld [tilespmem:s23+$0xFFFFFFD0];
	v4 =	vmax.f32 v4, $0.0e+00;
	v2 =	vadd.f32 v2, v10  }
0x282: {  	v5 =	vld [tilespmem:s23+$0xFFFFFFC0];
	[tilespmem:s23+$0xFFFFFFB0] =	vst v4;
	v6 =	vadd.f32 v7, v6  }
0x283: {  	v7 =	vld [tilespmem:s19+$0xFFFFFFC0];
	v2 =	vmax.f32 v2, $0.0e+00  }
0x284: {  	v3 =	vld [tilespmem:s23+$0x40];
	[tilespmem:s23+$0x30] =	vst v2;
	v2 =	vmax.f32 v6, $0.0e+00  }
0x285: {  	v1 =	vadd.f32 v8, v1;
	v6 =	vld [tilespmem:s19+$0x40];
	[tilespmem:s23+$0xFFFFFF30] =	vst v2  }
0x286: {  	v2 =	vld [tilespmem:s19+$0xFFFFFF40]  }
0x287: {  	v9 =	vld [tilespmem:s23+$0xFFFFFF50];
	v1 =	vmax.f32 v1, $0.0e+00  }
0x288: {  	[tilespmem:s23+$0xC0] =	vst v1;
	v1 =	vadd.f32 v7, v5;
	v7 =	vld [tilespmem:s23+$0xD0]  }
0x289: {  	v8 =	vld [tilespmem:s19+$0xD0]  }
0x28a: {  	v4 =	vld [tilespmem:s23+$0xFFFFFF60];
	v1 =	vmax.f32 v1, $0.0e+00;
	v3 =	vadd.f32 v6, v3  }
0x28b: {  	v10 =	vld [tilespmem:s23+$0x50];
	[tilespmem:s23+$0xFFFFFFC0] =	vst v1;
	v1 =	vadd.f32 v2, v11  }
0x28c: {  	v2 =	vld [tilespmem:s19+$0xFFFFFFD0];
	v3 =	vmax.f32 v3, $0.0e+00  }
0x28d: {  	v5 =	vld [tilespmem:s23+$0xFFFFFFE0];
	[tilespmem:s23+$0x40] =	vst v3;
	v1 =	vmax.f32 v1, $0.0e+00  }
0x28e: {  	v3 =	vld [tilespmem:s19+$0x50];
	v7 =	vadd.f32 v8, v7;
	[tilespmem:s23+$0xFFFFFF40] =	vst v1  }
0x28f: {  	v1 =	vld [tilespmem:s19+$0xFFFFFF50]  }
0x290: {  	v6 =	vld [tilespmem:s23+$0x60];
	v7 =	vmax.f32 v7, $0.0e+00  }
0x291: {  	v2 =	vadd.f32 v2, v12;
	[tilespmem:s23+$0xD0] =	vst v7;
	v7 =	vld [tilespmem:s23+$0xE0]  }
0x292: {  	v11 =	vld [tilespmem:s19+$0xE0]  }
0x293: {  	v2 =	vmax.f32 v2, $0.0e+00;
	v8 =	vadd.f32 v3, v10;
	v3 =	vld [tilespmem:s23+$0xFFFFFF70]  }
0x294: {  	[tilespmem:s23+$0xFFFFFFD0] =	vst v2;
	v1 =	vadd.f32 v1, v9;
	v2 =	vld [tilespmem:s23+$0xFFFFFFF0]  }
0x295: {  	v9 =	vmax.f32 v8, $0.0e+00;
	v8 =	vld [tilespmem:s19+$0xFFFFFFE0]  }
0x296: {  	[tilespmem:s23+$0x50] =	vst v9;
	v9 =	vmax.f32 v1, $0.0e+00;
	v1 =	vld [tilespmem:s23+$0x70]  }
0x297: {  	[tilespmem:s23+$0xFFFFFF50] =	vst v9;
	v9 =	vld [tilespmem:s19+$0x60];
	v7 =	vadd.f32 v11, v7  }
0x298: {  	v10 =	vld [tilespmem:s19+$0xFFFFFF60]  }
0x299: {  	s20 =	simm.s32 $0x0;
	s10 =	simm.s32 $0x7B00;
	s11 =	simm.s32 $0x5100;
	v11 =	vmax.f32 v7, $0.0e+00;
	v7 =	vld [tilespmem:s23+$0xF0]  }
.LBB2_11:
0x29a: {  	v12 =	vld [tilespmem:s10+$0x80];
	v5 =	vadd.f32 v8, v5;
	[tilespmem:s23+$0xE0] =	vst v11  }
0x29b: {  	s11 =	sadd.s32 $0x200, s11;
	v8 =	vld [tilespmem:s19+$0xF0]  }
0x29c: {  	s20 =	sadd.s32 $0x4, s20;
	v11 =	vld [tilespmem:s11+$0x80];
	v5 =	vmax.f32 v5, $0.0e+00;
	v6 =	vadd.f32 v9, v6  }
0x29d: {  	p2 =	slt.u32 s20, $0x4C;
	v9 =	vld [tilespmem:s11+$0xFFFFFF00];
	v4 =	vadd.f32 v10, v4;
	[tilespmem:s23+$0xFFFFFFE0] =	vst v5  }
0x29e: {  	v5 =	vld [tilespmem:s10+$0xFFFFFF80];
	v6 =	vmax.f32 v6, $0.0e+00  }
0x29f: {  	v10 =	vld [tilespmem:s11+$0xFFFFFF80];
	v4 =	vmax.f32 v4, $0.0e+00;
	[tilespmem:s23+$0x60] =	vst v6  }
0x2a0: {  	v6 =	vld [tilespmem:s10+$0x0];
	[tilespmem:s23+$0xFFFFFF60] =	vst v4;
	v4 =	vadd.f32 v8, v7  }
0x2a1: {  	v7 =	vld [tilespmem:s11+$0x0];
	v8 =	vadd.f32 v11, v12  }
0x2a2: {  	v11 =	vld [tilespmem:s10+$0xFFFFFF00];
	v4 =	vmax.f32 v4, $0.0e+00  }
0x2a3: {  	v12 =	vld [tilespmem:s10+$0xFFFFFF10];
	v8 =	vmax.f32 v8, $0.0e+00;
	[tilespmem:s23+$0xF0] =	vst v4  }
0x2a4: {  	v4 =	vadd.f32 v10, v5;
	[tilespmem:s10+$0x80] =	vst v8;
	v5 =	vld [tilespmem:s10+$0x90]  }
0x2a5: {  	v8 =	vld [tilespmem:s11+$0x90]  }
0x2a6: {  	v4 =	vmax.f32 v4, $0.0e+00;
	v10 =	vld [tilespmem:s10+$0xFFFFFF90];
	v6 =	vadd.f32 v7, v6  }
0x2a7: {  	v7 =	vadd.f32 v9, v11;
	[tilespmem:s10+$0xFFFFFF80] =	vst v4;
	v4 =	vld [tilespmem:s10+$0x10]  }
0x2a8: {  	v9 =	vld [tilespmem:s11+$0xFFFFFF90];
	v6 =	vmax.f32 v6, $0.0e+00  }
0x2a9: {  	v7 =	vmax.f32 v7, $0.0e+00;
	v11 =	vld [tilespmem:s10+$0xFFFFFF20];
	[tilespmem:s10+$0x0] =	vst v6  }
0x2aa: {  	[tilespmem:s10+$0xFFFFFF00] =	vst v7;
	v6 =	vld [tilespmem:s11+$0x10];
	v5 =	vadd.f32 v8, v5  }
0x2ab: {  	v7 =	vld [tilespmem:s11+$0xFFFFFF10]  }
0x2ac: {  	v8 =	vld [tilespmem:s10+$0xFFFFFFA0];
	v5 =	vmax.f32 v5, $0.0e+00  }
0x2ad: {  	v9 =	vadd.f32 v9, v10;
	[tilespmem:s10+$0x90] =	vst v5;
	v5 =	vld [tilespmem:s10+$0xA0]  }
0x2ae: {  	v10 =	vld [tilespmem:s11+$0xA0]  }
0x2af: {  	v9 =	vmax.f32 v9, $0.0e+00;
	v4 =	vadd.f32 v6, v4;
	v6 =	vld [tilespmem:s10+$0x20]  }
0x2b0: {  	v7 =	vadd.f32 v7, v12;
	v12 =	vld [tilespmem:s10+$0xFFFFFF30];
	[tilespmem:s10+$0xFFFFFF90] =	vst v9  }
0x2b1: {  	v9 =	vld [tilespmem:s11+$0xFFFFFFA0];
	v4 =	vmax.f32 v4, $0.0e+00  }
0x2b2: {  	v7 =	vmax.f32 v7, $0.0e+00;
	v13 =	vld [tilespmem:s10+$0xFFFFFFB0];
	[tilespmem:s10+$0x10] =	vst v4  }
0x2b3: {  	[tilespmem:s10+$0xFFFFFF10] =	vst v7;
	v4 =	vld [tilespmem:s11+$0x20];
	v5 =	vadd.f32 v10, v5  }
0x2b4: {  	v7 =	vld [tilespmem:s11+$0xFFFFFF20]  }
0x2b5: {  	v10 =	vld [tilespmem:s10+$0x30];
	v5 =	vmax.f32 v5, $0.0e+00  }
0x2b6: {  	v8 =	vadd.f32 v9, v8;
	[tilespmem:s10+$0xA0] =	vst v5;
	v5 =	vld [tilespmem:s10+$0xB0]  }
0x2b7: {  	v9 =	vld [tilespmem:s11+$0xB0]  }
0x2b8: {  	v14 =	vld [tilespmem:s10+$0xFFFFFF40];
	v8 =	vmax.f32 v8, $0.0e+00;
	v4 =	vadd.f32 v4, v6  }
0x2b9: {  	v6 =	vadd.f32 v7, v11;
	[tilespmem:s10+$0xFFFFFFA0] =	vst v8;
	v7 =	vld [tilespmem:s10+$0xFFFFFFC0]  }
0x2ba: {  	v8 =	vld [tilespmem:s11+$0xFFFFFFB0];
	v4 =	vmax.f32 v4, $0.0e+00  }
0x2bb: {  	v6 =	vmax.f32 v6, $0.0e+00;
	[tilespmem:s10+$0x20] =	vst v4;
	v11 =	vld [tilespmem:s10+$0x40]  }
0x2bc: {  	[tilespmem:s10+$0xFFFFFF20] =	vst v6;
	v4 =	vld [tilespmem:s11+$0x30];
	v5 =	vadd.f32 v9, v5  }
0x2bd: {  	v6 =	vld [tilespmem:s11+$0xFFFFFF30]  }
0x2be: {  	v9 =	vld [tilespmem:s10+$0xFFFFFF50];
	v5 =	vmax.f32 v5, $0.0e+00  }
0x2bf: {  	v8 =	vadd.f32 v8, v13;
	[tilespmem:s10+$0xB0] =	vst v5;
	v5 =	vld [tilespmem:s10+$0xC0]  }
0x2c0: {  	v13 =	vld [tilespmem:s11+$0xC0]  }
0x2c1: {  	v8 =	vmax.f32 v8, $0.0e+00;
	v15 =	vld [tilespmem:s10+$0xFFFFFFD0];
	v4 =	vadd.f32 v4, v10  }
0x2c2: {  	v6 =	vadd.f32 v6, v12;
	[tilespmem:s10+$0xFFFFFFB0] =	vst v8;
	v8 =	vld [tilespmem:s10+$0x50]  }
0x2c3: {  	v10 =	vld [tilespmem:s11+$0xFFFFFFC0];
	v12 =	vmax.f32 v4, $0.0e+00  }
0x2c4: {  	v6 =	vmax.f32 v6, $0.0e+00;
	v4 =	vld [tilespmem:s10+$0xFFFFFF60];
	[tilespmem:s10+$0x30] =	vst v12  }
0x2c5: {  	[tilespmem:s10+$0xFFFFFF30] =	vst v6;
	v6 =	vld [tilespmem:s11+$0x40];
	v12 =	vadd.f32 v13, v5  }
0x2c6: {  	v13 =	vld [tilespmem:s11+$0xFFFFFF40]  }
0x2c7: {  	v5 =	vld [tilespmem:s10+$0xFFFFFFE0];
	v12 =	vmax.f32 v12, $0.0e+00  }
0x2c8: {  	v7 =	vadd.f32 v10, v7;
	[tilespmem:s10+$0xC0] =	vst v12;
	v10 =	vld [tilespmem:s10+$0xD0]  }
0x2c9: {  	v12 =	vld [tilespmem:s11+$0xD0]  }
0x2ca: {  	v7 =	vmax.f32 v7, $0.0e+00;
	v11 =	vadd.f32 v6, v11;
	v6 =	vld [tilespmem:s10+$0x60]  }
0x2cb: {  	v13 =	vadd.f32 v13, v14;
	[tilespmem:s10+$0xFFFFFFC0] =	vst v7;
	v7 =	vld [tilespmem:s19+$0xFFFFFF70]  }
0x2cc: {  	v14 =	vld [tilespmem:s11+$0xFFFFFFD0];
	v11 =	vmax.f32 v11, $0.0e+00  }
0x2cd: {  	v13 =	vmax.f32 v13, $0.0e+00;
	[tilespmem:s10+$0x40] =	vst v11;
	v11 =	vld [tilespmem:s19+$0xFFFFFFF0]  }
0x2ce: {  	[tilespmem:s10+$0xFFFFFF40] =	vst v13;
	v13 =	vld [tilespmem:s11+$0x50];
	v10 =	vadd.f32 v12, v10  }
0x2cf: {  	v12 =	vld [tilespmem:s11+$0xFFFFFF50]  }
0x2d0: {  	v10 =	vmax.f32 v10, $0.0e+00;
	v3 =	vadd.f32 v7, v3;
	v7 =	vld [tilespmem:s19+$0x70];
	s19 =	smov.u32 s11  }
0x2d1: {  	v14 =	vadd.f32 v14, v15;
	[tilespmem:s10+$0xD0] =	vst v10;
	v10 =	vld [tilespmem:s10+$0xE0]  }
0x2d2: {  	v15 =	vld [tilespmem:s11+$0xE0];
	v16 =	vmax.f32 v3, $0.0e+00;
	v11 =	vadd.f32 v11, v2  }
0x2d3: {  	v3 =	vld [tilespmem:s10+$0xFFFFFF70];
	v2 =	vmax.f32 v14, $0.0e+00;
	v13 =	vadd.f32 v13, v8;
	[tilespmem:s23+$0xFFFFFF70] =	vst v16  }
0x2d4: {  	v9 =	vadd.f32 v12, v9;
	[tilespmem:s10+$0xFFFFFFD0] =	vst v2;
	v2 =	vld [tilespmem:s10+$0xFFFFFFF0];
	v11 =	vmax.f32 v11, $0.0e+00  }
.Ltmp4:
0x2d5: {  	v8 =	vld [tilespmem:s11+$0xFFFFFFE0];
	v12 =	vmax.f32 v13, $0.0e+00;
	[tilespmem:s23+$0xFFFFFFF0] =	vst v11;
	v7 =	vadd.f32 v7, v1;
	(pc) =	sbr.rel @p2 .LBB2_11-.Ltmp4, $4  }
0x2d6: {  	v9 =	vmax.f32 v9, $0.0e+00;
	[tilespmem:s10+$0x50] =	vst v12;
	v1 =	vld [tilespmem:s10+$0x70]  }
0x2d7: {  	[tilespmem:s10+$0xFFFFFF50] =	vst v9;
	v9 =	vld [tilespmem:s11+$0x60];
	v11 =	vadd.f32 v15, v10;
	v7 =	vmax.f32 v7, $0.0e+00  }
0x2d8: {  	v10 =	vld [tilespmem:s11+$0xFFFFFF60];
	[tilespmem:s23+$0x70] =	vst v7;
	s23 =	smov.u32 s10  }
0x2d9: {  	s10 =	sadd.s32 $0x200, s10;
	v11 =	vmax.f32 v11, $0.0e+00;
	v7 =	vld [tilespmem:s23+$0xF0]  }
0x2da: {  	_ = 	snop  }
0x2db: {  	v5 =	vadd.f32 v8, v5  }
0x2dc: {  	v6 =	vadd.f32 v9, v6  }
0x2dd: {  	[tilespmem:s23+$0xE0] =	vst v11;
	v5 =	vmax.f32 v5, $0.0e+00;
	v4 =	vadd.f32 v10, v4  }
0x2de: {  	v58 =	vld [tilespmem:s19+$0xF0];
	[tilespmem:s23+$0xFFFFFFE0] =	vst v5;
	v59 =	vmax.f32 v6, $0.0e+00  }
0x2df: {  	v61 =	vld [tilespmem:s19+$0xFFFFFFF0];
	v4 =	vmax.f32 v4, $0.0e+00;
	[tilespmem:s23+$0x60] =	vst v59  }
0x2e0: {  	[tilespmem:s23+$0xFFFFFF60] =	vst v4;
	v62 =	vld [tilespmem:s19+$0x70]  }
0x2e1: {  	v60 =	vld [tilespmem:s19+$0xFFFFFF70];
	_ =	sdelay $0x1  }
0x2e2: {  	v7 =	vadd.f32 v58, v7  }
0x2e3: {  	v2 =	vadd.f32 v61, v2  }
0x2e4: {  	v63 =	vmax.f32 v7, $0.0e+00;
	v1 =	vadd.f32 v62, v1  }
0x2e5: {  	[tilespmem:s23+$0xF0] =	vst v63;
	v2 =	vmax.f32 v2, $0.0e+00;
	v3 =	vadd.f32 v60, v3  }
0x2e6: {  	[tilespmem:s23+$0xFFFFFFF0] =	vst v2;
	v1 =	vmax.f32 v1, $0.0e+00  }
0x2e7: {  	v3 =	vmax.f32 v3, $0.0e+00;
	[tilespmem:s23+$0x70] =	vst v1  }
0x2e8: {  	[tilespmem:s23+$0xFFFFFF70] =	vst v3  }
0x2e9: {  	[spmem:s2] =	stream.indirect.scatter.add.f32 [tilespmem:s12], [sflag:$0x6], $0x80, s29, s8, $0xb8;
	[tilespmem:$0x1DC80] =	vst v63  }
0x2ea: {  	_ =	swait.ge [sflag:s21], $0x2800  }
0x2eb: {  	[sflag:s21] =	ssyncset.done $0x0  }
0x2ec: {  	[sflag:s21] =	ssyncadd.s32 $0xFFFFD800  }
0x2ed: {  	_ =	swait.ge [sflag:s0], $0x100  }
0x2ee: {  	[sflag:s0] =	ssyncset.done $0x0  }
0x2ef: {  	[sflag:s0] =	ssyncadd.s32 $0xFFFFFF00  }
0x2f0: {  	[tilespmem:s3], [sflag:$0x1] =	stream.indirect.gather [hbm4b:s4+s8], $0x80, s30, s8, $0xb8;
	[tilespmem:$0x1DC80] =	vst v63  }
.Ltmp5:
0x2f1: {  	_ = 	snop;
	(pc) =	sbr.rel @p1 .LBB2_14-.Ltmp5, $4  }
0x2f2: {  	[tilespmem:s28], [sflag:$0x2] =	stream.indirect.gather [hbm4b:s1+s8], $0x80, s9, s8, $0xb8;
	[tilespmem:$0x1DC80] =	vst v63  }
0x2f3: {  	_ =	swait.ge [sflag:s26], $0x2800  }
0x2f4: {  	[sflag:s26] =	ssyncset.done $0x0  }
0x2f5: {  	[sflag:s26] =	ssyncadd.s32 $0xFFFFD800  }
0x2f6: {  	_ =	swait.ge [sflag:s5], $0x100  }
0x2f7: {  	s10 =	simm.s32 $0xA200;
	[sflag:s5] =	ssyncset.done $0x0  }
0x2f8: {  	s11 =	simm.s32 $0x5000;
	s20 =	rddreg [dreg:$0x13];
	[sflag:s5] =	ssyncadd.s32 $0xFFFFFF00  }
0x2f9: {  	[tilespmem:s11], [sflag:$0x3] =	stream.indirect.gather [hbm4b:s4+s8], $0x80, s10, s8, $0xb8;
	[tilespmem:$0x1DC80] =	vst v63  }
0x2fa: {  	s10 =	sadd.s32 s22, s20  }
0x2fb: {  	s19 =	simm.s32 $0xA280;
	s10 =	sshll.u32 s10, $0x5  }
0x2fc: {  	[tilespmem:s12], [sflag:$0x4] =	stream.indirect.gather [hbm4b:s1+s8], $0x80, s19, s8, $0xb8;
	[tilespmem:$0x1DC80] =	vst v63  }
0x2fd: {  	s10 =	sand.u32 $0x1FFFFFE0, s10  }
0x2fe: {  	s23 =	rddreg [dreg:$0x14];
	s10 =	sadd.s32 s6, s10  }
0x2ff: {  	[tilespmem:s13], [sflag:$0x8] =	stream.linear.gather [hbm4b:s10+s3], $0x100, $0x38;
	[tilespmem:$0x1DC80] =	vst v63  }
.Ltmp6:
0x300: {  	s10 =	sadd.s32 s22, s23;
	(pc) =	sbr.rel .LBB2_4-.Ltmp6, $4  }
0x301: {  	s10 =	sshll.u32 s10, $0x5  }
0x302: {  	s10 =	sand.u32 $0x1FFFFFE0, s10  }
0x303: {  	s31 =	sadd.s32 $0x1, s31;
	s10 =	sadd.s32 s6, s10  }
0x304: {  	[tilespmem:s14], [sflag:$0xA] =	stream.linear.gather [hbm4b:s10+s3], $0x100, $0x38;
	[tilespmem:$0x1DC80] =	vst v63  }
.LBB2_14:
0x305: {  	_ =	swait.ge [sflag:s15], $0x2800  }
0x306: {  	[sflag:s15] =	ssyncset.done $0x0  }
0x307: {  	[sflag:s15] =	ssyncadd.s32 $0xFFFFD800  }
0x308: {  	_ =	swait.ge [sflag:s16], $0x2800  }
0x309: {  	[sflag:s16] =	ssyncset.done $0x0  }
0x30a: {  	s22 =	simm.s32 $0x2900;
	[sflag:s16] =	ssyncadd.s32 $0xFFFFD800  }
0x30b: {  	s19 =	simm.s32 $0x100;
	v1 =	vld [tilespmem:s22+$0x80]  }
0x30c: {  	v2 =	vld [tilespmem:s19+$0x80]  }
0x30d: {  	v3 =	vld [tilespmem:s19+$0xFFFFFF00]  }
0x30e: {  	v4 =	vld [tilespmem:s22+$0xFFFFFF80]  }
0x30f: {  	v5 =	vld [tilespmem:s19+$0xFFFFFF80]  }
0x310: {  	v6 =	vld [tilespmem:s19+$0x0]  }
0x311: {  	v1 =	vadd.f32 v2, v1;
	v2 =	vld [tilespmem:s22+$0x0]  }
0x312: {  	v7 =	vld [tilespmem:s22+$0xFFFFFF00]  }
0x313: {  	v1 =	vmax.f32 v1, $0.0e+00  }
0x314: {  	v4 =	vadd.f32 v5, v4;
	[tilespmem:s22+$0x80] =	vst v1;
	v1 =	vld [tilespmem:s22+$0x90]  }
0x315: {  	v8 =	vld [tilespmem:s19+$0x90]  }
0x316: {  	v9 =	vld [tilespmem:s22+$0xFFFFFF90];
	v4 =	vmax.f32 v4, $0.0e+00;
	v2 =	vadd.f32 v6, v2  }
0x317: {  	v5 =	vld [tilespmem:s22+$0xFFFFFF10];
	v3 =	vadd.f32 v3, v7;
	[tilespmem:s22+$0xFFFFFF80] =	vst v4  }
0x318: {  	v6 =	vld [tilespmem:s19+$0xFFFFFF90];
	v2 =	vmax.f32 v2, $0.0e+00  }
0x319: {  	v3 =	vmax.f32 v3, $0.0e+00;
	v4 =	vld [tilespmem:s22+$0x10];
	[tilespmem:s22+$0x0] =	vst v2  }
0x31a: {  	[tilespmem:s22+$0xFFFFFF00] =	vst v3;
	v1 =	vadd.f32 v8, v1;
	v2 =	vld [tilespmem:s19+$0x10]  }
0x31b: {  	v3 =	vld [tilespmem:s19+$0xFFFFFF10]  }
0x31c: {  	v1 =	vmax.f32 v1, $0.0e+00  }
0x31d: {  	v6 =	vadd.f32 v6, v9;
	[tilespmem:s22+$0x90] =	vst v1;
	v1 =	vld [tilespmem:s22+$0xA0]  }
0x31e: {  	v8 =	vld [tilespmem:s19+$0xA0]  }
0x31f: {  	v7 =	vld [tilespmem:s22+$0xFFFFFF20];
	v6 =	vmax.f32 v6, $0.0e+00;
	v2 =	vadd.f32 v2, v4  }
0x320: {  	v3 =	vadd.f32 v3, v5;
	v9 =	vld [tilespmem:s22+$0xFFFFFFA0];
	[tilespmem:s22+$0xFFFFFF90] =	vst v6  }
0x321: {  	v5 =	vld [tilespmem:s19+$0xFFFFFFA0];
	v2 =	vmax.f32 v2, $0.0e+00  }
0x322: {  	v3 =	vmax.f32 v3, $0.0e+00;
	v4 =	vld [tilespmem:s22+$0x20];
	[tilespmem:s22+$0x10] =	vst v2  }
0x323: {  	[tilespmem:s22+$0xFFFFFF10] =	vst v3;
	v1 =	vadd.f32 v8, v1;
	v2 =	vld [tilespmem:s19+$0x20]  }
0x324: {  	v3 =	vld [tilespmem:s19+$0xFFFFFF20]  }
0x325: {  	v1 =	vmax.f32 v1, $0.0e+00  }
0x326: {  	v5 =	vadd.f32 v5, v9;
	[tilespmem:s22+$0xA0] =	vst v1;
	v1 =	vld [tilespmem:s22+$0xB0]  }
0x327: {  	v8 =	vld [tilespmem:s19+$0xB0]  }
0x328: {  	v10 =	vld [tilespmem:s22+$0x30];
	v5 =	vmax.f32 v5, $0.0e+00;
	v2 =	vadd.f32 v2, v4  }
0x329: {  	v3 =	vadd.f32 v3, v7;
	v9 =	vld [tilespmem:s22+$0xFFFFFFB0];
	[tilespmem:s22+$0xFFFFFFA0] =	vst v5  }
0x32a: {  	v4 =	vld [tilespmem:s19+$0xFFFFFFB0];
	v2 =	vmax.f32 v2, $0.0e+00  }
0x32b: {  	v6 =	vld [tilespmem:s22+$0xFFFFFF30];
	[tilespmem:s22+$0x20] =	vst v2;
	v2 =	vmax.f32 v3, $0.0e+00  }
0x32c: {  	v1 =	vadd.f32 v8, v1;
	[tilespmem:s22+$0xFFFFFF20] =	vst v2;
	v2 =	vld [tilespmem:s19+$0x30]  }
0x32d: {  	v7 =	vld [tilespmem:s19+$0xFFFFFF30]  }
0x32e: {  	v11 =	vld [tilespmem:s22+$0xFFFFFF40];
	v1 =	vmax.f32 v1, $0.0e+00  }
0x32f: {  	v4 =	vadd.f32 v4, v9;
	[tilespmem:s22+$0xB0] =	vst v1;
	v1 =	vld [tilespmem:s22+$0xC0]  }
0x330: {  	v8 =	vld [tilespmem:s19+$0xC0]  }
0x331: {  	v12 =	vld [tilespmem:s22+$0xFFFFFFD0];
	v4 =	vmax.f32 v4, $0.0e+00;
	v2 =	vadd.f32 v2, v10  }
0x332: {  	v5 =	vld [tilespmem:s22+$0xFFFFFFC0];
	[tilespmem:s22+$0xFFFFFFB0] =	vst v4;
	v6 =	vadd.f32 v7, v6  }
0x333: {  	v7 =	vld [tilespmem:s19+$0xFFFFFFC0];
	v2 =	vmax.f32 v2, $0.0e+00  }
0x334: {  	v3 =	vld [tilespmem:s22+$0x40];
	[tilespmem:s22+$0x30] =	vst v2;
	v2 =	vmax.f32 v6, $0.0e+00  }
0x335: {  	v1 =	vadd.f32 v8, v1;
	v6 =	vld [tilespmem:s19+$0x40];
	[tilespmem:s22+$0xFFFFFF30] =	vst v2  }
0x336: {  	v2 =	vld [tilespmem:s19+$0xFFFFFF40]  }
0x337: {  	v9 =	vld [tilespmem:s22+$0xFFFFFF50];
	v1 =	vmax.f32 v1, $0.0e+00  }
0x338: {  	[tilespmem:s22+$0xC0] =	vst v1;
	v1 =	vadd.f32 v7, v5;
	v7 =	vld [tilespmem:s22+$0xD0]  }
0x339: {  	v8 =	vld [tilespmem:s19+$0xD0]  }
0x33a: {  	v4 =	vld [tilespmem:s22+$0xFFFFFF60];
	v1 =	vmax.f32 v1, $0.0e+00;
	v3 =	vadd.f32 v6, v3  }
0x33b: {  	v10 =	vld [tilespmem:s22+$0x50];
	[tilespmem:s22+$0xFFFFFFC0] =	vst v1;
	v1 =	vadd.f32 v2, v11  }
0x33c: {  	v2 =	vld [tilespmem:s19+$0xFFFFFFD0];
	v3 =	vmax.f32 v3, $0.0e+00  }
0x33d: {  	v5 =	vld [tilespmem:s22+$0xFFFFFFE0];
	[tilespmem:s22+$0x40] =	vst v3;
	v1 =	vmax.f32 v1, $0.0e+00  }
0x33e: {  	v3 =	vld [tilespmem:s19+$0x50];
	v7 =	vadd.f32 v8, v7;
	[tilespmem:s22+$0xFFFFFF40] =	vst v1  }
0x33f: {  	v1 =	vld [tilespmem:s19+$0xFFFFFF50]  }
0x340: {  	v6 =	vld [tilespmem:s22+$0x60];
	v7 =	vmax.f32 v7, $0.0e+00  }
0x341: {  	v2 =	vadd.f32 v2, v12;
	[tilespmem:s22+$0xD0] =	vst v7;
	v7 =	vld [tilespmem:s22+$0xE0]  }
0x342: {  	v11 =	vld [tilespmem:s19+$0xE0]  }
0x343: {  	v2 =	vmax.f32 v2, $0.0e+00;
	v8 =	vadd.f32 v3, v10;
	v3 =	vld [tilespmem:s22+$0xFFFFFF70]  }
0x344: {  	[tilespmem:s22+$0xFFFFFFD0] =	vst v2;
	v1 =	vadd.f32 v1, v9;
	v2 =	vld [tilespmem:s22+$0xFFFFFFF0]  }
0x345: {  	v9 =	vmax.f32 v8, $0.0e+00;
	v8 =	vld [tilespmem:s19+$0xFFFFFFE0]  }
0x346: {  	[tilespmem:s22+$0x50] =	vst v9;
	v9 =	vmax.f32 v1, $0.0e+00;
	v1 =	vld [tilespmem:s22+$0x70]  }
0x347: {  	[tilespmem:s22+$0xFFFFFF50] =	vst v9;
	v9 =	vld [tilespmem:s19+$0x60];
	v7 =	vadd.f32 v11, v7  }
0x348: {  	v10 =	vld [tilespmem:s19+$0xFFFFFF60]  }
0x349: {  	s20 =	simm.s32 $0x0;
	s10 =	simm.s32 $0x2B00;
	s11 =	simm.s32 $0x100;
	v11 =	vmax.f32 v7, $0.0e+00;
	v7 =	vld [tilespmem:s22+$0xF0]  }
.LBB2_15:
0x34a: {  	v12 =	vld [tilespmem:s10+$0x80];
	v5 =	vadd.f32 v8, v5;
	[tilespmem:s22+$0xE0] =	vst v11  }
0x34b: {  	s11 =	sadd.s32 $0x200, s11;
	v8 =	vld [tilespmem:s19+$0xF0]  }
0x34c: {  	s20 =	sadd.s32 $0x4, s20;
	v11 =	vld [tilespmem:s11+$0x80];
	v5 =	vmax.f32 v5, $0.0e+00;
	v6 =	vadd.f32 v9, v6  }
0x34d: {  	p1 =	slt.u32 s20, $0x4C;
	v9 =	vld [tilespmem:s11+$0xFFFFFF00];
	v4 =	vadd.f32 v10, v4;
	[tilespmem:s22+$0xFFFFFFE0] =	vst v5  }
0x34e: {  	v5 =	vld [tilespmem:s10+$0xFFFFFF80];
	v6 =	vmax.f32 v6, $0.0e+00  }
0x34f: {  	v10 =	vld [tilespmem:s11+$0xFFFFFF80];
	v4 =	vmax.f32 v4, $0.0e+00;
	[tilespmem:s22+$0x60] =	vst v6  }
0x350: {  	v6 =	vld [tilespmem:s10+$0x0];
	[tilespmem:s22+$0xFFFFFF60] =	vst v4;
	v4 =	vadd.f32 v8, v7  }
0x351: {  	v7 =	vld [tilespmem:s11+$0x0];
	v8 =	vadd.f32 v11, v12  }
0x352: {  	v11 =	vld [tilespmem:s10+$0xFFFFFF00];
	v4 =	vmax.f32 v4, $0.0e+00  }
0x353: {  	v12 =	vld [tilespmem:s10+$0xFFFFFF10];
	v8 =	vmax.f32 v8, $0.0e+00;
	[tilespmem:s22+$0xF0] =	vst v4  }
0x354: {  	v4 =	vadd.f32 v10, v5;
	[tilespmem:s10+$0x80] =	vst v8;
	v5 =	vld [tilespmem:s10+$0x90]  }
0x355: {  	v8 =	vld [tilespmem:s11+$0x90]  }
0x356: {  	v4 =	vmax.f32 v4, $0.0e+00;
	v10 =	vld [tilespmem:s10+$0xFFFFFF90];
	v6 =	vadd.f32 v7, v6  }
0x357: {  	v7 =	vadd.f32 v9, v11;
	[tilespmem:s10+$0xFFFFFF80] =	vst v4;
	v4 =	vld [tilespmem:s10+$0x10]  }
0x358: {  	v9 =	vld [tilespmem:s11+$0xFFFFFF90];
	v6 =	vmax.f32 v6, $0.0e+00  }
0x359: {  	v7 =	vmax.f32 v7, $0.0e+00;
	v11 =	vld [tilespmem:s10+$0xFFFFFF20];
	[tilespmem:s10+$0x0] =	vst v6  }
0x35a: {  	[tilespmem:s10+$0xFFFFFF00] =	vst v7;
	v6 =	vld [tilespmem:s11+$0x10];
	v5 =	vadd.f32 v8, v5  }
0x35b: {  	v7 =	vld [tilespmem:s11+$0xFFFFFF10]  }
0x35c: {  	v8 =	vld [tilespmem:s10+$0xFFFFFFA0];
	v5 =	vmax.f32 v5, $0.0e+00  }
0x35d: {  	v9 =	vadd.f32 v9, v10;
	[tilespmem:s10+$0x90] =	vst v5;
	v5 =	vld [tilespmem:s10+$0xA0]  }
0x35e: {  	v10 =	vld [tilespmem:s11+$0xA0]  }
0x35f: {  	v9 =	vmax.f32 v9, $0.0e+00;
	v4 =	vadd.f32 v6, v4;
	v6 =	vld [tilespmem:s10+$0x20]  }
0x360: {  	v7 =	vadd.f32 v7, v12;
	v12 =	vld [tilespmem:s10+$0xFFFFFF30];
	[tilespmem:s10+$0xFFFFFF90] =	vst v9  }
0x361: {  	v9 =	vld [tilespmem:s11+$0xFFFFFFA0];
	v4 =	vmax.f32 v4, $0.0e+00  }
0x362: {  	v7 =	vmax.f32 v7, $0.0e+00;
	v13 =	vld [tilespmem:s10+$0xFFFFFFB0];
	[tilespmem:s10+$0x10] =	vst v4  }
0x363: {  	[tilespmem:s10+$0xFFFFFF10] =	vst v7;
	v4 =	vld [tilespmem:s11+$0x20];
	v5 =	vadd.f32 v10, v5  }
0x364: {  	v7 =	vld [tilespmem:s11+$0xFFFFFF20]  }
0x365: {  	v10 =	vld [tilespmem:s10+$0x30];
	v5 =	vmax.f32 v5, $0.0e+00  }
0x366: {  	v8 =	vadd.f32 v9, v8;
	[tilespmem:s10+$0xA0] =	vst v5;
	v5 =	vld [tilespmem:s10+$0xB0]  }
0x367: {  	v9 =	vld [tilespmem:s11+$0xB0]  }
0x368: {  	v14 =	vld [tilespmem:s10+$0xFFFFFF40];
	v8 =	vmax.f32 v8, $0.0e+00;
	v4 =	vadd.f32 v4, v6  }
0x369: {  	v6 =	vadd.f32 v7, v11;
	[tilespmem:s10+$0xFFFFFFA0] =	vst v8;
	v7 =	vld [tilespmem:s10+$0xFFFFFFC0]  }
0x36a: {  	v8 =	vld [tilespmem:s11+$0xFFFFFFB0];
	v4 =	vmax.f32 v4, $0.0e+00  }
0x36b: {  	v6 =	vmax.f32 v6, $0.0e+00;
	[tilespmem:s10+$0x20] =	vst v4;
	v11 =	vld [tilespmem:s10+$0x40]  }
0x36c: {  	[tilespmem:s10+$0xFFFFFF20] =	vst v6;
	v4 =	vld [tilespmem:s11+$0x30];
	v5 =	vadd.f32 v9, v5  }
0x36d: {  	v6 =	vld [tilespmem:s11+$0xFFFFFF30]  }
0x36e: {  	v9 =	vld [tilespmem:s10+$0xFFFFFF50];
	v5 =	vmax.f32 v5, $0.0e+00  }
0x36f: {  	v8 =	vadd.f32 v8, v13;
	[tilespmem:s10+$0xB0] =	vst v5;
	v5 =	vld [tilespmem:s10+$0xC0]  }
0x370: {  	v13 =	vld [tilespmem:s11+$0xC0]  }
0x371: {  	v8 =	vmax.f32 v8, $0.0e+00;
	v15 =	vld [tilespmem:s10+$0xFFFFFFD0];
	v4 =	vadd.f32 v4, v10  }
0x372: {  	v6 =	vadd.f32 v6, v12;
	[tilespmem:s10+$0xFFFFFFB0] =	vst v8;
	v8 =	vld [tilespmem:s10+$0x50]  }
0x373: {  	v10 =	vld [tilespmem:s11+$0xFFFFFFC0];
	v12 =	vmax.f32 v4, $0.0e+00  }
0x374: {  	v6 =	vmax.f32 v6, $0.0e+00;
	v4 =	vld [tilespmem:s10+$0xFFFFFF60];
	[tilespmem:s10+$0x30] =	vst v12  }
0x375: {  	[tilespmem:s10+$0xFFFFFF30] =	vst v6;
	v6 =	vld [tilespmem:s11+$0x40];
	v12 =	vadd.f32 v13, v5  }
0x376: {  	v13 =	vld [tilespmem:s11+$0xFFFFFF40]  }
0x377: {  	v5 =	vld [tilespmem:s10+$0xFFFFFFE0];
	v12 =	vmax.f32 v12, $0.0e+00  }
0x378: {  	v7 =	vadd.f32 v10, v7;
	[tilespmem:s10+$0xC0] =	vst v12;
	v10 =	vld [tilespmem:s10+$0xD0]  }
0x379: {  	v12 =	vld [tilespmem:s11+$0xD0]  }
0x37a: {  	v7 =	vmax.f32 v7, $0.0e+00;
	v11 =	vadd.f32 v6, v11;
	v6 =	vld [tilespmem:s10+$0x60]  }
0x37b: {  	v13 =	vadd.f32 v13, v14;
	[tilespmem:s10+$0xFFFFFFC0] =	vst v7;
	v7 =	vld [tilespmem:s19+$0xFFFFFF70]  }
0x37c: {  	v14 =	vld [tilespmem:s11+$0xFFFFFFD0];
	v11 =	vmax.f32 v11, $0.0e+00  }
0x37d: {  	v13 =	vmax.f32 v13, $0.0e+00;
	[tilespmem:s10+$0x40] =	vst v11;
	v11 =	vld [tilespmem:s19+$0xFFFFFFF0]  }
0x37e: {  	[tilespmem:s10+$0xFFFFFF40] =	vst v13;
	v13 =	vld [tilespmem:s11+$0x50];
	v10 =	vadd.f32 v12, v10  }
0x37f: {  	v12 =	vld [tilespmem:s11+$0xFFFFFF50]  }
0x380: {  	v10 =	vmax.f32 v10, $0.0e+00;
	v3 =	vadd.f32 v7, v3;
	v7 =	vld [tilespmem:s19+$0x70];
	s19 =	smov.u32 s11  }
0x381: {  	v14 =	vadd.f32 v14, v15;
	[tilespmem:s10+$0xD0] =	vst v10;
	v10 =	vld [tilespmem:s10+$0xE0]  }
0x382: {  	v15 =	vld [tilespmem:s11+$0xE0];
	v16 =	vmax.f32 v3, $0.0e+00;
	v11 =	vadd.f32 v11, v2  }
0x383: {  	v3 =	vld [tilespmem:s10+$0xFFFFFF70];
	v2 =	vmax.f32 v14, $0.0e+00;
	v13 =	vadd.f32 v13, v8;
	[tilespmem:s22+$0xFFFFFF70] =	vst v16  }
0x384: {  	v9 =	vadd.f32 v12, v9;
	[tilespmem:s10+$0xFFFFFFD0] =	vst v2;
	v2 =	vld [tilespmem:s10+$0xFFFFFFF0];
	v11 =	vmax.f32 v11, $0.0e+00  }
.Ltmp7:
0x385: {  	v8 =	vld [tilespmem:s11+$0xFFFFFFE0];
	v12 =	vmax.f32 v13, $0.0e+00;
	[tilespmem:s22+$0xFFFFFFF0] =	vst v11;
	v7 =	vadd.f32 v7, v1;
	(pc) =	sbr.rel @p1 .LBB2_15-.Ltmp7, $4  }
0x386: {  	v9 =	vmax.f32 v9, $0.0e+00;
	[tilespmem:s10+$0x50] =	vst v12;
	v1 =	vld [tilespmem:s10+$0x70]  }
0x387: {  	[tilespmem:s10+$0xFFFFFF50] =	vst v9;
	v9 =	vld [tilespmem:s11+$0x60];
	v11 =	vadd.f32 v15, v10;
	v7 =	vmax.f32 v7, $0.0e+00  }
0x388: {  	v10 =	vld [tilespmem:s11+$0xFFFFFF60];
	[tilespmem:s22+$0x70] =	vst v7;
	s22 =	smov.u32 s10  }
0x389: {  	s10 =	sadd.s32 $0x200, s10;
	v11 =	vmax.f32 v11, $0.0e+00;
	v7 =	vld [tilespmem:s22+$0xF0]  }
0x38a: {  	_ = 	snop  }
0x38b: {  	v5 =	vadd.f32 v8, v5  }
0x38c: {  	v6 =	vadd.f32 v9, v6  }
0x38d: {  	[tilespmem:s22+$0xE0] =	vst v11;
	v5 =	vmax.f32 v5, $0.0e+00;
	v4 =	vadd.f32 v10, v4  }
0x38e: {  	v58 =	vld [tilespmem:s19+$0xF0];
	[tilespmem:s22+$0xFFFFFFE0] =	vst v5;
	v59 =	vmax.f32 v6, $0.0e+00  }
0x38f: {  	v61 =	vld [tilespmem:s19+$0xFFFFFFF0];
	v4 =	vmax.f32 v4, $0.0e+00;
	[tilespmem:s22+$0x60] =	vst v59  }
0x390: {  	[tilespmem:s22+$0xFFFFFF60] =	vst v4;
	v62 =	vld [tilespmem:s19+$0x70]  }
0x391: {  	v60 =	vld [tilespmem:s19+$0xFFFFFF70];
	_ =	sdelay $0x1  }
0x392: {  	v7 =	vadd.f32 v58, v7  }
0x393: {  	v2 =	vadd.f32 v61, v2  }
0x394: {  	v63 =	vmax.f32 v7, $0.0e+00;
	v1 =	vadd.f32 v62, v1  }
0x395: {  	[tilespmem:s22+$0xF0] =	vst v63;
	v2 =	vmax.f32 v2, $0.0e+00;
	v3 =	vadd.f32 v60, v3  }
0x396: {  	[tilespmem:s22+$0xFFFFFFF0] =	vst v2;
	v1 =	vmax.f32 v1, $0.0e+00  }
0x397: {  	v3 =	vmax.f32 v3, $0.0e+00;
	[tilespmem:s22+$0x70] =	vst v1  }
0x398: {  	[tilespmem:s22+$0xFFFFFF70] =	vst v3  }
0x399: {  	[spmem:s2] =	stream.indirect.scatter.add.f32 [tilespmem:s28], [sflag:$0x5], $0x80, s9, s8, $0xb8;
	[tilespmem:$0x1DC80] =	vst v63  }
0x39a: {  	_ =	swait.ge [sflag:s21], $0x2800  }
0x39b: {  	[sflag:s21] =	ssyncset.done $0x0  }
0x39c: {  	[sflag:s21] =	ssyncadd.s32 $0xFFFFD800  }
0x39d: {  	s10 =	stileid.u32;
	[bflag:$0x0] =	sbarrier.arrive $0xFFFF  }
0x39e: {  	s23 =	simm.s32 $0xB;
	s10 =	sshll.u32 s10, $0x6;
	s19 =	rddreg [dreg:$0x4]  }
0x39f: {  	s10 =	sor.u32 $0x1C0B, s10;
	s20 =	rddreg [dreg:$0x12];
	s11 =	sshrl.u32 s19, $0x3  }
0x3a0: {  	[hbm:s20], [sflag:s10] =	dma.local [spmem:s11], $0x2700  }
0x3a1: {  	_ =	swait.ge [sflag:s23], $0x2700  }
0x3a2: {  	[sflag:s23] =	ssyncset.done $0x0;
	s22 =	rddreg [dreg:$0x17]  }
0x3a3: {  	s20 =	rddreg [dreg:$0x15];
	[sflag:s23] =	ssyncadd.s32 $0xFFFFD900;
	s11 =	sshrl.u32 @!p0 s22, $0x3  }
0x3a4: {  	[hbm:s20], [sflag:s10] =	dma.local @!p0 [spmem:s11], $0x100  }
0x3a5: {  	s10 =	simm.s32 @!p0 $0xB  }
0x3a6: {  	_ =	swait.ge @!p0 [sflag:s10], $0x100  }
0x3a7: {  	s11 =	rddreg [dreg:$0x18]  }
0x3a8: {  	s31 =	rddreg [dreg:$0x16];
	s20 =	sadd.s32 $0x1, s11  }
0x3a9: {  	p1 =	sne.s32 s20, s31  }
.Ltmp8:
0x3aa: {  	_ = 	snop;
	(pc) =	sbr.rel @p1 .LBB2_1-.Ltmp8, $3  }
0x3ab: {  	_ =	sdelay $0x1  }
0x3ac: {  	[sflag:s10] =	ssyncset.done @!p0 $0x0  }
0x3ad: {  	[sflag:s10] =	ssyncadd.s32 @!p0 $0xFFFFFF00  }
0x3ae: {  	_ =	sfence.sel $0x180000  }
0x3af: {  	[bflag:$0x0] =	sbarrier.arrive $0xFFFF  }
0x3b0: {  	_ =	strace $0x90000047  }
0x3b1: {  	[bflag:$0x2] =	sbarrier.arrive $0xFFFF  }
0x3b2: {  	s0 =	rddreg [dreg:$0x3]  }
0x3b3: {  	s0 =	sadd.s32 @!p0 $0x100000, s0  }
0x3b4: {  	[sflag:s0] =	ssyncadd.tile.s32 @!p0 $0x1;
	_ =	shalt  }
.Lfunc_end2:
_tile_overlayer_lowered:
.L_overlay_start_2:
0x3b5: {  	(tag) =	ssettag $0x2  }
0x3b6: {  	s0 =	rddreg [dreg:$0x0];
	s2 =	stileid.u32  }
0x3b7: {  	s1 =	rddreg [dreg:$0x1];
	p0 =	sne.s32 s2, $0x0  }
0x3b8: {  	s3 =	rddreg [dreg:$0x2];
	[bflag:$0x3] =	sbarrier.arrive $0xFFFF;
	s2 =	simm.s32 @!p0 $0x1C0B  }
0x3b9: {  	[timem:s3], [sflag:s2] =	dma.local @!p0 [hbm:s0], s1  }
0x3ba: {  	s0 =	simm.s32 @!p0 $0xB  }
0x3bb: {  	_ =	swait.ge @!p0 [sflag:s0], s1  }
0x3bc: {  	s1 =	ssub.s32 @!p0 $0x0, s1;
	[sflag:s0] =	ssyncset.done @!p0 $0x0  }
0x3bd: {  	[sflag:s0] =	ssyncadd.s32 @!p0 s1  }
0x3be: {  	[bflag:$0x3] =	sbarrier.arrive $0xFFFF  }
0x3bf: {  	_ =	shalt  }

</sc_bundles>
